<compile_context>
chip_gen: v7x
topology: tpu7x:2x2x1
jax: 0.10.2.dev20260603
libtpu: 0.0.44.dev20260713+nightly
codegen_flags: <defaults>
</compile_context>

<pallas_src>
import functools

import jax
import jax.numpy as jnp
from jax import lax
from jax.experimental import pallas as pl
from jax.experimental.pallas import tpu as pltpu
from jax.experimental.pallas import tpu_sc as plsc

N = 10000
D = 256
H = 128
E = 160000

NC = 2
NS = 16

CH = 128
NCHUNK = E // CH
CPT_A = 80
CPT_B = NCHUNK - 15 * CPT_A
PH = 40

CPW_D = 40
CPW_D_LAST = 1250 - 31 * CPW_D

ROWS_A = 632
ROWS_B = N - 15 * ROWS_A

_mesh = plsc.VectorSubcoreMesh(core_axis_name="c", subcore_axis_name="s")


@functools.partial(
    pl.kernel,
    out_type=jax.ShapeDtypeStruct((NC, N), jnp.float32),
    mesh=_mesh,
    scratch_types=[
        pltpu.VMEM_SHARED((N,), jnp.float32),
        pltpu.VMEM((CH,), jnp.float32),
        pltpu.VMEM((CPW_D, CH), jnp.int32),
        pltpu.SemaphoreType.DMA,
    ],
)
def _deg_kernel(dst2d, zeros1, out, accd, ones_b, dbufd, semd):
    c = lax.axis_index("c")
    s = lax.axis_index("s")
    w = c * NS + s

    @pl.when(w < 31)
    def _():
        cs = pl.multiple_of(w * CPW_D, 8)
        pltpu.make_async_copy(dst2d.at[pl.ds(cs, CPW_D)], dbufd, semd).start()

    @pl.when(w == 31)
    def _():
        pltpu.make_async_copy(dst2d.at[pl.ds(31 * CPW_D, CPW_D_LAST)],
                              dbufd.at[pl.ds(0, CPW_D_LAST)], semd).start()

    @pl.when(s == 0)
    def _():
        pltpu.sync_copy(zeros1, accd)

    for j in range(CH // 16):
        ones_b[pl.ds(j * 16, 16)] = jnp.full((16,), 1.0, dtype=jnp.float32)

    plsc.subcore_barrier()

    @pl.when(w < 31)
    def _():
        cs = pl.multiple_of(w * CPW_D, 8)
        pltpu.make_async_copy(dst2d.at[pl.ds(cs, CPW_D)], dbufd, semd).wait()

    @pl.when(w == 31)
    def _():
        pltpu.make_async_copy(dst2d.at[pl.ds(31 * CPW_D, CPW_D_LAST)],
                              dbufd.at[pl.ds(0, CPW_D_LAST)], semd).wait()

    nw = jnp.where(w < 31, CPW_D, CPW_D_LAST)

    def fire(i, _):
        pltpu.async_copy(ones_b, accd.at[dbufd.at[i]], semd, add=True)
        return ()

    lax.fori_loop(0, nw, fire, ())

    def drain(i, _):
        pltpu.make_async_copy(ones_b, accd.at[dbufd.at[i]], semd).wait()
        return ()

    lax.fori_loop(0, nw, drain, ())

    plsc.subcore_barrier()

    @pl.when(s == 0)
    def _():
        pltpu.sync_copy(accd, out.at[c])


@functools.partial(
    pl.kernel,
    out_type=jax.ShapeDtypeStruct((NC, N, H), jnp.float32),
    mesh=_mesh,
    scratch_types=[
        pltpu.VMEM_SHARED((N, H), jnp.float32),
        pltpu.VMEM((PH, CH), jnp.int32),
        pltpu.VMEM((PH, CH), jnp.int32),
        pltpu.VMEM((2, CH, H), jnp.float32),
        pltpu.SemaphoreType.DMA,
        pltpu.SemaphoreType.DMA,
    ],
)
def _agg_kernel(hs, src2d, dst2d, zeros2, out, acc, sbuf, dbuf, gbuf,
                sem0, sem1):
    c = lax.axis_index("c")
    s = lax.axis_index("s")
    r0 = pl.multiple_of(s * ROWS_A, 8)

    def gather(i, slot, sem):
        return pltpu.make_async_copy(hs.at[c].at[sbuf.at[i]],
                                     gbuf.at[slot], sem)

    def stage0():
        cs = pl.multiple_of(jnp.where(s < 15, s * CPT_A, 15 * CPT_A), 8)
        return (pltpu.make_async_copy(src2d.at[pl.ds(cs, PH)], sbuf, sem0),
                pltpu.make_async_copy(dst2d.at[pl.ds(cs, PH)], dbuf, sem1))

    for cp in stage0():
        cp.start()

    @pl.when(s < 15)
    def _():
        pltpu.sync_copy(zeros2.at[pl.ds(r0, ROWS_A)],
                        acc.at[pl.ds(r0, ROWS_A)])

    @pl.when(s == 15)
    def _():
        pltpu.sync_copy(zeros2.at[pl.ds(15 * ROWS_A, ROWS_B)],
                        acc.at[pl.ds(15 * ROWS_A, ROWS_B)])

    plsc.subcore_barrier()
    for cp in stage0():
        cp.wait()

    for p in range(2):
        if p == 0:
            nch = PH
        else:
            @pl.when(s < 15)
            def _():
                cs = pl.multiple_of(s * CPT_A + PH, 8)
                pltpu.sync_copy(src2d.at[pl.ds(cs, PH)], sbuf)
                pltpu.sync_copy(dst2d.at[pl.ds(cs, PH)], dbuf)

            @pl.when(s == 15)
            def _():
                cs = 15 * CPT_A + PH
                nlast = CPT_B - PH
                pltpu.sync_copy(src2d.at[pl.ds(cs, nlast)],
                                sbuf.at[pl.ds(0, nlast)])
                pltpu.sync_copy(dst2d.at[pl.ds(cs, nlast)],
                                dbuf.at[pl.ds(0, nlast)])

            nch = jnp.where(s < 15, PH, CPT_B - PH)

        gather(0, 0, sem0).start()

        def body(i2, _):
            a = 2 * i2
            gather(a + 1, 1, sem1).start()
            gather(a, 0, sem0).wait()
            pltpu.sync_copy(gbuf.at[0], acc.at[dbuf.at[a]], add=True)

            @pl.when(a + 2 < nch)
            def _():
                gather(a + 2, 0, sem0).start()

            gather(a + 1, 1, sem1).wait()
            pltpu.sync_copy(gbuf.at[1], acc.at[dbuf.at[a + 1]], add=True)
            return ()

        lax.fori_loop(0, nch // 2, body, ())

    plsc.subcore_barrier()

    @pl.when(s < 15)
    def _():
        pltpu.sync_copy(acc.at[pl.ds(r0, ROWS_A)],
                        out.at[c].at[pl.ds(r0, ROWS_A)])

    @pl.when(s == 15)
    def _():
        pltpu.sync_copy(acc.at[pl.ds(15 * ROWS_A, ROWS_B)],
                        out.at[c].at[pl.ds(15 * ROWS_A, ROWS_B)])


RB = 400

def _dinv_block(dp):
    deg = dp[0, :, 0] + dp[1, :, 0] + 1.0
    return lax.rsqrt(deg)


def _mm1_body(dp_ref, x_ref, w_ref, o_ref):
    h = jnp.dot(x_ref[...], w_ref[...], preferred_element_type=jnp.float32)
    hs = h * _dinv_block(dp_ref[...])[:, None]
    o_ref[0] = hs[:, :H]
    o_ref[1] = hs[:, H:]


_mm1 = pl.pallas_call(
    _mm1_body,
    grid=(N // RB,),
    in_specs=[
        pl.BlockSpec((NC, RB, 1), lambda i: (0, i, 0)),
        pl.BlockSpec((RB, D), lambda i: (i, 0)),
        pl.BlockSpec((D, D), lambda i: (0, 0)),
    ],
    out_specs=pl.BlockSpec((NC, RB, H), lambda i: (0, i, 0)),
    out_shape=jax.ShapeDtypeStruct((NC, N, H), jnp.float32),
)


def _mid_body(dp_ref, agg_ref, hs_ref, b_ref, w_ref, o_ref):
    dinv = _dinv_block(dp_ref[...])
    pre = jnp.concatenate(
        [agg_ref[0] + hs_ref[0], agg_ref[1] + hs_ref[1]], axis=1)
    t = jnp.maximum(pre * dinv[:, None] + b_ref[...], 0.0)
    h2 = jnp.dot(t, w_ref[...], preferred_element_type=jnp.float32)
    hs2 = h2 * dinv[:, None]
    o_ref[0] = hs2[:, :H]
    o_ref[1] = hs2[:, H:]


_mid = pl.pallas_call(
    _mid_body,
    grid=(N // RB,),
    in_specs=[
        pl.BlockSpec((NC, RB, 1), lambda i: (0, i, 0)),
        pl.BlockSpec((NC, RB, H), lambda i: (0, i, 0)),
        pl.BlockSpec((NC, RB, H), lambda i: (0, i, 0)),
        pl.BlockSpec((1, D), lambda i: (0, 0)),
        pl.BlockSpec((D, D), lambda i: (0, 0)),
    ],
    out_specs=pl.BlockSpec((NC, RB, H), lambda i: (0, i, 0)),
    out_shape=jax.ShapeDtypeStruct((NC, N, H), jnp.float32),
)


def _fin_body(dp_ref, agg_ref, hs_ref, b_ref, o_ref):
    dinv = _dinv_block(dp_ref[...])
    pre = jnp.concatenate(
        [agg_ref[0] + hs_ref[0], agg_ref[1] + hs_ref[1]], axis=1)
    o_ref[...] = pre * dinv[:, None] + b_ref[...]


_fin = pl.pallas_call(
    _fin_body,
    grid=(N // RB,),
    in_specs=[
        pl.BlockSpec((NC, RB, 1), lambda i: (0, i, 0)),
        pl.BlockSpec((NC, RB, H), lambda i: (0, i, 0)),
        pl.BlockSpec((NC, RB, H), lambda i: (0, i, 0)),
        pl.BlockSpec((1, D), lambda i: (0, 0)),
    ],
    out_specs=pl.BlockSpec((RB, D), lambda i: (i, 0)),
    out_shape=jax.ShapeDtypeStruct((N, D), jnp.float32),
)


@jax.jit
def kernel(x, edge_idx, W1, b1, W2, b2):
    zeros1 = jnp.zeros((N,), jnp.float32)
    zeros2 = jnp.zeros((N, H), jnp.float32)
    src2d = edge_idx[0].reshape(NCHUNK, CH)
    dst2d = edge_idx[1].reshape(NCHUNK, CH)
    dp = _deg_kernel(dst2d, zeros1)
    dp3 = dp.reshape(NC, N, 1)
    hs1 = _mm1(dp3, x, W1)
    agg1 = _agg_kernel(hs1, src2d, dst2d, zeros2)
    hs2 = _mid(dp3, agg1, hs1, b1.reshape(1, D), W2)
    agg2 = _agg_kernel(hs2, src2d, dst2d, zeros2)
    return _fin(dp3, agg2, hs2, b2.reshape(1, D))

# --- scband reference (transcript-rebuilt; emitter-appended) ---
"""Pipeline reference for scband-gcn-82343112999413 (READ-ONLY COPY).

The authoritative reference and input builder live on the scoring server;
editing this copy changes nothing except your own understanding.
"""

import jax, jax.numpy as jnp
import numpy as np

N = 10000
D_IN = 256
D_HID = 256
D_OUT = 256
E = 160000


def setup_inputs(seed: int = 0) -> dict:
    key = jax.random.key(seed)
    ks = jax.random.split(key, 6)
    x = jax.random.normal(ks[0], (N, D_IN), dtype=jnp.float32)
    edge_idx = jax.random.randint(ks[1], (2, E), 0, N, dtype=jnp.int32)
    W1 = jax.random.normal(ks[2], (D_IN, D_HID), dtype=jnp.float32) * (1.0 / np.sqrt(D_IN))
    b1 = jnp.zeros((D_HID,), dtype=jnp.float32)
    W2 = jax.random.normal(ks[3], (D_HID, D_OUT), dtype=jnp.float32) * (1.0 / np.sqrt(D_HID))
    b2 = jnp.zeros((D_OUT,), dtype=jnp.float32)
    return {"x": x, "edge_idx": edge_idx, "W1": W1, "b1": b1, "W2": W2, "b2": b2}


def _gcn_conv(x, edge_idx, W, b):
    # PyG GCNConv with SparseTensor adj.t(): messages flow src=edge_idx[0] -> dst=edge_idx[1],
    # with added self-loops and symmetric D^{-1/2} (A+I) D^{-1/2} normalization.
    src = edge_idx[0]
    dst = edge_idx[1]
    loop = jnp.arange(N, dtype=edge_idx.dtype)
    src2 = jnp.concatenate([src, loop])
    dst2 = jnp.concatenate([dst, loop])
    deg = jax.ops.segment_sum(jnp.ones_like(dst2, dtype=jnp.float32), dst2, num_segments=N)
    deg_inv_sqrt = jax.lax.rsqrt(jnp.maximum(deg, 1e-12))
    norm = deg_inv_sqrt[dst2] * deg_inv_sqrt[src2]
    h = x @ W  # linear transform first (PyG GCNConv order)
    msgs = norm[:, None] * jnp.take(h, src2, axis=0)
    out = jax.ops.segment_sum(msgs, dst2, num_segments=N)
    return out + b


def reference(x, edge_idx, W1, b1, W2, b2):
    h = _gcn_conv(x, edge_idx, W1, b1)
    h = jax.nn.relu(h)
    out = _gcn_conv(h, edge_idx, W2, b2)
    return out

if __name__ == "__main__":
    import jax
    _d = setup_inputs()
    print(jax.jit(kernel)(*tuple(_d.values())))

</pallas_src>

<mosaic_0001>
#map = affine_map<(d0, d1) -> (0, 0, 0)>
#map1 = affine_map<(d0, d1) -> (0, 0)>
module attributes {stable_mosaic.version = 14 : i64} {
  func.func @_agg_kernel(%arg0: i32, %arg1: i32, %arg2: memref<2x10000x128xf32, #tpu.memory_space<hbm>>, %arg3: memref<1250x128xi32, #tpu.memory_space<hbm>>, %arg4: memref<1250x128xi32, #tpu.memory_space<hbm>>, %arg5: memref<10000x128xf32, #tpu.memory_space<hbm>>, %arg6: memref<2x10000x128xf32, #tpu.memory_space<hbm>>, %arg7: memref<10000x128xf32, #tpu.memory_space<vmem_shared>>, %arg8: memref<40x128xi32, #tpu.memory_space<vmem>>, %arg9: memref<40x128xi32, #tpu.memory_space<vmem>>, %arg10: memref<2x128x128xf32, #tpu.memory_space<vmem>>, %arg11: memref<!tpu.dma_semaphore, #tpu.memory_space<semaphore_mem>>, %arg12: memref<!tpu.dma_semaphore, #tpu.memory_space<semaphore_mem>>) attributes {dimension_semantics = [#tpu.dimension_semantics<core_parallel>, #tpu.dimension_semantics<subcore_parallel>], iteration_bounds = array<i64: 2, 16>, scalar_prefetch = 0 : i64, scratch_operands = 6 : i64, tpu.core_type = #tpu.core_type<sc_vector_subcore>, window_params = [{transform_indices = #map}, {transform_indices = #map1}, {transform_indices = #map1}, {transform_indices = #map1}, {transform_indices = #map}]} {
    %mul3A = arith.constant 632 : i32
    %mul3A_0 = arith.muli %arg1, %mul3A : i32
    %multiple_of3A = tpu.assume_multiple %mul3A_0, 8 : i32
    %lt3A = arith.constant 15 : i32
    %lt3A_1 = arith.cmpi slt, %arg1, %lt3A : i32
    %mul3A_2 = arith.constant 80 : i32
    %mul3A_3 = arith.muli %arg1, %mul3A_2 : i32
    %jit3A = arith.constant 1200 : i32
    %select_n3A = arith.select %lt3A_1, %mul3A_3, %jit3A : i32
    %multiple_of3A_4 = tpu.assume_multiple %select_n3A, 8 : i32
    %dma_start3A = arith.constant 0 : i32
    %dma_start3A_5 = tpu.memref_slice %arg3[%multiple_of3A_4, %dma_start3A] : memref<1250x128xi32, #tpu.memory_space<hbm>> -> memref<40x128xi32, #tpu.memory_space<hbm>>
    %dma_start3A_6 = arith.constant 0 : i32
    %dma_start3A_7 = tpu.memref_slice %arg3[%multiple_of3A_4, %dma_start3A_6] : memref<1250x128xi32, #tpu.memory_space<hbm>> -> memref<40x128xi32, #tpu.memory_space<hbm>>
    tpu.enqueue_dma source(%dma_start3A_7 : memref<40x128xi32, #tpu.memory_space<hbm>>) target(%arg8 : memref<40x128xi32, #tpu.memory_space<vmem>>) target_semaphore(%arg11 : memref<!tpu.dma_semaphore, #tpu.memory_space<semaphore_mem>>)
    %dma_start3A_8 = arith.constant 0 : i32
    %dma_start3A_9 = tpu.memref_slice %arg4[%multiple_of3A_4, %dma_start3A_8] : memref<1250x128xi32, #tpu.memory_space<hbm>> -> memref<40x128xi32, #tpu.memory_space<hbm>>
    %dma_start3A_10 = arith.constant 0 : i32
    %dma_start3A_11 = tpu.memref_slice %arg4[%multiple_of3A_4, %dma_start3A_10] : memref<1250x128xi32, #tpu.memory_space<hbm>> -> memref<40x128xi32, #tpu.memory_space<hbm>>
    tpu.enqueue_dma source(%dma_start3A_11 : memref<40x128xi32, #tpu.memory_space<hbm>>) target(%arg9 : memref<40x128xi32, #tpu.memory_space<vmem>>) target_semaphore(%arg12 : memref<!tpu.dma_semaphore, #tpu.memory_space<semaphore_mem>>)
    %lt3A_12 = arith.constant 15 : i32
    %lt3A_13 = arith.cmpi slt, %arg1, %lt3A_12 : i32
    %convert_element_type3A = arith.extui %lt3A_13 : i1 to i32
    %cond3A = arith.constant 0 : i32
    %cond3A_14 = arith.cmpi ne, %convert_element_type3A, %cond3A : i32
    scf.if %cond3A_14 {
      "tpu.region"() ({
        %run_scoped3A = tpu.sem_alloc : memref<!tpu.dma_semaphore, #tpu.memory_space<semaphore_mem>>
        %dma_start3A_121 = arith.constant 0 : i32
        %dma_start3A_122 = tpu.memref_slice %arg7[%multiple_of3A, %dma_start3A_121] : memref<10000x128xf32, #tpu.memory_space<vmem_shared>> -> memref<632x128xf32, #tpu.memory_space<vmem_shared>>
        %dma_start3A_123 = arith.constant 0 : i32
        %dma_start3A_124 = tpu.memref_slice %arg5[%multiple_of3A, %dma_start3A_123] : memref<10000x128xf32, #tpu.memory_space<hbm>> -> memref<632x128xf32, #tpu.memory_space<hbm>>
        tpu.enqueue_dma source(%dma_start3A_124 : memref<632x128xf32, #tpu.memory_space<hbm>>) target(%dma_start3A_122 : memref<632x128xf32, #tpu.memory_space<vmem_shared>>) target_semaphore(%run_scoped3A : memref<!tpu.dma_semaphore, #tpu.memory_space<semaphore_mem>>)
        %dma_wait3A_125 = arith.constant 0 : i32
        %dma_wait3A_126 = tpu.memref_slice %arg7[%multiple_of3A, %dma_wait3A_125] : memref<10000x128xf32, #tpu.memory_space<vmem_shared>> -> memref<632x128xf32, #tpu.memory_space<vmem_shared>>
        %dma_wait3A_127 = arith.constant 0 : i32
        %dma_wait3A_128 = tpu.memref_slice %arg5[%multiple_of3A, %dma_wait3A_127] : memref<10000x128xf32, #tpu.memory_space<hbm>> -> memref<632x128xf32, #tpu.memory_space<hbm>>
        tpu.wait_dma2 semaphore(%run_scoped3A : memref<!tpu.dma_semaphore, #tpu.memory_space<semaphore_mem>>) src(%dma_wait3A_128 : memref<632x128xf32, #tpu.memory_space<hbm>>) dst(%dma_wait3A_126 : memref<632x128xf32, #tpu.memory_space<vmem_shared>>)
        tpu.yield
      }) : () -> ()
    } else {
    }
    %eq3A = arith.constant 15 : i32
    %eq3A_15 = arith.cmpi eq, %arg1, %eq3A : i32
    %convert_element_type3A_16 = arith.extui %eq3A_15 : i1 to i32
    %cond3A_17 = arith.constant 0 : i32
    %cond3A_18 = arith.cmpi ne, %convert_element_type3A_16, %cond3A_17 : i32
    scf.if %cond3A_18 {
      "tpu.region"() ({
        %run_scoped3A = tpu.sem_alloc : memref<!tpu.dma_semaphore, #tpu.memory_space<semaphore_mem>>
        %dma_start3A_121 = arith.constant 9480 : i32
        %dma_start3A_122 = arith.constant 0 : i32
        %dma_start3A_123 = tpu.memref_slice %arg7[%dma_start3A_121, %dma_start3A_122] : memref<10000x128xf32, #tpu.memory_space<vmem_shared>> -> memref<520x128xf32, #tpu.memory_space<vmem_shared>>
        %dma_start3A_124 = arith.constant 9480 : i32
        %dma_start3A_125 = arith.constant 0 : i32
        %dma_start3A_126 = tpu.memref_slice %arg5[%dma_start3A_124, %dma_start3A_125] : memref<10000x128xf32, #tpu.memory_space<hbm>> -> memref<520x128xf32, #tpu.memory_space<hbm>>
        tpu.enqueue_dma source(%dma_start3A_126 : memref<520x128xf32, #tpu.memory_space<hbm>>) target(%dma_start3A_123 : memref<520x128xf32, #tpu.memory_space<vmem_shared>>) target_semaphore(%run_scoped3A : memref<!tpu.dma_semaphore, #tpu.memory_space<semaphore_mem>>)
        %dma_wait3A_127 = arith.constant 9480 : i32
        %dma_wait3A_128 = arith.constant 0 : i32
        %dma_wait3A_129 = tpu.memref_slice %arg7[%dma_wait3A_127, %dma_wait3A_128] : memref<10000x128xf32, #tpu.memory_space<vmem_shared>> -> memref<520x128xf32, #tpu.memory_space<vmem_shared>>
        %dma_wait3A_130 = arith.constant 9480 : i32
        %dma_wait3A_131 = arith.constant 0 : i32
        %dma_wait3A_132 = tpu.memref_slice %arg5[%dma_wait3A_130, %dma_wait3A_131] : memref<10000x128xf32, #tpu.memory_space<hbm>> -> memref<520x128xf32, #tpu.memory_space<hbm>>
        tpu.wait_dma2 semaphore(%run_scoped3A : memref<!tpu.dma_semaphore, #tpu.memory_space<semaphore_mem>>) src(%dma_wait3A_132 : memref<520x128xf32, #tpu.memory_space<hbm>>) dst(%dma_wait3A_129 : memref<520x128xf32, #tpu.memory_space<vmem_shared>>)
        tpu.yield
      }) : () -> ()
    } else {
    }
    %barrier3A = arith.constant 0 : index
    tpu.barrier barrier_id(%barrier3A)
    %lt3A_19 = arith.constant 15 : i32
    %lt3A_20 = arith.cmpi slt, %arg1, %lt3A_19 : i32
    %mul3A_21 = arith.constant 80 : i32
    %mul3A_22 = arith.muli %arg1, %mul3A_21 : i32
    %jit3A_23 = arith.constant 1200 : i32
    %select_n3A_24 = arith.select %lt3A_20, %mul3A_22, %jit3A_23 : i32
    %multiple_of3A_25 = tpu.assume_multiple %select_n3A_24, 8 : i32
    %dma_wait3A = arith.constant 0 : i32
    %dma_wait3A_26 = tpu.memref_slice %arg3[%multiple_of3A_25, %dma_wait3A] : memref<1250x128xi32, #tpu.memory_space<hbm>> -> memref<40x128xi32, #tpu.memory_space<hbm>>
    %dma_wait3A_27 = arith.constant 0 : i32
    %dma_wait3A_28 = tpu.memref_slice %arg3[%multiple_of3A_25, %dma_wait3A_27] : memref<1250x128xi32, #tpu.memory_space<hbm>> -> memref<40x128xi32, #tpu.memory_space<hbm>>
    tpu.wait_dma2 semaphore(%arg11 : memref<!tpu.dma_semaphore, #tpu.memory_space<semaphore_mem>>) src(%dma_wait3A_28 : memref<40x128xi32, #tpu.memory_space<hbm>>) dst(%arg8 : memref<40x128xi32, #tpu.memory_space<vmem>>)
    %dma_wait3A_29 = arith.constant 0 : i32
    %dma_wait3A_30 = tpu.memref_slice %arg4[%multiple_of3A_25, %dma_wait3A_29] : memref<1250x128xi32, #tpu.memory_space<hbm>> -> memref<40x128xi32, #tpu.memory_space<hbm>>
    %dma_wait3A_31 = arith.constant 0 : i32
    %dma_wait3A_32 = tpu.memref_slice %arg4[%multiple_of3A_25, %dma_wait3A_31] : memref<1250x128xi32, #tpu.memory_space<hbm>> -> memref<40x128xi32, #tpu.memory_space<hbm>>
    tpu.wait_dma2 semaphore(%arg12 : memref<!tpu.dma_semaphore, #tpu.memory_space<semaphore_mem>>) src(%dma_wait3A_32 : memref<40x128xi32, #tpu.memory_space<hbm>>) dst(%arg9 : memref<40x128xi32, #tpu.memory_space<vmem>>)
    %dma_start3A_33 = arith.constant 0 : i32
    %dma_start3A_34 = arith.constant 0 : i32
    %dma_start3A_35 = arith.constant 0 : i32
    %dma_start3A_36 = arith.constant 0 : i32
    %dma_start3A_37 = tpu.memref_slice %arg10[%dma_start3A_34, %dma_start3A_35, %dma_start3A_36] : memref<2x128x128xf32, #tpu.memory_space<vmem>> -> memref<1x128x128xf32, #tpu.memory_space<vmem>>
    %dma_start3A_38 = tpu.memref_squeeze %dma_start3A_37 : memref<1x128x128xf32, #tpu.memory_space<vmem>> -> memref<128x128xf32, #tpu.memory_space<vmem>>
    %dma_start3A_39 = arith.constant 0 : i32
    %dma_start3A_40 = tpu.memref_slice %arg8[%dma_start3A_33, %dma_start3A_39] : memref<40x128xi32, #tpu.memory_space<vmem>> -> memref<1x128xi32, #tpu.memory_space<vmem>>
    %dma_start3A_41 = tpu.memref_squeeze %dma_start3A_40 : memref<1x128xi32, #tpu.memory_space<vmem>> -> memref<128xi32, #tpu.memory_space<vmem>>
    %dma_start3A_42 = arith.constant 0 : i32
    %dma_start3A_43 = arith.constant 0 : i32
    %dma_start3A_44 = tpu.memref_slice %arg2[%arg0, %dma_start3A_42, %dma_start3A_43] : memref<2x10000x128xf32, #tpu.memory_space<hbm>> -> memref<1x10000x128xf32, #tpu.memory_space<hbm>>
    %dma_start3A_45 = tpu.memref_squeeze %dma_start3A_44 : memref<1x10000x128xf32, #tpu.memory_space<hbm>> -> memref<10000x128xf32, #tpu.memory_space<hbm>>
    %dma_start3A_46 = arith.constant 0 : i32
    %dma_start3A_47 = arith.constant 0 : i32
    %dma_start3A_48 = tpu.memref_slice %dma_start3A_45[%dma_start3A_46, %dma_start3A_47] : memref<10000x128xf32, #tpu.memory_space<hbm>> -> memref<10000x128xf32, #tpu.memory_space<hbm>>
    tpu.enqueue_indirect_dma source(%dma_start3A_48 : memref<10000x128xf32, #tpu.memory_space<hbm>>) target(%dma_start3A_38 : memref<128x128xf32, #tpu.memory_space<vmem>>) offsets(%dma_start3A_41 : memref<128xi32, #tpu.memory_space<vmem>>) semaphore(%arg11 : memref<!tpu.dma_semaphore, #tpu.memory_space<semaphore_mem>>)
    %scan3A = arith.constant 0 : i32
    %scan3A_49 = arith.constant 20 : i32
    %scan3A_50 = arith.addi %scan3A, %scan3A_49 : i32
    %scan3A_51 = arith.constant 1 : i32
    scf.for %scan3A_121 = %scan3A to %scan3A_50 step %scan3A_51  : i32 {
      %mul3A_122 = arith.constant 2 : i32
      %mul3A_123 = arith.muli %mul3A_122, %scan3A_121 : i32
      %add3A = arith.constant 1 : i32
      %add3A_124 = arith.addi %mul3A_123, %add3A : i32
      %dma_start3A_125 = arith.constant 1 : i32
      %dma_start3A_126 = arith.constant 0 : i32
      %dma_start3A_127 = arith.constant 0 : i32
      %dma_start3A_128 = tpu.memref_slice %arg10[%dma_start3A_125, %dma_start3A_126, %dma_start3A_127] : memref<2x128x128xf32, #tpu.memory_space<vmem>> -> memref<1x128x128xf32, #tpu.memory_space<vmem>>
      %dma_start3A_129 = tpu.memref_squeeze %dma_start3A_128 : memref<1x128x128xf32, #tpu.memory_space<vmem>> -> memref<128x128xf32, #tpu.memory_space<vmem>>
      %dma_start3A_130 = arith.constant 0 : i32
      %dma_start3A_131 = tpu.memref_slice %arg8[%add3A_124, %dma_start3A_130] : memref<40x128xi32, #tpu.memory_space<vmem>> -> memref<1x128xi32, #tpu.memory_space<vmem>>
      %dma_start3A_132 = tpu.memref_squeeze %dma_start3A_131 : memref<1x128xi32, #tpu.memory_space<vmem>> -> memref<128xi32, #tpu.memory_space<vmem>>
      %dma_start3A_133 = arith.constant 0 : i32
      %dma_start3A_134 = arith.constant 0 : i32
      %dma_start3A_135 = tpu.memref_slice %arg2[%arg0, %dma_start3A_133, %dma_start3A_134] : memref<2x10000x128xf32, #tpu.memory_space<hbm>> -> memref<1x10000x128xf32, #tpu.memory_space<hbm>>
      %dma_start3A_136 = tpu.memref_squeeze %dma_start3A_135 : memref<1x10000x128xf32, #tpu.memory_space<hbm>> -> memref<10000x128xf32, #tpu.memory_space<hbm>>
      %dma_start3A_137 = arith.constant 0 : i32
      %dma_start3A_138 = arith.constant 0 : i32
      %dma_start3A_139 = tpu.memref_slice %dma_start3A_136[%dma_start3A_137, %dma_start3A_138] : memref<10000x128xf32, #tpu.memory_space<hbm>> -> memref<10000x128xf32, #tpu.memory_space<hbm>>
      tpu.enqueue_indirect_dma source(%dma_start3A_139 : memref<10000x128xf32, #tpu.memory_space<hbm>>) target(%dma_start3A_129 : memref<128x128xf32, #tpu.memory_space<vmem>>) offsets(%dma_start3A_132 : memref<128xi32, #tpu.memory_space<vmem>>) semaphore(%arg12 : memref<!tpu.dma_semaphore, #tpu.memory_space<semaphore_mem>>)
      %dma_wait3A_140 = arith.constant 0 : i32
      %dma_wait3A_141 = arith.constant 0 : i32
      %dma_wait3A_142 = arith.constant 0 : i32
      %dma_wait3A_143 = tpu.memref_slice %arg10[%dma_wait3A_140, %dma_wait3A_141, %dma_wait3A_142] : memref<2x128x128xf32, #tpu.memory_space<vmem>> -> memref<1x128x128xf32, #tpu.memory_space<vmem>>
      %dma_wait3A_144 = tpu.memref_squeeze %dma_wait3A_143 : memref<1x128x128xf32, #tpu.memory_space<vmem>> -> memref<128x128xf32, #tpu.memory_space<vmem>>
      %dma_wait3A_145 = arith.constant 0 : i32
      %dma_wait3A_146 = tpu.memref_slice %arg8[%mul3A_123, %dma_wait3A_145] : memref<40x128xi32, #tpu.memory_space<vmem>> -> memref<1x128xi32, #tpu.memory_space<vmem>>
      %dma_wait3A_147 = tpu.memref_squeeze %dma_wait3A_146 : memref<1x128xi32, #tpu.memory_space<vmem>> -> memref<128xi32, #tpu.memory_space<vmem>>
      %dma_wait3A_148 = arith.constant 0 : i32
      %dma_wait3A_149 = arith.constant 0 : i32
      %dma_wait3A_150 = tpu.memref_slice %arg2[%arg0, %dma_wait3A_148, %dma_wait3A_149] : memref<2x10000x128xf32, #tpu.memory_space<hbm>> -> memref<1x10000x128xf32, #tpu.memory_space<hbm>>
      %dma_wait3A_151 = tpu.memref_squeeze %dma_wait3A_150 : memref<1x10000x128xf32, #tpu.memory_space<hbm>> -> memref<10000x128xf32, #tpu.memory_space<hbm>>
      %dma_wait3A_152 = arith.constant 0 : i32
      %dma_wait3A_153 = arith.constant 0 : i32
      %dma_wait3A_154 = tpu.memref_slice %dma_wait3A_151[%dma_wait3A_152, %dma_wait3A_153] : memref<10000x128xf32, #tpu.memory_space<hbm>> -> memref<10000x128xf32, #tpu.memory_space<hbm>>
      tpu.wait_indirect_dma semaphore(%arg11 : memref<!tpu.dma_semaphore, #tpu.memory_space<semaphore_mem>>) src(%dma_wait3A_154 : memref<10000x128xf32, #tpu.memory_space<hbm>>) dst(%dma_wait3A_144 : memref<128x128xf32, #tpu.memory_space<vmem>>)
      %run_scoped3A = arith.constant 0 : i32
      "tpu.region"() ({
        %run_scoped3A_182 = tpu.sem_alloc : memref<!tpu.dma_semaphore, #tpu.memory_space<semaphore_mem>>
        %dma_start3A_183 = arith.constant 0 : i32
        %dma_start3A_184 = arith.constant 0 : i32
        %dma_start3A_185 = tpu.memref_slice %arg10[%run_scoped3A, %dma_start3A_183, %dma_start3A_184] : memref<2x128x128xf32, #tpu.memory_space<vmem>> -> memref<1x128x128xf32, #tpu.memory_space<vmem>>
        %dma_start3A_186 = tpu.memref_squeeze %dma_start3A_185 : memref<1x128x128xf32, #tpu.memory_space<vmem>> -> memref<128x128xf32, #tpu.memory_space<vmem>>
        %dma_start3A_187 = arith.constant 0 : i32
        %dma_start3A_188 = tpu.memref_slice %arg9[%mul3A_123, %dma_start3A_187] : memref<40x128xi32, #tpu.memory_space<vmem>> -> memref<1x128xi32, #tpu.memory_space<vmem>>
        %dma_start3A_189 = tpu.memref_squeeze %dma_start3A_188 : memref<1x128xi32, #tpu.memory_space<vmem>> -> memref<128xi32, #tpu.memory_space<vmem>>
        %dma_start3A_190 = arith.constant 0 : i32
        %dma_start3A_191 = arith.constant 0 : i32
        %dma_start3A_192 = tpu.memref_slice %arg7[%dma_start3A_190, %dma_start3A_191] : memref<10000x128xf32, #tpu.memory_space<vmem_shared>> -> memref<10000x128xf32, #tpu.memory_space<vmem_shared>>
        tpu.enqueue_indirect_dma source(%dma_start3A_186 : memref<128x128xf32, #tpu.memory_space<vmem>>) target(%dma_start3A_192 : memref<10000x128xf32, #tpu.memory_space<vmem_shared>>) offsets(%dma_start3A_189 : memref<128xi32, #tpu.memory_space<vmem>>) semaphore(%run_scoped3A_182 : memref<!tpu.dma_semaphore, #tpu.memory_space<semaphore_mem>>) {add = true}
        %dma_wait3A_193 = arith.constant 0 : i32
        %dma_wait3A_194 = arith.constant 0 : i32
        %dma_wait3A_195 = tpu.memref_slice %arg10[%run_scoped3A, %dma_wait3A_193, %dma_wait3A_194] : memref<2x128x128xf32, #tpu.memory_space<vmem>> -> memref<1x128x128xf32, #tpu.memory_space<vmem>>
        %dma_wait3A_196 = tpu.memref_squeeze %dma_wait3A_195 : memref<1x128x128xf32, #tpu.memory_space<vmem>> -> memref<128x128xf32, #tpu.memory_space<vmem>>
        %dma_wait3A_197 = arith.constant 0 : i32
        %dma_wait3A_198 = tpu.memref_slice %arg9[%mul3A_123, %dma_wait3A_197] : memref<40x128xi32, #tpu.memory_space<vmem>> -> memref<1x128xi32, #tpu.memory_space<vmem>>
        %dma_wait3A_199 = tpu.memref_squeeze %dma_wait3A_198 : memref<1x128xi32, #tpu.memory_space<vmem>> -> memref<128xi32, #tpu.memory_space<vmem>>
        %dma_wait3A_200 = arith.constant 0 : i32
        %dma_wait3A_201 = arith.constant 0 : i32
        %dma_wait3A_202 = tpu.memref_slice %arg7[%dma_wait3A_200, %dma_wait3A_201] : memref<10000x128xf32, #tpu.memory_space<vmem_shared>> -> memref<10000x128xf32, #tpu.memory_space<vmem_shared>>
        tpu.wait_indirect_dma semaphore(%run_scoped3A_182 : memref<!tpu.dma_semaphore, #tpu.memory_space<semaphore_mem>>) src(%dma_wait3A_196 : memref<128x128xf32, #tpu.memory_space<vmem>>) dst(%dma_wait3A_202 : memref<10000x128xf32, #tpu.memory_space<vmem_shared>>)
        tpu.yield
      }) : () -> ()
      %add3A_155 = arith.constant 2 : i32
      %add3A_156 = arith.addi %mul3A_123, %add3A_155 : i32
      %lt3A_157 = arith.constant 40 : i32
      %lt3A_158 = arith.cmpi slt, %add3A_156, %lt3A_157 : i32
      %convert_element_type3A_159 = arith.extui %lt3A_158 : i1 to i32
      %cond3A_160 = arith.constant 0 : i32
      %cond3A_161 = arith.cmpi ne, %convert_element_type3A_159, %cond3A_160 : i32
      scf.if %cond3A_161 {
        %add3A_182 = arith.constant 2 : i32
        %add3A_183 = arith.addi %mul3A_123, %add3A_182 : i32
        %dma_start3A_184 = arith.constant 0 : i32
        %dma_start3A_185 = arith.constant 0 : i32
        %dma_start3A_186 = arith.constant 0 : i32
        %dma_start3A_187 = tpu.memref_slice %arg10[%dma_start3A_184, %dma_start3A_185, %dma_start3A_186] : memref<2x128x128xf32, #tpu.memory_space<vmem>> -> memref<1x128x128xf32, #tpu.memory_space<vmem>>
        %dma_start3A_188 = tpu.memref_squeeze %dma_start3A_187 : memref<1x128x128xf32, #tpu.memory_space<vmem>> -> memref<128x128xf32, #tpu.memory_space<vmem>>
        %dma_start3A_189 = arith.constant 0 : i32
        %dma_start3A_190 = tpu.memref_slice %arg8[%add3A_183, %dma_start3A_189] : memref<40x128xi32, #tpu.memory_space<vmem>> -> memref<1x128xi32, #tpu.memory_space<vmem>>
        %dma_start3A_191 = tpu.memref_squeeze %dma_start3A_190 : memref<1x128xi32, #tpu.memory_space<vmem>> -> memref<128xi32, #tpu.memory_space<vmem>>
        %dma_start3A_192 = arith.constant 0 : i32
        %dma_start3A_193 = arith.constant 0 : i32
        %dma_start3A_194 = tpu.memref_slice %arg2[%arg0, %dma_start3A_192, %dma_start3A_193] : memref<2x10000x128xf32, #tpu.memory_space<hbm>> -> memref<1x10000x128xf32, #tpu.memory_space<hbm>>
        %dma_start3A_195 = tpu.memref_squeeze %dma_start3A_194 : memref<1x10000x128xf32, #tpu.memory_space<hbm>> -> memref<10000x128xf32, #tpu.memory_space<hbm>>
        %dma_start3A_196 = arith.constant 0 : i32
        %dma_start3A_197 = arith.constant 0 : i32
        %dma_start3A_198 = tpu.memref_slice %dma_start3A_195[%dma_start3A_196, %dma_start3A_197] : memref<10000x128xf32, #tpu.memory_space<hbm>> -> memref<10000x128xf32, #tpu.memory_space<hbm>>
        tpu.enqueue_indirect_dma source(%dma_start3A_198 : memref<10000x128xf32, #tpu.memory_space<hbm>>) target(%dma_start3A_188 : memref<128x128xf32, #tpu.memory_space<vmem>>) offsets(%dma_start3A_191 : memref<128xi32, #tpu.memory_space<vmem>>) semaphore(%arg11 : memref<!tpu.dma_semaphore, #tpu.memory_space<semaphore_mem>>)
      } else {
      }
      %add3A_162 = arith.constant 1 : i32
      %add3A_163 = arith.addi %mul3A_123, %add3A_162 : i32
      %dma_wait3A_164 = arith.constant 1 : i32
      %dma_wait3A_165 = arith.constant 0 : i32
      %dma_wait3A_166 = arith.constant 0 : i32
      %dma_wait3A_167 = tpu.memref_slice %arg10[%dma_wait3A_164, %dma_wait3A_165, %dma_wait3A_166] : memref<2x128x128xf32, #tpu.memory_space<vmem>> -> memref<1x128x128xf32, #tpu.memory_space<vmem>>
      %dma_wait3A_168 = tpu.memref_squeeze %dma_wait3A_167 : memref<1x128x128xf32, #tpu.memory_space<vmem>> -> memref<128x128xf32, #tpu.memory_space<vmem>>
      %dma_wait3A_169 = arith.constant 0 : i32
      %dma_wait3A_170 = tpu.memref_slice %arg8[%add3A_163, %dma_wait3A_169] : memref<40x128xi32, #tpu.memory_space<vmem>> -> memref<1x128xi32, #tpu.memory_space<vmem>>
      %dma_wait3A_171 = tpu.memref_squeeze %dma_wait3A_170 : memref<1x128xi32, #tpu.memory_space<vmem>> -> memref<128xi32, #tpu.memory_space<vmem>>
      %dma_wait3A_172 = arith.constant 0 : i32
      %dma_wait3A_173 = arith.constant 0 : i32
      %dma_wait3A_174 = tpu.memref_slice %arg2[%arg0, %dma_wait3A_172, %dma_wait3A_173] : memref<2x10000x128xf32, #tpu.memory_space<hbm>> -> memref<1x10000x128xf32, #tpu.memory_space<hbm>>
      %dma_wait3A_175 = tpu.memref_squeeze %dma_wait3A_174 : memref<1x10000x128xf32, #tpu.memory_space<hbm>> -> memref<10000x128xf32, #tpu.memory_space<hbm>>
      %dma_wait3A_176 = arith.constant 0 : i32
      %dma_wait3A_177 = arith.constant 0 : i32
      %dma_wait3A_178 = tpu.memref_slice %dma_wait3A_175[%dma_wait3A_176, %dma_wait3A_177] : memref<10000x128xf32, #tpu.memory_space<hbm>> -> memref<10000x128xf32, #tpu.memory_space<hbm>>
      tpu.wait_indirect_dma semaphore(%arg12 : memref<!tpu.dma_semaphore, #tpu.memory_space<semaphore_mem>>) src(%dma_wait3A_178 : memref<10000x128xf32, #tpu.memory_space<hbm>>) dst(%dma_wait3A_168 : memref<128x128xf32, #tpu.memory_space<vmem>>)
      %add3A_179 = arith.constant 1 : i32
      %add3A_180 = arith.addi %mul3A_123, %add3A_179 : i32
      %run_scoped3A_181 = arith.constant 1 : i32
      "tpu.region"() ({
        %run_scoped3A_182 = tpu.sem_alloc : memref<!tpu.dma_semaphore, #tpu.memory_space<semaphore_mem>>
        %dma_start3A_183 = arith.constant 0 : i32
        %dma_start3A_184 = arith.constant 0 : i32
        %dma_start3A_185 = tpu.memref_slice %arg10[%run_scoped3A_181, %dma_start3A_183, %dma_start3A_184] : memref<2x128x128xf32, #tpu.memory_space<vmem>> -> memref<1x128x128xf32, #tpu.memory_space<vmem>>
        %dma_start3A_186 = tpu.memref_squeeze %dma_start3A_185 : memref<1x128x128xf32, #tpu.memory_space<vmem>> -> memref<128x128xf32, #tpu.memory_space<vmem>>
        %dma_start3A_187 = arith.constant 0 : i32
        %dma_start3A_188 = tpu.memref_slice %arg9[%add3A_180, %dma_start3A_187] : memref<40x128xi32, #tpu.memory_space<vmem>> -> memref<1x128xi32, #tpu.memory_space<vmem>>
        %dma_start3A_189 = tpu.memref_squeeze %dma_start3A_188 : memref<1x128xi32, #tpu.memory_space<vmem>> -> memref<128xi32, #tpu.memory_space<vmem>>
        %dma_start3A_190 = arith.constant 0 : i32
        %dma_start3A_191 = arith.constant 0 : i32
        %dma_start3A_192 = tpu.memref_slice %arg7[%dma_start3A_190, %dma_start3A_191] : memref<10000x128xf32, #tpu.memory_space<vmem_shared>> -> memref<10000x128xf32, #tpu.memory_space<vmem_shared>>
        tpu.enqueue_indirect_dma source(%dma_start3A_186 : memref<128x128xf32, #tpu.memory_space<vmem>>) target(%dma_start3A_192 : memref<10000x128xf32, #tpu.memory_space<vmem_shared>>) offsets(%dma_start3A_189 : memref<128xi32, #tpu.memory_space<vmem>>) semaphore(%run_scoped3A_182 : memref<!tpu.dma_semaphore, #tpu.memory_space<semaphore_mem>>) {add = true}
        %dma_wait3A_193 = arith.constant 0 : i32
        %dma_wait3A_194 = arith.constant 0 : i32
        %dma_wait3A_195 = tpu.memref_slice %arg10[%run_scoped3A_181, %dma_wait3A_193, %dma_wait3A_194] : memref<2x128x128xf32, #tpu.memory_space<vmem>> -> memref<1x128x128xf32, #tpu.memory_space<vmem>>
        %dma_wait3A_196 = tpu.memref_squeeze %dma_wait3A_195 : memref<1x128x128xf32, #tpu.memory_space<vmem>> -> memref<128x128xf32, #tpu.memory_space<vmem>>
        %dma_wait3A_197 = arith.constant 0 : i32
        %dma_wait3A_198 = tpu.memref_slice %arg9[%add3A_180, %dma_wait3A_197] : memref<40x128xi32, #tpu.memory_space<vmem>> -> memref<1x128xi32, #tpu.memory_space<vmem>>
        %dma_wait3A_199 = tpu.memref_squeeze %dma_wait3A_198 : memref<1x128xi32, #tpu.memory_space<vmem>> -> memref<128xi32, #tpu.memory_space<vmem>>
        %dma_wait3A_200 = arith.constant 0 : i32
        %dma_wait3A_201 = arith.constant 0 : i32
        %dma_wait3A_202 = tpu.memref_slice %arg7[%dma_wait3A_200, %dma_wait3A_201] : memref<10000x128xf32, #tpu.memory_space<vmem_shared>> -> memref<10000x128xf32, #tpu.memory_space<vmem_shared>>
        tpu.wait_indirect_dma semaphore(%run_scoped3A_182 : memref<!tpu.dma_semaphore, #tpu.memory_space<semaphore_mem>>) src(%dma_wait3A_196 : memref<128x128xf32, #tpu.memory_space<vmem>>) dst(%dma_wait3A_202 : memref<10000x128xf32, #tpu.memory_space<vmem_shared>>)
        tpu.yield
      }) : () -> ()
    }
    %scan3A_52 = arith.constant 20 : i32
    %lt3A_53 = arith.constant 15 : i32
    %lt3A_54 = arith.cmpi slt, %arg1, %lt3A_53 : i32
    %convert_element_type3A_55 = arith.extui %lt3A_54 : i1 to i32
    %cond3A_56 = arith.constant 0 : i32
    %cond3A_57 = arith.cmpi ne, %convert_element_type3A_55, %cond3A_56 : i32
    scf.if %cond3A_57 {
      %mul3A_121 = arith.constant 80 : i32
      %mul3A_122 = arith.muli %arg1, %mul3A_121 : i32
      %add3A = arith.constant 40 : i32
      %add3A_123 = arith.addi %mul3A_122, %add3A : i32
      %multiple_of3A_124 = tpu.assume_multiple %add3A_123, 8 : i32
      "tpu.region"() ({
        %run_scoped3A = tpu.sem_alloc : memref<!tpu.dma_semaphore, #tpu.memory_space<semaphore_mem>>
        %dma_start3A_125 = arith.constant 0 : i32
        %dma_start3A_126 = tpu.memref_slice %arg3[%multiple_of3A_124, %dma_start3A_125] : memref<1250x128xi32, #tpu.memory_space<hbm>> -> memref<40x128xi32, #tpu.memory_space<hbm>>
        %dma_start3A_127 = arith.constant 0 : i32
        %dma_start3A_128 = tpu.memref_slice %arg3[%multiple_of3A_124, %dma_start3A_127] : memref<1250x128xi32, #tpu.memory_space<hbm>> -> memref<40x128xi32, #tpu.memory_space<hbm>>
        tpu.enqueue_dma source(%dma_start3A_128 : memref<40x128xi32, #tpu.memory_space<hbm>>) target(%arg8 : memref<40x128xi32, #tpu.memory_space<vmem>>) target_semaphore(%run_scoped3A : memref<!tpu.dma_semaphore, #tpu.memory_space<semaphore_mem>>)
        %dma_wait3A_129 = arith.constant 0 : i32
        %dma_wait3A_130 = tpu.memref_slice %arg3[%multiple_of3A_124, %dma_wait3A_129] : memref<1250x128xi32, #tpu.memory_space<hbm>> -> memref<40x128xi32, #tpu.memory_space<hbm>>
        %dma_wait3A_131 = arith.constant 0 : i32
        %dma_wait3A_132 = tpu.memref_slice %arg3[%multiple_of3A_124, %dma_wait3A_131] : memref<1250x128xi32, #tpu.memory_space<hbm>> -> memref<40x128xi32, #tpu.memory_space<hbm>>
        tpu.wait_dma2 semaphore(%run_scoped3A : memref<!tpu.dma_semaphore, #tpu.memory_space<semaphore_mem>>) src(%dma_wait3A_132 : memref<40x128xi32, #tpu.memory_space<hbm>>) dst(%arg8 : memref<40x128xi32, #tpu.memory_space<vmem>>)
        tpu.yield
      }) : () -> ()
      "tpu.region"() ({
        %run_scoped3A = tpu.sem_alloc : memref<!tpu.dma_semaphore, #tpu.memory_space<semaphore_mem>>
        %dma_start3A_125 = arith.constant 0 : i32
        %dma_start3A_126 = tpu.memref_slice %arg4[%multiple_of3A_124, %dma_start3A_125] : memref<1250x128xi32, #tpu.memory_space<hbm>> -> memref<40x128xi32, #tpu.memory_space<hbm>>
        %dma_start3A_127 = arith.constant 0 : i32
        %dma_start3A_128 = tpu.memref_slice %arg4[%multiple_of3A_124, %dma_start3A_127] : memref<1250x128xi32, #tpu.memory_space<hbm>> -> memref<40x128xi32, #tpu.memory_space<hbm>>
        tpu.enqueue_dma source(%dma_start3A_128 : memref<40x128xi32, #tpu.memory_space<hbm>>) target(%arg9 : memref<40x128xi32, #tpu.memory_space<vmem>>) target_semaphore(%run_scoped3A : memref<!tpu.dma_semaphore, #tpu.memory_space<semaphore_mem>>)
        %dma_wait3A_129 = arith.constant 0 : i32
        %dma_wait3A_130 = tpu.memref_slice %arg4[%multiple_of3A_124, %dma_wait3A_129] : memref<1250x128xi32, #tpu.memory_space<hbm>> -> memref<40x128xi32, #tpu.memory_space<hbm>>
        %dma_wait3A_131 = arith.constant 0 : i32
        %dma_wait3A_132 = tpu.memref_slice %arg4[%multiple_of3A_124, %dma_wait3A_131] : memref<1250x128xi32, #tpu.memory_space<hbm>> -> memref<40x128xi32, #tpu.memory_space<hbm>>
        tpu.wait_dma2 semaphore(%run_scoped3A : memref<!tpu.dma_semaphore, #tpu.memory_space<semaphore_mem>>) src(%dma_wait3A_132 : memref<40x128xi32, #tpu.memory_space<hbm>>) dst(%arg9 : memref<40x128xi32, #tpu.memory_space<vmem>>)
        tpu.yield
      }) : () -> ()
    } else {
    }
    %eq3A_58 = arith.constant 15 : i32
    %eq3A_59 = arith.cmpi eq, %arg1, %eq3A_58 : i32
    %convert_element_type3A_60 = arith.extui %eq3A_59 : i1 to i32
    %cond3A_61 = arith.constant 0 : i32
    %cond3A_62 = arith.cmpi ne, %convert_element_type3A_60, %cond3A_61 : i32
    scf.if %cond3A_62 {
      "tpu.region"() ({
        %run_scoped3A = tpu.sem_alloc : memref<!tpu.dma_semaphore, #tpu.memory_space<semaphore_mem>>
        %dma_start3A_121 = arith.constant 0 : i32
        %dma_start3A_122 = arith.constant 0 : i32
        %dma_start3A_123 = tpu.memref_slice %arg8[%dma_start3A_121, %dma_start3A_122] : memref<40x128xi32, #tpu.memory_space<vmem>> -> memref<10x128xi32, #tpu.memory_space<vmem>>
        %dma_start3A_124 = arith.constant 1240 : i32
        %dma_start3A_125 = arith.constant 0 : i32
        %dma_start3A_126 = tpu.memref_slice %arg3[%dma_start3A_124, %dma_start3A_125] : memref<1250x128xi32, #tpu.memory_space<hbm>> -> memref<10x128xi32, #tpu.memory_space<hbm>>
        %dma_start3A_127 = arith.constant 0 : i32
        %dma_start3A_128 = arith.constant 0 : i32
        %dma_start3A_129 = tpu.memref_slice %arg8[%dma_start3A_127, %dma_start3A_128] : memref<40x128xi32, #tpu.memory_space<vmem>> -> memref<10x128xi32, #tpu.memory_space<vmem>>
        %dma_start3A_130 = arith.constant 1240 : i32
        %dma_start3A_131 = arith.constant 0 : i32
        %dma_start3A_132 = tpu.memref_slice %arg3[%dma_start3A_130, %dma_start3A_131] : memref<1250x128xi32, #tpu.memory_space<hbm>> -> memref<10x128xi32, #tpu.memory_space<hbm>>
        tpu.enqueue_dma source(%dma_start3A_132 : memref<10x128xi32, #tpu.memory_space<hbm>>) target(%dma_start3A_129 : memref<10x128xi32, #tpu.memory_space<vmem>>) target_semaphore(%run_scoped3A : memref<!tpu.dma_semaphore, #tpu.memory_space<semaphore_mem>>)
        %dma_wait3A_133 = arith.constant 0 : i32
        %dma_wait3A_134 = arith.constant 0 : i32
        %dma_wait3A_135 = tpu.memref_slice %arg8[%dma_wait3A_133, %dma_wait3A_134] : memref<40x128xi32, #tpu.memory_space<vmem>> -> memref<10x128xi32, #tpu.memory_space<vmem>>
        %dma_wait3A_136 = arith.constant 1240 : i32
        %dma_wait3A_137 = arith.constant 0 : i32
        %dma_wait3A_138 = tpu.memref_slice %arg3[%dma_wait3A_136, %dma_wait3A_137] : memref<1250x128xi32, #tpu.memory_space<hbm>> -> memref<10x128xi32, #tpu.memory_space<hbm>>
        %dma_wait3A_139 = arith.constant 0 : i32
        %dma_wait3A_140 = arith.constant 0 : i32
        %dma_wait3A_141 = tpu.memref_slice %arg8[%dma_wait3A_139, %dma_wait3A_140] : memref<40x128xi32, #tpu.memory_space<vmem>> -> memref<10x128xi32, #tpu.memory_space<vmem>>
        %dma_wait3A_142 = arith.constant 1240 : i32
        %dma_wait3A_143 = arith.constant 0 : i32
        %dma_wait3A_144 = tpu.memref_slice %arg3[%dma_wait3A_142, %dma_wait3A_143] : memref<1250x128xi32, #tpu.memory_space<hbm>> -> memref<10x128xi32, #tpu.memory_space<hbm>>
        tpu.wait_dma2 semaphore(%run_scoped3A : memref<!tpu.dma_semaphore, #tpu.memory_space<semaphore_mem>>) src(%dma_wait3A_144 : memref<10x128xi32, #tpu.memory_space<hbm>>) dst(%dma_wait3A_141 : memref<10x128xi32, #tpu.memory_space<vmem>>)
        tpu.yield
      }) : () -> ()
      "tpu.region"() ({
        %run_scoped3A = tpu.sem_alloc : memref<!tpu.dma_semaphore, #tpu.memory_space<semaphore_mem>>
        %dma_start3A_121 = arith.constant 0 : i32
        %dma_start3A_122 = arith.constant 0 : i32
        %dma_start3A_123 = tpu.memref_slice %arg9[%dma_start3A_121, %dma_start3A_122] : memref<40x128xi32, #tpu.memory_space<vmem>> -> memref<10x128xi32, #tpu.memory_space<vmem>>
        %dma_start3A_124 = arith.constant 1240 : i32
        %dma_start3A_125 = arith.constant 0 : i32
        %dma_start3A_126 = tpu.memref_slice %arg4[%dma_start3A_124, %dma_start3A_125] : memref<1250x128xi32, #tpu.memory_space<hbm>> -> memref<10x128xi32, #tpu.memory_space<hbm>>
        %dma_start3A_127 = arith.constant 0 : i32
        %dma_start3A_128 = arith.constant 0 : i32
        %dma_start3A_129 = tpu.memref_slice %arg9[%dma_start3A_127, %dma_start3A_128] : memref<40x128xi32, #tpu.memory_space<vmem>> -> memref<10x128xi32, #tpu.memory_space<vmem>>
        %dma_start3A_130 = arith.constant 1240 : i32
        %dma_start3A_131 = arith.constant 0 : i32
        %dma_start3A_132 = tpu.memref_slice %arg4[%dma_start3A_130, %dma_start3A_131] : memref<1250x128xi32, #tpu.memory_space<hbm>> -> memref<10x128xi32, #tpu.memory_space<hbm>>
        tpu.enqueue_dma source(%dma_start3A_132 : memref<10x128xi32, #tpu.memory_space<hbm>>) target(%dma_start3A_129 : memref<10x128xi32, #tpu.memory_space<vmem>>) target_semaphore(%run_scoped3A : memref<!tpu.dma_semaphore, #tpu.memory_space<semaphore_mem>>)
        %dma_wait3A_133 = arith.constant 0 : i32
        %dma_wait3A_134 = arith.constant 0 : i32
        %dma_wait3A_135 = tpu.memref_slice %arg9[%dma_wait3A_133, %dma_wait3A_134] : memref<40x128xi32, #tpu.memory_space<vmem>> -> memref<10x128xi32, #tpu.memory_space<vmem>>
        %dma_wait3A_136 = arith.constant 1240 : i32
        %dma_wait3A_137 = arith.constant 0 : i32
        %dma_wait3A_138 = tpu.memref_slice %arg4[%dma_wait3A_136, %dma_wait3A_137] : memref<1250x128xi32, #tpu.memory_space<hbm>> -> memref<10x128xi32, #tpu.memory_space<hbm>>
        %dma_wait3A_139 = arith.constant 0 : i32
        %dma_wait3A_140 = arith.constant 0 : i32
        %dma_wait3A_141 = tpu.memref_slice %arg9[%dma_wait3A_139, %dma_wait3A_140] : memref<40x128xi32, #tpu.memory_space<vmem>> -> memref<10x128xi32, #tpu.memory_space<vmem>>
        %dma_wait3A_142 = arith.constant 1240 : i32
        %dma_wait3A_143 = arith.constant 0 : i32
        %dma_wait3A_144 = tpu.memref_slice %arg4[%dma_wait3A_142, %dma_wait3A_143] : memref<1250x128xi32, #tpu.memory_space<hbm>> -> memref<10x128xi32, #tpu.memory_space<hbm>>
        tpu.wait_dma2 semaphore(%run_scoped3A : memref<!tpu.dma_semaphore, #tpu.memory_space<semaphore_mem>>) src(%dma_wait3A_144 : memref<10x128xi32, #tpu.memory_space<hbm>>) dst(%dma_wait3A_141 : memref<10x128xi32, #tpu.memory_space<vmem>>)
        tpu.yield
      }) : () -> ()
    } else {
    }
    %lt3A_63 = arith.constant 15 : i32
    %lt3A_64 = arith.cmpi slt, %arg1, %lt3A_63 : i32
    %jit3A_65 = arith.constant 40 : i32
    %jit3A_66 = arith.constant 10 : i32
    %select_n3A_67 = arith.select %lt3A_64, %jit3A_65, %jit3A_66 : i32
    %dma_start3A_68 = arith.constant 0 : i32
    %dma_start3A_69 = arith.constant 0 : i32
    %dma_start3A_70 = arith.constant 0 : i32
    %dma_start3A_71 = arith.constant 0 : i32
    %dma_start3A_72 = tpu.memref_slice %arg10[%dma_start3A_69, %dma_start3A_70, %dma_start3A_71] : memref<2x128x128xf32, #tpu.memory_space<vmem>> -> memref<1x128x128xf32, #tpu.memory_space<vmem>>
    %dma_start3A_73 = tpu.memref_squeeze %dma_start3A_72 : memref<1x128x128xf32, #tpu.memory_space<vmem>> -> memref<128x128xf32, #tpu.memory_space<vmem>>
    %dma_start3A_74 = arith.constant 0 : i32
    %dma_start3A_75 = tpu.memref_slice %arg8[%dma_start3A_68, %dma_start3A_74] : memref<40x128xi32, #tpu.memory_space<vmem>> -> memref<1x128xi32, #tpu.memory_space<vmem>>
    %dma_start3A_76 = tpu.memref_squeeze %dma_start3A_75 : memref<1x128xi32, #tpu.memory_space<vmem>> -> memref<128xi32, #tpu.memory_space<vmem>>
    %dma_start3A_77 = arith.constant 0 : i32
    %dma_start3A_78 = arith.constant 0 : i32
    %dma_start3A_79 = tpu.memref_slice %arg2[%arg0, %dma_start3A_77, %dma_start3A_78] : memref<2x10000x128xf32, #tpu.memory_space<hbm>> -> memref<1x10000x128xf32, #tpu.memory_space<hbm>>
    %dma_start3A_80 = tpu.memref_squeeze %dma_start3A_79 : memref<1x10000x128xf32, #tpu.memory_space<hbm>> -> memref<10000x128xf32, #tpu.memory_space<hbm>>
    %dma_start3A_81 = arith.constant 0 : i32
    %dma_start3A_82 = arith.constant 0 : i32
    %dma_start3A_83 = tpu.memref_slice %dma_start3A_80[%dma_start3A_81, %dma_start3A_82] : memref<10000x128xf32, #tpu.memory_space<hbm>> -> memref<10000x128xf32, #tpu.memory_space<hbm>>
    tpu.enqueue_indirect_dma source(%dma_start3A_83 : memref<10000x128xf32, #tpu.memory_space<hbm>>) target(%dma_start3A_73 : memref<128x128xf32, #tpu.memory_space<vmem>>) offsets(%dma_start3A_76 : memref<128xi32, #tpu.memory_space<vmem>>) semaphore(%arg11 : memref<!tpu.dma_semaphore, #tpu.memory_space<semaphore_mem>>)
    %jit3A_84 = arith.constant 2 : i32
    %div3A = arith.divsi %select_n3A_67, %jit3A_84 : i32
    %sign3A = arith.constant 0 : i32
    %sign3A_85 = arith.cmpi sgt, %select_n3A_67, %sign3A : i32
    %sign3A_86 = arith.extui %sign3A_85 : i1 to i32
    %sign3A_87 = arith.constant 0 : i32
    %sign3A_88 = arith.cmpi slt, %select_n3A_67, %sign3A_87 : i32
    %sign3A_89 = arith.extui %sign3A_88 : i1 to i32
    %sign3A_90 = arith.subi %sign3A_86, %sign3A_89 : i32
    %sign3A_91 = arith.constant 0 : i32
    %sign3A_92 = arith.cmpi sgt, %jit3A_84, %sign3A_91 : i32
    %sign3A_93 = arith.extui %sign3A_92 : i1 to i32
    %sign3A_94 = arith.constant 0 : i32
    %sign3A_95 = arith.cmpi slt, %jit3A_84, %sign3A_94 : i32
    %sign3A_96 = arith.extui %sign3A_95 : i1 to i32
    %sign3A_97 = arith.subi %sign3A_93, %sign3A_96 : i32
    %ne3A = arith.cmpi ne, %sign3A_90, %sign3A_97 : i32
    %rem3A = arith.remsi %select_n3A_67, %jit3A_84 : i32
    %ne3A_98 = arith.constant 0 : i32
    %ne3A_99 = arith.cmpi ne, %rem3A, %ne3A_98 : i32
    %and3A = arith.andi %ne3A, %ne3A_99 : i1
    %sub3A = arith.constant 1 : i32
    %sub3A_100 = arith.subi %div3A, %sub3A : i32
    %select_n3A_101 = arith.select %and3A, %sub3A_100, %div3A : i32
    %while3A = arith.constant 0 : i32
    %while3A_102 = arith.subi %select_n3A_101, %while3A : i32
    %while3A_103 = arith.addi %while3A, %while3A_102 : i32
    %while3A_104 = arith.constant 1 : i32
    %while3A_105 = arith.divsi %while3A_102, %while3A_104 : i32
    %while3A_106 = arith.muli %while3A_105, %while3A_104 : i32
    %while3A_107 = arith.addi %while3A, %while3A_106 : i32
    %while3A_108 = arith.constant 1 : i32
    scf.for %while3A_121 = %while3A to %while3A_107 step %while3A_108  : i32 {
      %mul3A_122 = arith.constant 2 : i32
      %mul3A_123 = arith.muli %mul3A_122, %while3A_121 : i32
      %add3A = arith.constant 1 : i32
      %add3A_124 = arith.addi %mul3A_123, %add3A : i32
      %dma_start3A_125 = arith.constant 1 : i32
      %dma_start3A_126 = arith.constant 0 : i32
      %dma_start3A_127 = arith.constant 0 : i32
      %dma_start3A_128 = tpu.memref_slice %arg10[%dma_start3A_125, %dma_start3A_126, %dma_start3A_127] : memref<2x128x128xf32, #tpu.memory_space<vmem>> -> memref<1x128x128xf32, #tpu.memory_space<vmem>>
      %dma_start3A_129 = tpu.memref_squeeze %dma_start3A_128 : memref<1x128x128xf32, #tpu.memory_space<vmem>> -> memref<128x128xf32, #tpu.memory_space<vmem>>
      %dma_start3A_130 = arith.constant 0 : i32
      %dma_start3A_131 = tpu.memref_slice %arg8[%add3A_124, %dma_start3A_130] : memref<40x128xi32, #tpu.memory_space<vmem>> -> memref<1x128xi32, #tpu.memory_space<vmem>>
      %dma_start3A_132 = tpu.memref_squeeze %dma_start3A_131 : memref<1x128xi32, #tpu.memory_space<vmem>> -> memref<128xi32, #tpu.memory_space<vmem>>
      %dma_start3A_133 = arith.constant 0 : i32
      %dma_start3A_134 = arith.constant 0 : i32
      %dma_start3A_135 = tpu.memref_slice %arg2[%arg0, %dma_start3A_133, %dma_start3A_134] : memref<2x10000x128xf32, #tpu.memory_space<hbm>> -> memref<1x10000x128xf32, #tpu.memory_space<hbm>>
      %dma_start3A_136 = tpu.memref_squeeze %dma_start3A_135 : memref<1x10000x128xf32, #tpu.memory_space<hbm>> -> memref<10000x128xf32, #tpu.memory_space<hbm>>
      %dma_start3A_137 = arith.constant 0 : i32
      %dma_start3A_138 = arith.constant 0 : i32
      %dma_start3A_139 = tpu.memref_slice %dma_start3A_136[%dma_start3A_137, %dma_start3A_138] : memref<10000x128xf32, #tpu.memory_space<hbm>> -> memref<10000x128xf32, #tpu.memory_space<hbm>>
      tpu.enqueue_indirect_dma source(%dma_start3A_139 : memref<10000x128xf32, #tpu.memory_space<hbm>>) target(%dma_start3A_129 : memref<128x128xf32, #tpu.memory_space<vmem>>) offsets(%dma_start3A_132 : memref<128xi32, #tpu.memory_space<vmem>>) semaphore(%arg12 : memref<!tpu.dma_semaphore, #tpu.memory_space<semaphore_mem>>)
      %dma_wait3A_140 = arith.constant 0 : i32
      %dma_wait3A_141 = arith.constant 0 : i32
      %dma_wait3A_142 = arith.constant 0 : i32
      %dma_wait3A_143 = tpu.memref_slice %arg10[%dma_wait3A_140, %dma_wait3A_141, %dma_wait3A_142] : memref<2x128x128xf32, #tpu.memory_space<vmem>> -> memref<1x128x128xf32, #tpu.memory_space<vmem>>
      %dma_wait3A_144 = tpu.memref_squeeze %dma_wait3A_143 : memref<1x128x128xf32, #tpu.memory_space<vmem>> -> memref<128x128xf32, #tpu.memory_space<vmem>>
      %dma_wait3A_145 = arith.constant 0 : i32
      %dma_wait3A_146 = tpu.memref_slice %arg8[%mul3A_123, %dma_wait3A_145] : memref<40x128xi32, #tpu.memory_space<vmem>> -> memref<1x128xi32, #tpu.memory_space<vmem>>
      %dma_wait3A_147 = tpu.memref_squeeze %dma_wait3A_146 : memref<1x128xi32, #tpu.memory_space<vmem>> -> memref<128xi32, #tpu.memory_space<vmem>>
      %dma_wait3A_148 = arith.constant 0 : i32
      %dma_wait3A_149 = arith.constant 0 : i32
      %dma_wait3A_150 = tpu.memref_slice %arg2[%arg0, %dma_wait3A_148, %dma_wait3A_149] : memref<2x10000x128xf32, #tpu.memory_space<hbm>> -> memref<1x10000x128xf32, #tpu.memory_space<hbm>>
      %dma_wait3A_151 = tpu.memref_squeeze %dma_wait3A_150 : memref<1x10000x128xf32, #tpu.memory_space<hbm>> -> memref<10000x128xf32, #tpu.memory_space<hbm>>
      %dma_wait3A_152 = arith.constant 0 : i32
      %dma_wait3A_153 = arith.constant 0 : i32
      %dma_wait3A_154 = tpu.memref_slice %dma_wait3A_151[%dma_wait3A_152, %dma_wait3A_153] : memref<10000x128xf32, #tpu.memory_space<hbm>> -> memref<10000x128xf32, #tpu.memory_space<hbm>>
      tpu.wait_indirect_dma semaphore(%arg11 : memref<!tpu.dma_semaphore, #tpu.memory_space<semaphore_mem>>) src(%dma_wait3A_154 : memref<10000x128xf32, #tpu.memory_space<hbm>>) dst(%dma_wait3A_144 : memref<128x128xf32, #tpu.memory_space<vmem>>)
      %run_scoped3A = arith.constant 0 : i32
      "tpu.region"() ({
        %run_scoped3A_181 = tpu.sem_alloc : memref<!tpu.dma_semaphore, #tpu.memory_space<semaphore_mem>>
        %dma_start3A_182 = arith.constant 0 : i32
        %dma_start3A_183 = arith.constant 0 : i32
        %dma_start3A_184 = tpu.memref_slice %arg10[%run_scoped3A, %dma_start3A_182, %dma_start3A_183] : memref<2x128x128xf32, #tpu.memory_space<vmem>> -> memref<1x128x128xf32, #tpu.memory_space<vmem>>
        %dma_start3A_185 = tpu.memref_squeeze %dma_start3A_184 : memref<1x128x128xf32, #tpu.memory_space<vmem>> -> memref<128x128xf32, #tpu.memory_space<vmem>>
        %dma_start3A_186 = arith.constant 0 : i32
        %dma_start3A_187 = tpu.memref_slice %arg9[%mul3A_123, %dma_start3A_186] : memref<40x128xi32, #tpu.memory_space<vmem>> -> memref<1x128xi32, #tpu.memory_space<vmem>>
        %dma_start3A_188 = tpu.memref_squeeze %dma_start3A_187 : memref<1x128xi32, #tpu.memory_space<vmem>> -> memref<128xi32, #tpu.memory_space<vmem>>
        %dma_start3A_189 = arith.constant 0 : i32
        %dma_start3A_190 = arith.constant 0 : i32
        %dma_start3A_191 = tpu.memref_slice %arg7[%dma_start3A_189, %dma_start3A_190] : memref<10000x128xf32, #tpu.memory_space<vmem_shared>> -> memref<10000x128xf32, #tpu.memory_space<vmem_shared>>
        tpu.enqueue_indirect_dma source(%dma_start3A_185 : memref<128x128xf32, #tpu.memory_space<vmem>>) target(%dma_start3A_191 : memref<10000x128xf32, #tpu.memory_space<vmem_shared>>) offsets(%dma_start3A_188 : memref<128xi32, #tpu.memory_space<vmem>>) semaphore(%run_scoped3A_181 : memref<!tpu.dma_semaphore, #tpu.memory_space<semaphore_mem>>) {add = true}
        %dma_wait3A_192 = arith.constant 0 : i32
        %dma_wait3A_193 = arith.constant 0 : i32
        %dma_wait3A_194 = tpu.memref_slice %arg10[%run_scoped3A, %dma_wait3A_192, %dma_wait3A_193] : memref<2x128x128xf32, #tpu.memory_space<vmem>> -> memref<1x128x128xf32, #tpu.memory_space<vmem>>
        %dma_wait3A_195 = tpu.memref_squeeze %dma_wait3A_194 : memref<1x128x128xf32, #tpu.memory_space<vmem>> -> memref<128x128xf32, #tpu.memory_space<vmem>>
        %dma_wait3A_196 = arith.constant 0 : i32
        %dma_wait3A_197 = tpu.memref_slice %arg9[%mul3A_123, %dma_wait3A_196] : memref<40x128xi32, #tpu.memory_space<vmem>> -> memref<1x128xi32, #tpu.memory_space<vmem>>
        %dma_wait3A_198 = tpu.memref_squeeze %dma_wait3A_197 : memref<1x128xi32, #tpu.memory_space<vmem>> -> memref<128xi32, #tpu.memory_space<vmem>>
        %dma_wait3A_199 = arith.constant 0 : i32
        %dma_wait3A_200 = arith.constant 0 : i32
        %dma_wait3A_201 = tpu.memref_slice %arg7[%dma_wait3A_199, %dma_wait3A_200] : memref<10000x128xf32, #tpu.memory_space<vmem_shared>> -> memref<10000x128xf32, #tpu.memory_space<vmem_shared>>
        tpu.wait_indirect_dma semaphore(%run_scoped3A_181 : memref<!tpu.dma_semaphore, #tpu.memory_space<semaphore_mem>>) src(%dma_wait3A_195 : memref<128x128xf32, #tpu.memory_space<vmem>>) dst(%dma_wait3A_201 : memref<10000x128xf32, #tpu.memory_space<vmem_shared>>)
        tpu.yield
      }) : () -> ()
      %add3A_155 = arith.constant 2 : i32
      %add3A_156 = arith.addi %mul3A_123, %add3A_155 : i32
      %lt3A_157 = arith.cmpi slt, %add3A_156, %select_n3A_67 : i32
      %convert_element_type3A_158 = arith.extui %lt3A_157 : i1 to i32
      %cond3A_159 = arith.constant 0 : i32
      %cond3A_160 = arith.cmpi ne, %convert_element_type3A_158, %cond3A_159 : i32
      scf.if %cond3A_160 {
        %add3A_181 = arith.constant 2 : i32
        %add3A_182 = arith.addi %mul3A_123, %add3A_181 : i32
        %dma_start3A_183 = arith.constant 0 : i32
        %dma_start3A_184 = arith.constant 0 : i32
        %dma_start3A_185 = arith.constant 0 : i32
        %dma_start3A_186 = tpu.memref_slice %arg10[%dma_start3A_183, %dma_start3A_184, %dma_start3A_185] : memref<2x128x128xf32, #tpu.memory_space<vmem>> -> memref<1x128x128xf32, #tpu.memory_space<vmem>>
        %dma_start3A_187 = tpu.memref_squeeze %dma_start3A_186 : memref<1x128x128xf32, #tpu.memory_space<vmem>> -> memref<128x128xf32, #tpu.memory_space<vmem>>
        %dma_start3A_188 = arith.constant 0 : i32
        %dma_start3A_189 = tpu.memref_slice %arg8[%add3A_182, %dma_start3A_188] : memref<40x128xi32, #tpu.memory_space<vmem>> -> memref<1x128xi32, #tpu.memory_space<vmem>>
        %dma_start3A_190 = tpu.memref_squeeze %dma_start3A_189 : memref<1x128xi32, #tpu.memory_space<vmem>> -> memref<128xi32, #tpu.memory_space<vmem>>
        %dma_start3A_191 = arith.constant 0 : i32
        %dma_start3A_192 = arith.constant 0 : i32
        %dma_start3A_193 = tpu.memref_slice %arg2[%arg0, %dma_start3A_191, %dma_start3A_192] : memref<2x10000x128xf32, #tpu.memory_space<hbm>> -> memref<1x10000x128xf32, #tpu.memory_space<hbm>>
        %dma_start3A_194 = tpu.memref_squeeze %dma_start3A_193 : memref<1x10000x128xf32, #tpu.memory_space<hbm>> -> memref<10000x128xf32, #tpu.memory_space<hbm>>
        %dma_start3A_195 = arith.constant 0 : i32
        %dma_start3A_196 = arith.constant 0 : i32
        %dma_start3A_197 = tpu.memref_slice %dma_start3A_194[%dma_start3A_195, %dma_start3A_196] : memref<10000x128xf32, #tpu.memory_space<hbm>> -> memref<10000x128xf32, #tpu.memory_space<hbm>>
        tpu.enqueue_indirect_dma source(%dma_start3A_197 : memref<10000x128xf32, #tpu.memory_space<hbm>>) target(%dma_start3A_187 : memref<128x128xf32, #tpu.memory_space<vmem>>) offsets(%dma_start3A_190 : memref<128xi32, #tpu.memory_space<vmem>>) semaphore(%arg11 : memref<!tpu.dma_semaphore, #tpu.memory_space<semaphore_mem>>)
      } else {
      }
      %add3A_161 = arith.constant 1 : i32
      %add3A_162 = arith.addi %mul3A_123, %add3A_161 : i32
      %dma_wait3A_163 = arith.constant 1 : i32
      %dma_wait3A_164 = arith.constant 0 : i32
      %dma_wait3A_165 = arith.constant 0 : i32
      %dma_wait3A_166 = tpu.memref_slice %arg10[%dma_wait3A_163, %dma_wait3A_164, %dma_wait3A_165] : memref<2x128x128xf32, #tpu.memory_space<vmem>> -> memref<1x128x128xf32, #tpu.memory_space<vmem>>
      %dma_wait3A_167 = tpu.memref_squeeze %dma_wait3A_166 : memref<1x128x128xf32, #tpu.memory_space<vmem>> -> memref<128x128xf32, #tpu.memory_space<vmem>>
      %dma_wait3A_168 = arith.constant 0 : i32
      %dma_wait3A_169 = tpu.memref_slice %arg8[%add3A_162, %dma_wait3A_168] : memref<40x128xi32, #tpu.memory_space<vmem>> -> memref<1x128xi32, #tpu.memory_space<vmem>>
      %dma_wait3A_170 = tpu.memref_squeeze %dma_wait3A_169 : memref<1x128xi32, #tpu.memory_space<vmem>> -> memref<128xi32, #tpu.memory_space<vmem>>
      %dma_wait3A_171 = arith.constant 0 : i32
      %dma_wait3A_172 = arith.constant 0 : i32
      %dma_wait3A_173 = tpu.memref_slice %arg2[%arg0, %dma_wait3A_171, %dma_wait3A_172] : memref<2x10000x128xf32, #tpu.memory_space<hbm>> -> memref<1x10000x128xf32, #tpu.memory_space<hbm>>
      %dma_wait3A_174 = tpu.memref_squeeze %dma_wait3A_173 : memref<1x10000x128xf32, #tpu.memory_space<hbm>> -> memref<10000x128xf32, #tpu.memory_space<hbm>>
      %dma_wait3A_175 = arith.constant 0 : i32
      %dma_wait3A_176 = arith.constant 0 : i32
      %dma_wait3A_177 = tpu.memref_slice %dma_wait3A_174[%dma_wait3A_175, %dma_wait3A_176] : memref<10000x128xf32, #tpu.memory_space<hbm>> -> memref<10000x128xf32, #tpu.memory_space<hbm>>
      tpu.wait_indirect_dma semaphore(%arg12 : memref<!tpu.dma_semaphore, #tpu.memory_space<semaphore_mem>>) src(%dma_wait3A_177 : memref<10000x128xf32, #tpu.memory_space<hbm>>) dst(%dma_wait3A_167 : memref<128x128xf32, #tpu.memory_space<vmem>>)
      %add3A_178 = arith.constant 1 : i32
      %add3A_179 = arith.addi %mul3A_123, %add3A_178 : i32
      %run_scoped3A_180 = arith.constant 1 : i32
      "tpu.region"() ({
        %run_scoped3A_181 = tpu.sem_alloc : memref<!tpu.dma_semaphore, #tpu.memory_space<semaphore_mem>>
        %dma_start3A_182 = arith.constant 0 : i32
        %dma_start3A_183 = arith.constant 0 : i32
        %dma_start3A_184 = tpu.memref_slice %arg10[%run_scoped3A_180, %dma_start3A_182, %dma_start3A_183] : memref<2x128x128xf32, #tpu.memory_space<vmem>> -> memref<1x128x128xf32, #tpu.memory_space<vmem>>
        %dma_start3A_185 = tpu.memref_squeeze %dma_start3A_184 : memref<1x128x128xf32, #tpu.memory_space<vmem>> -> memref<128x128xf32, #tpu.memory_space<vmem>>
        %dma_start3A_186 = arith.constant 0 : i32
        %dma_start3A_187 = tpu.memref_slice %arg9[%add3A_179, %dma_start3A_186] : memref<40x128xi32, #tpu.memory_space<vmem>> -> memref<1x128xi32, #tpu.memory_space<vmem>>
        %dma_start3A_188 = tpu.memref_squeeze %dma_start3A_187 : memref<1x128xi32, #tpu.memory_space<vmem>> -> memref<128xi32, #tpu.memory_space<vmem>>
        %dma_start3A_189 = arith.constant 0 : i32
        %dma_start3A_190 = arith.constant 0 : i32
        %dma_start3A_191 = tpu.memref_slice %arg7[%dma_start3A_189, %dma_start3A_190] : memref<10000x128xf32, #tpu.memory_space<vmem_shared>> -> memref<10000x128xf32, #tpu.memory_space<vmem_shared>>
        tpu.enqueue_indirect_dma source(%dma_start3A_185 : memref<128x128xf32, #tpu.memory_space<vmem>>) target(%dma_start3A_191 : memref<10000x128xf32, #tpu.memory_space<vmem_shared>>) offsets(%dma_start3A_188 : memref<128xi32, #tpu.memory_space<vmem>>) semaphore(%run_scoped3A_181 : memref<!tpu.dma_semaphore, #tpu.memory_space<semaphore_mem>>) {add = true}
        %dma_wait3A_192 = arith.constant 0 : i32
        %dma_wait3A_193 = arith.constant 0 : i32
        %dma_wait3A_194 = tpu.memref_slice %arg10[%run_scoped3A_180, %dma_wait3A_192, %dma_wait3A_193] : memref<2x128x128xf32, #tpu.memory_space<vmem>> -> memref<1x128x128xf32, #tpu.memory_space<vmem>>
        %dma_wait3A_195 = tpu.memref_squeeze %dma_wait3A_194 : memref<1x128x128xf32, #tpu.memory_space<vmem>> -> memref<128x128xf32, #tpu.memory_space<vmem>>
        %dma_wait3A_196 = arith.constant 0 : i32
        %dma_wait3A_197 = tpu.memref_slice %arg9[%add3A_179, %dma_wait3A_196] : memref<40x128xi32, #tpu.memory_space<vmem>> -> memref<1x128xi32, #tpu.memory_space<vmem>>
        %dma_wait3A_198 = tpu.memref_squeeze %dma_wait3A_197 : memref<1x128xi32, #tpu.memory_space<vmem>> -> memref<128xi32, #tpu.memory_space<vmem>>
        %dma_wait3A_199 = arith.constant 0 : i32
        %dma_wait3A_200 = arith.constant 0 : i32
        %dma_wait3A_201 = tpu.memref_slice %arg7[%dma_wait3A_199, %dma_wait3A_200] : memref<10000x128xf32, #tpu.memory_space<vmem_shared>> -> memref<10000x128xf32, #tpu.memory_space<vmem_shared>>
        tpu.wait_indirect_dma semaphore(%run_scoped3A_181 : memref<!tpu.dma_semaphore, #tpu.memory_space<semaphore_mem>>) src(%dma_wait3A_195 : memref<128x128xf32, #tpu.memory_space<vmem>>) dst(%dma_wait3A_201 : memref<10000x128xf32, #tpu.memory_space<vmem_shared>>)
        tpu.yield
      }) : () -> ()
    }
    %while3A_109 = arith.constant 1 : i32
    scf.for %while3A_121 = %while3A_107 to %while3A_103 step %while3A_109  : i32 {
      %mul3A_122 = arith.constant 2 : i32
      %mul3A_123 = arith.muli %mul3A_122, %while3A_121 : i32
      %add3A = arith.constant 1 : i32
      %add3A_124 = arith.addi %mul3A_123, %add3A : i32
      %dma_start3A_125 = arith.constant 1 : i32
      %dma_start3A_126 = arith.constant 0 : i32
      %dma_start3A_127 = arith.constant 0 : i32
      %dma_start3A_128 = tpu.memref_slice %arg10[%dma_start3A_125, %dma_start3A_126, %dma_start3A_127] : memref<2x128x128xf32, #tpu.memory_space<vmem>> -> memref<1x128x128xf32, #tpu.memory_space<vmem>>
      %dma_start3A_129 = tpu.memref_squeeze %dma_start3A_128 : memref<1x128x128xf32, #tpu.memory_space<vmem>> -> memref<128x128xf32, #tpu.memory_space<vmem>>
      %dma_start3A_130 = arith.constant 0 : i32
      %dma_start3A_131 = tpu.memref_slice %arg8[%add3A_124, %dma_start3A_130] : memref<40x128xi32, #tpu.memory_space<vmem>> -> memref<1x128xi32, #tpu.memory_space<vmem>>
      %dma_start3A_132 = tpu.memref_squeeze %dma_start3A_131 : memref<1x128xi32, #tpu.memory_space<vmem>> -> memref<128xi32, #tpu.memory_space<vmem>>
      %dma_start3A_133 = arith.constant 0 : i32
      %dma_start3A_134 = arith.constant 0 : i32
      %dma_start3A_135 = tpu.memref_slice %arg2[%arg0, %dma_start3A_133, %dma_start3A_134] : memref<2x10000x128xf32, #tpu.memory_space<hbm>> -> memref<1x10000x128xf32, #tpu.memory_space<hbm>>
      %dma_start3A_136 = tpu.memref_squeeze %dma_start3A_135 : memref<1x10000x128xf32, #tpu.memory_space<hbm>> -> memref<10000x128xf32, #tpu.memory_space<hbm>>
      %dma_start3A_137 = arith.constant 0 : i32
      %dma_start3A_138 = arith.constant 0 : i32
      %dma_start3A_139 = tpu.memref_slice %dma_start3A_136[%dma_start3A_137, %dma_start3A_138] : memref<10000x128xf32, #tpu.memory_space<hbm>> -> memref<10000x128xf32, #tpu.memory_space<hbm>>
      tpu.enqueue_indirect_dma source(%dma_start3A_139 : memref<10000x128xf32, #tpu.memory_space<hbm>>) target(%dma_start3A_129 : memref<128x128xf32, #tpu.memory_space<vmem>>) offsets(%dma_start3A_132 : memref<128xi32, #tpu.memory_space<vmem>>) semaphore(%arg12 : memref<!tpu.dma_semaphore, #tpu.memory_space<semaphore_mem>>)
      %dma_wait3A_140 = arith.constant 0 : i32
      %dma_wait3A_141 = arith.constant 0 : i32
      %dma_wait3A_142 = arith.constant 0 : i32
      %dma_wait3A_143 = tpu.memref_slice %arg10[%dma_wait3A_140, %dma_wait3A_141, %dma_wait3A_142] : memref<2x128x128xf32, #tpu.memory_space<vmem>> -> memref<1x128x128xf32, #tpu.memory_space<vmem>>
      %dma_wait3A_144 = tpu.memref_squeeze %dma_wait3A_143 : memref<1x128x128xf32, #tpu.memory_space<vmem>> -> memref<128x128xf32, #tpu.memory_space<vmem>>
      %dma_wait3A_145 = arith.constant 0 : i32
      %dma_wait3A_146 = tpu.memref_slice %arg8[%mul3A_123, %dma_wait3A_145] : memref<40x128xi32, #tpu.memory_space<vmem>> -> memref<1x128xi32, #tpu.memory_space<vmem>>
      %dma_wait3A_147 = tpu.memref_squeeze %dma_wait3A_146 : memref<1x128xi32, #tpu.memory_space<vmem>> -> memref<128xi32, #tpu.memory_space<vmem>>
      %dma_wait3A_148 = arith.constant 0 : i32
      %dma_wait3A_149 = arith.constant 0 : i32
      %dma_wait3A_150 = tpu.memref_slice %arg2[%arg0, %dma_wait3A_148, %dma_wait3A_149] : memref<2x10000x128xf32, #tpu.memory_space<hbm>> -> memref<1x10000x128xf32, #tpu.memory_space<hbm>>
      %dma_wait3A_151 = tpu.memref_squeeze %dma_wait3A_150 : memref<1x10000x128xf32, #tpu.memory_space<hbm>> -> memref<10000x128xf32, #tpu.memory_space<hbm>>
      %dma_wait3A_152 = arith.constant 0 : i32
      %dma_wait3A_153 = arith.constant 0 : i32
      %dma_wait3A_154 = tpu.memref_slice %dma_wait3A_151[%dma_wait3A_152, %dma_wait3A_153] : memref<10000x128xf32, #tpu.memory_space<hbm>> -> memref<10000x128xf32, #tpu.memory_space<hbm>>
      tpu.wait_indirect_dma semaphore(%arg11 : memref<!tpu.dma_semaphore, #tpu.memory_space<semaphore_mem>>) src(%dma_wait3A_154 : memref<10000x128xf32, #tpu.memory_space<hbm>>) dst(%dma_wait3A_144 : memref<128x128xf32, #tpu.memory_space<vmem>>)
      %run_scoped3A = arith.constant 0 : i32
      "tpu.region"() ({
        %run_scoped3A_181 = tpu.sem_alloc : memref<!tpu.dma_semaphore, #tpu.memory_space<semaphore_mem>>
        %dma_start3A_182 = arith.constant 0 : i32
        %dma_start3A_183 = arith.constant 0 : i32
        %dma_start3A_184 = tpu.memref_slice %arg10[%run_scoped3A, %dma_start3A_182, %dma_start3A_183] : memref<2x128x128xf32, #tpu.memory_space<vmem>> -> memref<1x128x128xf32, #tpu.memory_space<vmem>>
        %dma_start3A_185 = tpu.memref_squeeze %dma_start3A_184 : memref<1x128x128xf32, #tpu.memory_space<vmem>> -> memref<128x128xf32, #tpu.memory_space<vmem>>
        %dma_start3A_186 = arith.constant 0 : i32
        %dma_start3A_187 = tpu.memref_slice %arg9[%mul3A_123, %dma_start3A_186] : memref<40x128xi32, #tpu.memory_space<vmem>> -> memref<1x128xi32, #tpu.memory_space<vmem>>
        %dma_start3A_188 = tpu.memref_squeeze %dma_start3A_187 : memref<1x128xi32, #tpu.memory_space<vmem>> -> memref<128xi32, #tpu.memory_space<vmem>>
        %dma_start3A_189 = arith.constant 0 : i32
        %dma_start3A_190 = arith.constant 0 : i32
        %dma_start3A_191 = tpu.memref_slice %arg7[%dma_start3A_189, %dma_start3A_190] : memref<10000x128xf32, #tpu.memory_space<vmem_shared>> -> memref<10000x128xf32, #tpu.memory_space<vmem_shared>>
        tpu.enqueue_indirect_dma source(%dma_start3A_185 : memref<128x128xf32, #tpu.memory_space<vmem>>) target(%dma_start3A_191 : memref<10000x128xf32, #tpu.memory_space<vmem_shared>>) offsets(%dma_start3A_188 : memref<128xi32, #tpu.memory_space<vmem>>) semaphore(%run_scoped3A_181 : memref<!tpu.dma_semaphore, #tpu.memory_space<semaphore_mem>>) {add = true}
        %dma_wait3A_192 = arith.constant 0 : i32
        %dma_wait3A_193 = arith.constant 0 : i32
        %dma_wait3A_194 = tpu.memref_slice %arg10[%run_scoped3A, %dma_wait3A_192, %dma_wait3A_193] : memref<2x128x128xf32, #tpu.memory_space<vmem>> -> memref<1x128x128xf32, #tpu.memory_space<vmem>>
        %dma_wait3A_195 = tpu.memref_squeeze %dma_wait3A_194 : memref<1x128x128xf32, #tpu.memory_space<vmem>> -> memref<128x128xf32, #tpu.memory_space<vmem>>
        %dma_wait3A_196 = arith.constant 0 : i32
        %dma_wait3A_197 = tpu.memref_slice %arg9[%mul3A_123, %dma_wait3A_196] : memref<40x128xi32, #tpu.memory_space<vmem>> -> memref<1x128xi32, #tpu.memory_space<vmem>>
        %dma_wait3A_198 = tpu.memref_squeeze %dma_wait3A_197 : memref<1x128xi32, #tpu.memory_space<vmem>> -> memref<128xi32, #tpu.memory_space<vmem>>
        %dma_wait3A_199 = arith.constant 0 : i32
        %dma_wait3A_200 = arith.constant 0 : i32
        %dma_wait3A_201 = tpu.memref_slice %arg7[%dma_wait3A_199, %dma_wait3A_200] : memref<10000x128xf32, #tpu.memory_space<vmem_shared>> -> memref<10000x128xf32, #tpu.memory_space<vmem_shared>>
        tpu.wait_indirect_dma semaphore(%run_scoped3A_181 : memref<!tpu.dma_semaphore, #tpu.memory_space<semaphore_mem>>) src(%dma_wait3A_195 : memref<128x128xf32, #tpu.memory_space<vmem>>) dst(%dma_wait3A_201 : memref<10000x128xf32, #tpu.memory_space<vmem_shared>>)
        tpu.yield
      }) : () -> ()
      %add3A_155 = arith.constant 2 : i32
      %add3A_156 = arith.addi %mul3A_123, %add3A_155 : i32
      %lt3A_157 = arith.cmpi slt, %add3A_156, %select_n3A_67 : i32
      %convert_element_type3A_158 = arith.extui %lt3A_157 : i1 to i32
      %cond3A_159 = arith.constant 0 : i32
      %cond3A_160 = arith.cmpi ne, %convert_element_type3A_158, %cond3A_159 : i32
      scf.if %cond3A_160 {
        %add3A_181 = arith.constant 2 : i32
        %add3A_182 = arith.addi %mul3A_123, %add3A_181 : i32
        %dma_start3A_183 = arith.constant 0 : i32
        %dma_start3A_184 = arith.constant 0 : i32
        %dma_start3A_185 = arith.constant 0 : i32
        %dma_start3A_186 = tpu.memref_slice %arg10[%dma_start3A_183, %dma_start3A_184, %dma_start3A_185] : memref<2x128x128xf32, #tpu.memory_space<vmem>> -> memref<1x128x128xf32, #tpu.memory_space<vmem>>
        %dma_start3A_187 = tpu.memref_squeeze %dma_start3A_186 : memref<1x128x128xf32, #tpu.memory_space<vmem>> -> memref<128x128xf32, #tpu.memory_space<vmem>>
        %dma_start3A_188 = arith.constant 0 : i32
        %dma_start3A_189 = tpu.memref_slice %arg8[%add3A_182, %dma_start3A_188] : memref<40x128xi32, #tpu.memory_space<vmem>> -> memref<1x128xi32, #tpu.memory_space<vmem>>
        %dma_start3A_190 = tpu.memref_squeeze %dma_start3A_189 : memref<1x128xi32, #tpu.memory_space<vmem>> -> memref<128xi32, #tpu.memory_space<vmem>>
        %dma_start3A_191 = arith.constant 0 : i32
        %dma_start3A_192 = arith.constant 0 : i32
        %dma_start3A_193 = tpu.memref_slice %arg2[%arg0, %dma_start3A_191, %dma_start3A_192] : memref<2x10000x128xf32, #tpu.memory_space<hbm>> -> memref<1x10000x128xf32, #tpu.memory_space<hbm>>
        %dma_start3A_194 = tpu.memref_squeeze %dma_start3A_193 : memref<1x10000x128xf32, #tpu.memory_space<hbm>> -> memref<10000x128xf32, #tpu.memory_space<hbm>>
        %dma_start3A_195 = arith.constant 0 : i32
        %dma_start3A_196 = arith.constant 0 : i32
        %dma_start3A_197 = tpu.memref_slice %dma_start3A_194[%dma_start3A_195, %dma_start3A_196] : memref<10000x128xf32, #tpu.memory_space<hbm>> -> memref<10000x128xf32, #tpu.memory_space<hbm>>
        tpu.enqueue_indirect_dma source(%dma_start3A_197 : memref<10000x128xf32, #tpu.memory_space<hbm>>) target(%dma_start3A_187 : memref<128x128xf32, #tpu.memory_space<vmem>>) offsets(%dma_start3A_190 : memref<128xi32, #tpu.memory_space<vmem>>) semaphore(%arg11 : memref<!tpu.dma_semaphore, #tpu.memory_space<semaphore_mem>>)
      } else {
      }
      %add3A_161 = arith.constant 1 : i32
      %add3A_162 = arith.addi %mul3A_123, %add3A_161 : i32
      %dma_wait3A_163 = arith.constant 1 : i32
      %dma_wait3A_164 = arith.constant 0 : i32
      %dma_wait3A_165 = arith.constant 0 : i32
      %dma_wait3A_166 = tpu.memref_slice %arg10[%dma_wait3A_163, %dma_wait3A_164, %dma_wait3A_165] : memref<2x128x128xf32, #tpu.memory_space<vmem>> -> memref<1x128x128xf32, #tpu.memory_space<vmem>>
      %dma_wait3A_167 = tpu.memref_squeeze %dma_wait3A_166 : memref<1x128x128xf32, #tpu.memory_space<vmem>> -> memref<128x128xf32, #tpu.memory_space<vmem>>
      %dma_wait3A_168 = arith.constant 0 : i32
      %dma_wait3A_169 = tpu.memref_slice %arg8[%add3A_162, %dma_wait3A_168] : memref<40x128xi32, #tpu.memory_space<vmem>> -> memref<1x128xi32, #tpu.memory_space<vmem>>
      %dma_wait3A_170 = tpu.memref_squeeze %dma_wait3A_169 : memref<1x128xi32, #tpu.memory_space<vmem>> -> memref<128xi32, #tpu.memory_space<vmem>>
      %dma_wait3A_171 = arith.constant 0 : i32
      %dma_wait3A_172 = arith.constant 0 : i32
      %dma_wait3A_173 = tpu.memref_slice %arg2[%arg0, %dma_wait3A_171, %dma_wait3A_172] : memref<2x10000x128xf32, #tpu.memory_space<hbm>> -> memref<1x10000x128xf32, #tpu.memory_space<hbm>>
      %dma_wait3A_174 = tpu.memref_squeeze %dma_wait3A_173 : memref<1x10000x128xf32, #tpu.memory_space<hbm>> -> memref<10000x128xf32, #tpu.memory_space<hbm>>
      %dma_wait3A_175 = arith.constant 0 : i32
      %dma_wait3A_176 = arith.constant 0 : i32
      %dma_wait3A_177 = tpu.memref_slice %dma_wait3A_174[%dma_wait3A_175, %dma_wait3A_176] : memref<10000x128xf32, #tpu.memory_space<hbm>> -> memref<10000x128xf32, #tpu.memory_space<hbm>>
      tpu.wait_indirect_dma semaphore(%arg12 : memref<!tpu.dma_semaphore, #tpu.memory_space<semaphore_mem>>) src(%dma_wait3A_177 : memref<10000x128xf32, #tpu.memory_space<hbm>>) dst(%dma_wait3A_167 : memref<128x128xf32, #tpu.memory_space<vmem>>)
      %add3A_178 = arith.constant 1 : i32
      %add3A_179 = arith.addi %mul3A_123, %add3A_178 : i32
      %run_scoped3A_180 = arith.constant 1 : i32
      "tpu.region"() ({
        %run_scoped3A_181 = tpu.sem_alloc : memref<!tpu.dma_semaphore, #tpu.memory_space<semaphore_mem>>
        %dma_start3A_182 = arith.constant 0 : i32
        %dma_start3A_183 = arith.constant 0 : i32
        %dma_start3A_184 = tpu.memref_slice %arg10[%run_scoped3A_180, %dma_start3A_182, %dma_start3A_183] : memref<2x128x128xf32, #tpu.memory_space<vmem>> -> memref<1x128x128xf32, #tpu.memory_space<vmem>>
        %dma_start3A_185 = tpu.memref_squeeze %dma_start3A_184 : memref<1x128x128xf32, #tpu.memory_space<vmem>> -> memref<128x128xf32, #tpu.memory_space<vmem>>
        %dma_start3A_186 = arith.constant 0 : i32
        %dma_start3A_187 = tpu.memref_slice %arg9[%add3A_179, %dma_start3A_186] : memref<40x128xi32, #tpu.memory_space<vmem>> -> memref<1x128xi32, #tpu.memory_space<vmem>>
        %dma_start3A_188 = tpu.memref_squeeze %dma_start3A_187 : memref<1x128xi32, #tpu.memory_space<vmem>> -> memref<128xi32, #tpu.memory_space<vmem>>
        %dma_start3A_189 = arith.constant 0 : i32
        %dma_start3A_190 = arith.constant 0 : i32
        %dma_start3A_191 = tpu.memref_slice %arg7[%dma_start3A_189, %dma_start3A_190] : memref<10000x128xf32, #tpu.memory_space<vmem_shared>> -> memref<10000x128xf32, #tpu.memory_space<vmem_shared>>
        tpu.enqueue_indirect_dma source(%dma_start3A_185 : memref<128x128xf32, #tpu.memory_space<vmem>>) target(%dma_start3A_191 : memref<10000x128xf32, #tpu.memory_space<vmem_shared>>) offsets(%dma_start3A_188 : memref<128xi32, #tpu.memory_space<vmem>>) semaphore(%run_scoped3A_181 : memref<!tpu.dma_semaphore, #tpu.memory_space<semaphore_mem>>) {add = true}
        %dma_wait3A_192 = arith.constant 0 : i32
        %dma_wait3A_193 = arith.constant 0 : i32
        %dma_wait3A_194 = tpu.memref_slice %arg10[%run_scoped3A_180, %dma_wait3A_192, %dma_wait3A_193] : memref<2x128x128xf32, #tpu.memory_space<vmem>> -> memref<1x128x128xf32, #tpu.memory_space<vmem>>
        %dma_wait3A_195 = tpu.memref_squeeze %dma_wait3A_194 : memref<1x128x128xf32, #tpu.memory_space<vmem>> -> memref<128x128xf32, #tpu.memory_space<vmem>>
        %dma_wait3A_196 = arith.constant 0 : i32
        %dma_wait3A_197 = tpu.memref_slice %arg9[%add3A_179, %dma_wait3A_196] : memref<40x128xi32, #tpu.memory_space<vmem>> -> memref<1x128xi32, #tpu.memory_space<vmem>>
        %dma_wait3A_198 = tpu.memref_squeeze %dma_wait3A_197 : memref<1x128xi32, #tpu.memory_space<vmem>> -> memref<128xi32, #tpu.memory_space<vmem>>
        %dma_wait3A_199 = arith.constant 0 : i32
        %dma_wait3A_200 = arith.constant 0 : i32
        %dma_wait3A_201 = tpu.memref_slice %arg7[%dma_wait3A_199, %dma_wait3A_200] : memref<10000x128xf32, #tpu.memory_space<vmem_shared>> -> memref<10000x128xf32, #tpu.memory_space<vmem_shared>>
        tpu.wait_indirect_dma semaphore(%run_scoped3A_181 : memref<!tpu.dma_semaphore, #tpu.memory_space<semaphore_mem>>) src(%dma_wait3A_195 : memref<128x128xf32, #tpu.memory_space<vmem>>) dst(%dma_wait3A_201 : memref<10000x128xf32, #tpu.memory_space<vmem_shared>>)
        tpu.yield
      }) : () -> ()
    }
    %barrier3A_110 = arith.constant 0 : index
    tpu.barrier barrier_id(%barrier3A_110)
    %lt3A_111 = arith.constant 15 : i32
    %lt3A_112 = arith.cmpi slt, %arg1, %lt3A_111 : i32
    %convert_element_type3A_113 = arith.extui %lt3A_112 : i1 to i32
    %cond3A_114 = arith.constant 0 : i32
    %cond3A_115 = arith.cmpi ne, %convert_element_type3A_113, %cond3A_114 : i32
    scf.if %cond3A_115 {
      "tpu.region"() ({
        %run_scoped3A = tpu.sem_alloc : memref<!tpu.dma_semaphore, #tpu.memory_space<semaphore_mem>>
        %dma_start3A_121 = arith.constant 0 : i32
        %dma_start3A_122 = arith.constant 0 : i32
        %dma_start3A_123 = tpu.memref_slice %arg6[%arg0, %dma_start3A_121, %dma_start3A_122] : memref<2x10000x128xf32, #tpu.memory_space<hbm>> -> memref<1x10000x128xf32, #tpu.memory_space<hbm>>
        %dma_start3A_124 = tpu.memref_squeeze %dma_start3A_123 : memref<1x10000x128xf32, #tpu.memory_space<hbm>> -> memref<10000x128xf32, #tpu.memory_space<hbm>>
        %dma_start3A_125 = arith.constant 0 : i32
        %dma_start3A_126 = tpu.memref_slice %dma_start3A_124[%multiple_of3A, %dma_start3A_125] : memref<10000x128xf32, #tpu.memory_space<hbm>> -> memref<632x128xf32, #tpu.memory_space<hbm>>
        %dma_start3A_127 = arith.constant 0 : i32
        %dma_start3A_128 = tpu.memref_slice %arg7[%multiple_of3A, %dma_start3A_127] : memref<10000x128xf32, #tpu.memory_space<vmem_shared>> -> memref<632x128xf32, #tpu.memory_space<vmem_shared>>
        tpu.enqueue_dma source(%dma_start3A_128 : memref<632x128xf32, #tpu.memory_space<vmem_shared>>) target(%dma_start3A_126 : memref<632x128xf32, #tpu.memory_space<hbm>>) target_semaphore(%run_scoped3A : memref<!tpu.dma_semaphore, #tpu.memory_space<semaphore_mem>>)
        %dma_wait3A_129 = arith.constant 0 : i32
        %dma_wait3A_130 = arith.constant 0 : i32
        %dma_wait3A_131 = tpu.memref_slice %arg6[%arg0, %dma_wait3A_129, %dma_wait3A_130] : memref<2x10000x128xf32, #tpu.memory_space<hbm>> -> memref<1x10000x128xf32, #tpu.memory_space<hbm>>
        %dma_wait3A_132 = tpu.memref_squeeze %dma_wait3A_131 : memref<1x10000x128xf32, #tpu.memory_space<hbm>> -> memref<10000x128xf32, #tpu.memory_space<hbm>>
        %dma_wait3A_133 = arith.constant 0 : i32
        %dma_wait3A_134 = tpu.memref_slice %dma_wait3A_132[%multiple_of3A, %dma_wait3A_133] : memref<10000x128xf32, #tpu.memory_space<hbm>> -> memref<632x128xf32, #tpu.memory_space<hbm>>
        %dma_wait3A_135 = arith.constant 0 : i32
        %dma_wait3A_136 = tpu.memref_slice %arg7[%multiple_of3A, %dma_wait3A_135] : memref<10000x128xf32, #tpu.memory_space<vmem_shared>> -> memref<632x128xf32, #tpu.memory_space<vmem_shared>>
        tpu.wait_dma2 semaphore(%run_scoped3A : memref<!tpu.dma_semaphore, #tpu.memory_space<semaphore_mem>>) src(%dma_wait3A_136 : memref<632x128xf32, #tpu.memory_space<vmem_shared>>) dst(%dma_wait3A_134 : memref<632x128xf32, #tpu.memory_space<hbm>>)
        tpu.yield
      }) : () -> ()
    } else {
    }
    %eq3A_116 = arith.constant 15 : i32
    %eq3A_117 = arith.cmpi eq, %arg1, %eq3A_116 : i32
    %convert_element_type3A_118 = arith.extui %eq3A_117 : i1 to i32
    %cond3A_119 = arith.constant 0 : i32
    %cond3A_120 = arith.cmpi ne, %convert_element_type3A_118, %cond3A_119 : i32
    scf.if %cond3A_120 {
      "tpu.region"() ({
        %run_scoped3A = tpu.sem_alloc : memref<!tpu.dma_semaphore, #tpu.memory_space<semaphore_mem>>
        %dma_start3A_121 = arith.constant 0 : i32
        %dma_start3A_122 = arith.constant 0 : i32
        %dma_start3A_123 = tpu.memref_slice %arg6[%arg0, %dma_start3A_121, %dma_start3A_122] : memref<2x10000x128xf32, #tpu.memory_space<hbm>> -> memref<1x10000x128xf32, #tpu.memory_space<hbm>>
        %dma_start3A_124 = tpu.memref_squeeze %dma_start3A_123 : memref<1x10000x128xf32, #tpu.memory_space<hbm>> -> memref<10000x128xf32, #tpu.memory_space<hbm>>
        %dma_start3A_125 = arith.constant 9480 : i32
        %dma_start3A_126 = arith.constant 0 : i32
        %dma_start3A_127 = tpu.memref_slice %dma_start3A_124[%dma_start3A_125, %dma_start3A_126] : memref<10000x128xf32, #tpu.memory_space<hbm>> -> memref<520x128xf32, #tpu.memory_space<hbm>>
        %dma_start3A_128 = arith.constant 9480 : i32
        %dma_start3A_129 = arith.constant 0 : i32
        %dma_start3A_130 = tpu.memref_slice %arg7[%dma_start3A_128, %dma_start3A_129] : memref<10000x128xf32, #tpu.memory_space<vmem_shared>> -> memref<520x128xf32, #tpu.memory_space<vmem_shared>>
        tpu.enqueue_dma source(%dma_start3A_130 : memref<520x128xf32, #tpu.memory_space<vmem_shared>>) target(%dma_start3A_127 : memref<520x128xf32, #tpu.memory_space<hbm>>) target_semaphore(%run_scoped3A : memref<!tpu.dma_semaphore, #tpu.memory_space<semaphore_mem>>)
        %dma_wait3A_131 = arith.constant 0 : i32
        %dma_wait3A_132 = arith.constant 0 : i32
        %dma_wait3A_133 = tpu.memref_slice %arg6[%arg0, %dma_wait3A_131, %dma_wait3A_132] : memref<2x10000x128xf32, #tpu.memory_space<hbm>> -> memref<1x10000x128xf32, #tpu.memory_space<hbm>>
        %dma_wait3A_134 = tpu.memref_squeeze %dma_wait3A_133 : memref<1x10000x128xf32, #tpu.memory_space<hbm>> -> memref<10000x128xf32, #tpu.memory_space<hbm>>
        %dma_wait3A_135 = arith.constant 9480 : i32
        %dma_wait3A_136 = arith.constant 0 : i32
        %dma_wait3A_137 = tpu.memref_slice %dma_wait3A_134[%dma_wait3A_135, %dma_wait3A_136] : memref<10000x128xf32, #tpu.memory_space<hbm>> -> memref<520x128xf32, #tpu.memory_space<hbm>>
        %dma_wait3A_138 = arith.constant 9480 : i32
        %dma_wait3A_139 = arith.constant 0 : i32
        %dma_wait3A_140 = tpu.memref_slice %arg7[%dma_wait3A_138, %dma_wait3A_139] : memref<10000x128xf32, #tpu.memory_space<vmem_shared>> -> memref<520x128xf32, #tpu.memory_space<vmem_shared>>
        tpu.wait_dma2 semaphore(%run_scoped3A : memref<!tpu.dma_semaphore, #tpu.memory_space<semaphore_mem>>) src(%dma_wait3A_140 : memref<520x128xf32, #tpu.memory_space<vmem_shared>>) dst(%dma_wait3A_137 : memref<520x128xf32, #tpu.memory_space<hbm>>)
        tpu.yield
      }) : () -> ()
    } else {
    }
    return
  }
}

#map = affine_map<(d0, d1) -> (0, 0)>
#map1 = affine_map<(d0, d1) -> (0)>
module attributes {stable_mosaic.version = 14 : i64} {
  func.func @_deg_kernel(%arg0: i32, %arg1: i32, %arg2: memref<1250x128xi32, #tpu.memory_space<hbm>>, %arg3: memref<10000xf32, #tpu.memory_space<hbm>>, %arg4: memref<2x10000xf32, #tpu.memory_space<hbm>>, %arg5: memref<10000xf32, #tpu.memory_space<vmem_shared>>, %arg6: memref<128xf32, #tpu.memory_space<vmem>>, %arg7: memref<40x128xi32, #tpu.memory_space<vmem>>, %arg8: memref<!tpu.dma_semaphore, #tpu.memory_space<semaphore_mem>>) attributes {dimension_semantics = [#tpu.dimension_semantics<core_parallel>, #tpu.dimension_semantics<subcore_parallel>], iteration_bounds = array<i64: 2, 16>, scalar_prefetch = 0 : i64, scratch_operands = 4 : i64, tpu.core_type = #tpu.core_type<sc_vector_subcore>, window_params = [{transform_indices = #map}, {transform_indices = #map1}, {transform_indices = #map}]} {
    %mul3A = arith.constant 16 : i32
    %mul3A_0 = arith.muli %arg0, %mul3A : i32
    %add3A = arith.addi %mul3A_0, %arg1 : i32
    %lt3A = arith.constant 31 : i32
    %lt3A_1 = arith.cmpi slt, %add3A, %lt3A : i32
    %convert_element_type3A = arith.extui %lt3A_1 : i1 to i32
    %cond3A = arith.constant 0 : i32
    %cond3A_2 = arith.cmpi ne, %convert_element_type3A, %cond3A : i32
    scf.if %cond3A_2 {
      %mul3A_94 = arith.constant 40 : i32
      %mul3A_95 = arith.muli %add3A, %mul3A_94 : i32
      %multiple_of3A = tpu.assume_multiple %mul3A_95, 8 : i32
      %dma_start3A = arith.constant 0 : i32
      %dma_start3A_96 = tpu.memref_slice %arg2[%multiple_of3A, %dma_start3A] : memref<1250x128xi32, #tpu.memory_space<hbm>> -> memref<40x128xi32, #tpu.memory_space<hbm>>
      %dma_start3A_97 = arith.constant 0 : i32
      %dma_start3A_98 = tpu.memref_slice %arg2[%multiple_of3A, %dma_start3A_97] : memref<1250x128xi32, #tpu.memory_space<hbm>> -> memref<40x128xi32, #tpu.memory_space<hbm>>
      tpu.enqueue_dma source(%dma_start3A_98 : memref<40x128xi32, #tpu.memory_space<hbm>>) target(%arg7 : memref<40x128xi32, #tpu.memory_space<vmem>>) target_semaphore(%arg8 : memref<!tpu.dma_semaphore, #tpu.memory_space<semaphore_mem>>)
    } else {
    }
    %eq3A = arith.constant 31 : i32
    %eq3A_3 = arith.cmpi eq, %add3A, %eq3A : i32
    %convert_element_type3A_4 = arith.extui %eq3A_3 : i1 to i32
    %cond3A_5 = arith.constant 0 : i32
    %cond3A_6 = arith.cmpi ne, %convert_element_type3A_4, %cond3A_5 : i32
    scf.if %cond3A_6 {
      %dma_start3A = arith.constant 0 : i32
      %dma_start3A_94 = arith.constant 0 : i32
      %dma_start3A_95 = tpu.memref_slice %arg7[%dma_start3A, %dma_start3A_94] : memref<40x128xi32, #tpu.memory_space<vmem>> -> memref<10x128xi32, #tpu.memory_space<vmem>>
      %dma_start3A_96 = arith.constant 1240 : i32
      %dma_start3A_97 = arith.constant 0 : i32
      %dma_start3A_98 = tpu.memref_slice %arg2[%dma_start3A_96, %dma_start3A_97] : memref<1250x128xi32, #tpu.memory_space<hbm>> -> memref<10x128xi32, #tpu.memory_space<hbm>>
      %dma_start3A_99 = arith.constant 0 : i32
      %dma_start3A_100 = arith.constant 0 : i32
      %dma_start3A_101 = tpu.memref_slice %arg7[%dma_start3A_99, %dma_start3A_100] : memref<40x128xi32, #tpu.memory_space<vmem>> -> memref<10x128xi32, #tpu.memory_space<vmem>>
      %dma_start3A_102 = arith.constant 1240 : i32
      %dma_start3A_103 = arith.constant 0 : i32
      %dma_start3A_104 = tpu.memref_slice %arg2[%dma_start3A_102, %dma_start3A_103] : memref<1250x128xi32, #tpu.memory_space<hbm>> -> memref<10x128xi32, #tpu.memory_space<hbm>>
      tpu.enqueue_dma source(%dma_start3A_104 : memref<10x128xi32, #tpu.memory_space<hbm>>) target(%dma_start3A_101 : memref<10x128xi32, #tpu.memory_space<vmem>>) target_semaphore(%arg8 : memref<!tpu.dma_semaphore, #tpu.memory_space<semaphore_mem>>)
    } else {
    }
    %eq3A_7 = arith.constant 0 : i32
    %eq3A_8 = arith.cmpi eq, %arg1, %eq3A_7 : i32
    %convert_element_type3A_9 = arith.extui %eq3A_8 : i1 to i32
    %cond3A_10 = arith.constant 0 : i32
    %cond3A_11 = arith.cmpi ne, %convert_element_type3A_9, %cond3A_10 : i32
    scf.if %cond3A_11 {
      "tpu.region"() ({
        %run_scoped3A = tpu.sem_alloc : memref<!tpu.dma_semaphore, #tpu.memory_space<semaphore_mem>>
        tpu.enqueue_dma source(%arg3 : memref<10000xf32, #tpu.memory_space<hbm>>) target(%arg5 : memref<10000xf32, #tpu.memory_space<vmem_shared>>) target_semaphore(%run_scoped3A : memref<!tpu.dma_semaphore, #tpu.memory_space<semaphore_mem>>)
        tpu.wait_dma2 semaphore(%run_scoped3A : memref<!tpu.dma_semaphore, #tpu.memory_space<semaphore_mem>>) src(%arg3 : memref<10000xf32, #tpu.memory_space<hbm>>) dst(%arg5 : memref<10000xf32, #tpu.memory_space<vmem_shared>>)
        tpu.yield
      }) : () -> ()
    } else {
    }
    %broadcast_in_dim3A = arith.constant 1.000000e+00 : f32
    %broadcast_in_dim3A_12 = vector.broadcast %broadcast_in_dim3A : f32 to vector<16xf32>
    %swap3A = arith.constant 0 : index
    %swap3A_13 = tpu.vector_load %arg6[%swap3A] {strides = array<i32>} : memref<128xf32, #tpu.memory_space<vmem>>, vector<16xf32>,
    %swap3A_14 = vector.shape_cast %swap3A_13 : vector<16xf32> to vector<16xf32>
    %swap3A_15 = vector.shape_cast %broadcast_in_dim3A_12 : vector<16xf32> to vector<16xf32>
    tpu.vector_store %arg6[%swap3A], %swap3A_15 {strides = array<i32>} : memref<128xf32, #tpu.memory_space<vmem>>, vector<16xf32>,
    %broadcast_in_dim3A_16 = arith.constant 1.000000e+00 : f32
    %broadcast_in_dim3A_17 = vector.broadcast %broadcast_in_dim3A_16 : f32 to vector<16xf32>
    %swap3A_18 = arith.constant 16 : index
    %swap3A_19 = tpu.vector_load %arg6[%swap3A_18] {strides = array<i32>} : memref<128xf32, #tpu.memory_space<vmem>>, vector<16xf32>,
    %swap3A_20 = vector.shape_cast %swap3A_19 : vector<16xf32> to vector<16xf32>
    %swap3A_21 = vector.shape_cast %broadcast_in_dim3A_17 : vector<16xf32> to vector<16xf32>
    tpu.vector_store %arg6[%swap3A_18], %swap3A_21 {strides = array<i32>} : memref<128xf32, #tpu.memory_space<vmem>>, vector<16xf32>,
    %broadcast_in_dim3A_22 = arith.constant 1.000000e+00 : f32
    %broadcast_in_dim3A_23 = vector.broadcast %broadcast_in_dim3A_22 : f32 to vector<16xf32>
    %swap3A_24 = arith.constant 32 : index
    %swap3A_25 = tpu.vector_load %arg6[%swap3A_24] {strides = array<i32>} : memref<128xf32, #tpu.memory_space<vmem>>, vector<16xf32>,
    %swap3A_26 = vector.shape_cast %swap3A_25 : vector<16xf32> to vector<16xf32>
    %swap3A_27 = vector.shape_cast %broadcast_in_dim3A_23 : vector<16xf32> to vector<16xf32>
    tpu.vector_store %arg6[%swap3A_24], %swap3A_27 {strides = array<i32>} : memref<128xf32, #tpu.memory_space<vmem>>, vector<16xf32>,
    %broadcast_in_dim3A_28 = arith.constant 1.000000e+00 : f32
    %broadcast_in_dim3A_29 = vector.broadcast %broadcast_in_dim3A_28 : f32 to vector<16xf32>
    %swap3A_30 = arith.constant 48 : index
    %swap3A_31 = tpu.vector_load %arg6[%swap3A_30] {strides = array<i32>} : memref<128xf32, #tpu.memory_space<vmem>>, vector<16xf32>,
    %swap3A_32 = vector.shape_cast %swap3A_31 : vector<16xf32> to vector<16xf32>
    %swap3A_33 = vector.shape_cast %broadcast_in_dim3A_29 : vector<16xf32> to vector<16xf32>
    tpu.vector_store %arg6[%swap3A_30], %swap3A_33 {strides = array<i32>} : memref<128xf32, #tpu.memory_space<vmem>>, vector<16xf32>,
    %broadcast_in_dim3A_34 = arith.constant 1.000000e+00 : f32
    %broadcast_in_dim3A_35 = vector.broadcast %broadcast_in_dim3A_34 : f32 to vector<16xf32>
    %swap3A_36 = arith.constant 64 : index
    %swap3A_37 = tpu.vector_load %arg6[%swap3A_36] {strides = array<i32>} : memref<128xf32, #tpu.memory_space<vmem>>, vector<16xf32>,
    %swap3A_38 = vector.shape_cast %swap3A_37 : vector<16xf32> to vector<16xf32>
    %swap3A_39 = vector.shape_cast %broadcast_in_dim3A_35 : vector<16xf32> to vector<16xf32>
    tpu.vector_store %arg6[%swap3A_36], %swap3A_39 {strides = array<i32>} : memref<128xf32, #tpu.memory_space<vmem>>, vector<16xf32>,
    %broadcast_in_dim3A_40 = arith.constant 1.000000e+00 : f32
    %broadcast_in_dim3A_41 = vector.broadcast %broadcast_in_dim3A_40 : f32 to vector<16xf32>
    %swap3A_42 = arith.constant 80 : index
    %swap3A_43 = tpu.vector_load %arg6[%swap3A_42] {strides = array<i32>} : memref<128xf32, #tpu.memory_space<vmem>>, vector<16xf32>,
    %swap3A_44 = vector.shape_cast %swap3A_43 : vector<16xf32> to vector<16xf32>
    %swap3A_45 = vector.shape_cast %broadcast_in_dim3A_41 : vector<16xf32> to vector<16xf32>
    tpu.vector_store %arg6[%swap3A_42], %swap3A_45 {strides = array<i32>} : memref<128xf32, #tpu.memory_space<vmem>>, vector<16xf32>,
    %broadcast_in_dim3A_46 = arith.constant 1.000000e+00 : f32
    %broadcast_in_dim3A_47 = vector.broadcast %broadcast_in_dim3A_46 : f32 to vector<16xf32>
    %swap3A_48 = arith.constant 96 : index
    %swap3A_49 = tpu.vector_load %arg6[%swap3A_48] {strides = array<i32>} : memref<128xf32, #tpu.memory_space<vmem>>, vector<16xf32>,
    %swap3A_50 = vector.shape_cast %swap3A_49 : vector<16xf32> to vector<16xf32>
    %swap3A_51 = vector.shape_cast %broadcast_in_dim3A_47 : vector<16xf32> to vector<16xf32>
    tpu.vector_store %arg6[%swap3A_48], %swap3A_51 {strides = array<i32>} : memref<128xf32, #tpu.memory_space<vmem>>, vector<16xf32>,
    %broadcast_in_dim3A_52 = arith.constant 1.000000e+00 : f32
    %broadcast_in_dim3A_53 = vector.broadcast %broadcast_in_dim3A_52 : f32 to vector<16xf32>
    %swap3A_54 = arith.constant 112 : index
    %swap3A_55 = tpu.vector_load %arg6[%swap3A_54] {strides = array<i32>} : memref<128xf32, #tpu.memory_space<vmem>>, vector<16xf32>,
    %swap3A_56 = vector.shape_cast %swap3A_55 : vector<16xf32> to vector<16xf32>
    %swap3A_57 = vector.shape_cast %broadcast_in_dim3A_53 : vector<16xf32> to vector<16xf32>
    tpu.vector_store %arg6[%swap3A_54], %swap3A_57 {strides = array<i32>} : memref<128xf32, #tpu.memory_space<vmem>>, vector<16xf32>,
    %barrier3A = arith.constant 0 : index
    tpu.barrier barrier_id(%barrier3A)
    %lt3A_58 = arith.constant 31 : i32
    %lt3A_59 = arith.cmpi slt, %add3A, %lt3A_58 : i32
    %convert_element_type3A_60 = arith.extui %lt3A_59 : i1 to i32
    %cond3A_61 = arith.constant 0 : i32
    %cond3A_62 = arith.cmpi ne, %convert_element_type3A_60, %cond3A_61 : i32
    scf.if %cond3A_62 {
      %mul3A_94 = arith.constant 40 : i32
      %mul3A_95 = arith.muli %add3A, %mul3A_94 : i32
      %multiple_of3A = tpu.assume_multiple %mul3A_95, 8 : i32
      %dma_wait3A = arith.constant 0 : i32
      %dma_wait3A_96 = tpu.memref_slice %arg2[%multiple_of3A, %dma_wait3A] : memref<1250x128xi32, #tpu.memory_space<hbm>> -> memref<40x128xi32, #tpu.memory_space<hbm>>
      %dma_wait3A_97 = arith.constant 0 : i32
      %dma_wait3A_98 = tpu.memref_slice %arg2[%multiple_of3A, %dma_wait3A_97] : memref<1250x128xi32, #tpu.memory_space<hbm>> -> memref<40x128xi32, #tpu.memory_space<hbm>>
      tpu.wait_dma2 semaphore(%arg8 : memref<!tpu.dma_semaphore, #tpu.memory_space<semaphore_mem>>) src(%dma_wait3A_98 : memref<40x128xi32, #tpu.memory_space<hbm>>) dst(%arg7 : memref<40x128xi32, #tpu.memory_space<vmem>>)
    } else {
    }
    %eq3A_63 = arith.constant 31 : i32
    %eq3A_64 = arith.cmpi eq, %add3A, %eq3A_63 : i32
    %convert_element_type3A_65 = arith.extui %eq3A_64 : i1 to i32
    %cond3A_66 = arith.constant 0 : i32
    %cond3A_67 = arith.cmpi ne, %convert_element_type3A_65, %cond3A_66 : i32
    scf.if %cond3A_67 {
      %dma_wait3A = arith.constant 0 : i32
      %dma_wait3A_94 = arith.constant 0 : i32
      %dma_wait3A_95 = tpu.memref_slice %arg7[%dma_wait3A, %dma_wait3A_94] : memref<40x128xi32, #tpu.memory_space<vmem>> -> memref<10x128xi32, #tpu.memory_space<vmem>>
      %dma_wait3A_96 = arith.constant 1240 : i32
      %dma_wait3A_97 = arith.constant 0 : i32
      %dma_wait3A_98 = tpu.memref_slice %arg2[%dma_wait3A_96, %dma_wait3A_97] : memref<1250x128xi32, #tpu.memory_space<hbm>> -> memref<10x128xi32, #tpu.memory_space<hbm>>
      %dma_wait3A_99 = arith.constant 0 : i32
      %dma_wait3A_100 = arith.constant 0 : i32
      %dma_wait3A_101 = tpu.memref_slice %arg7[%dma_wait3A_99, %dma_wait3A_100] : memref<40x128xi32, #tpu.memory_space<vmem>> -> memref<10x128xi32, #tpu.memory_space<vmem>>
      %dma_wait3A_102 = arith.constant 1240 : i32
      %dma_wait3A_103 = arith.constant 0 : i32
      %dma_wait3A_104 = tpu.memref_slice %arg2[%dma_wait3A_102, %dma_wait3A_103] : memref<1250x128xi32, #tpu.memory_space<hbm>> -> memref<10x128xi32, #tpu.memory_space<hbm>>
      tpu.wait_dma2 semaphore(%arg8 : memref<!tpu.dma_semaphore, #tpu.memory_space<semaphore_mem>>) src(%dma_wait3A_104 : memref<10x128xi32, #tpu.memory_space<hbm>>) dst(%dma_wait3A_101 : memref<10x128xi32, #tpu.memory_space<vmem>>)
    } else {
    }
    %lt3A_68 = arith.constant 31 : i32
    %lt3A_69 = arith.cmpi slt, %add3A, %lt3A_68 : i32
    %jit3A = arith.constant 40 : i32
    %jit3A_70 = arith.constant 10 : i32
    %select_n3A = arith.select %lt3A_69, %jit3A, %jit3A_70 : i32
    %while3A = arith.constant 0 : i32
    %while3A_71 = arith.subi %select_n3A, %while3A : i32
    %while3A_72 = arith.addi %while3A, %while3A_71 : i32
    %while3A_73 = arith.constant 1 : i32
    %while3A_74 = arith.divsi %while3A_71, %while3A_73 : i32
    %while3A_75 = arith.muli %while3A_74, %while3A_73 : i32
    %while3A_76 = arith.addi %while3A, %while3A_75 : i32
    %while3A_77 = arith.constant 1 : i32
    scf.for %while3A_94 = %while3A to %while3A_76 step %while3A_77  : i32 {
      %dma_start3A = arith.constant 0 : i32
      %dma_start3A_95 = tpu.memref_slice %arg7[%while3A_94, %dma_start3A] : memref<40x128xi32, #tpu.memory_space<vmem>> -> memref<1x128xi32, #tpu.memory_space<vmem>>
      %dma_start3A_96 = tpu.memref_squeeze %dma_start3A_95 : memref<1x128xi32, #tpu.memory_space<vmem>> -> memref<128xi32, #tpu.memory_space<vmem>>
      %dma_start3A_97 = arith.constant 0 : i32
      %dma_start3A_98 = tpu.memref_slice %arg5[%dma_start3A_97] : memref<10000xf32, #tpu.memory_space<vmem_shared>> -> memref<10000xf32, #tpu.memory_space<vmem_shared>>
      tpu.enqueue_indirect_dma source(%arg6 : memref<128xf32, #tpu.memory_space<vmem>>) target(%dma_start3A_98 : memref<10000xf32, #tpu.memory_space<vmem_shared>>) offsets(%dma_start3A_96 : memref<128xi32, #tpu.memory_space<vmem>>) semaphore(%arg8 : memref<!tpu.dma_semaphore, #tpu.memory_space<semaphore_mem>>) {add = true}
    }
    %while3A_78 = arith.constant 1 : i32
    scf.for %while3A_94 = %while3A_76 to %while3A_72 step %while3A_78  : i32 {
      %dma_start3A = arith.constant 0 : i32
      %dma_start3A_95 = tpu.memref_slice %arg7[%while3A_94, %dma_start3A] : memref<40x128xi32, #tpu.memory_space<vmem>> -> memref<1x128xi32, #tpu.memory_space<vmem>>
      %dma_start3A_96 = tpu.memref_squeeze %dma_start3A_95 : memref<1x128xi32, #tpu.memory_space<vmem>> -> memref<128xi32, #tpu.memory_space<vmem>>
      %dma_start3A_97 = arith.constant 0 : i32
      %dma_start3A_98 = tpu.memref_slice %arg5[%dma_start3A_97] : memref<10000xf32, #tpu.memory_space<vmem_shared>> -> memref<10000xf32, #tpu.memory_space<vmem_shared>>
      tpu.enqueue_indirect_dma source(%arg6 : memref<128xf32, #tpu.memory_space<vmem>>) target(%dma_start3A_98 : memref<10000xf32, #tpu.memory_space<vmem_shared>>) offsets(%dma_start3A_96 : memref<128xi32, #tpu.memory_space<vmem>>) semaphore(%arg8 : memref<!tpu.dma_semaphore, #tpu.memory_space<semaphore_mem>>) {add = true}
    }
    %while3A_79 = arith.constant 0 : i32
    %while3A_80 = arith.subi %select_n3A, %while3A_79 : i32
    %while3A_81 = arith.addi %while3A_79, %while3A_80 : i32
    %while3A_82 = arith.constant 1 : i32
    %while3A_83 = arith.divsi %while3A_80, %while3A_82 : i32
    %while3A_84 = arith.muli %while3A_83, %while3A_82 : i32
    %while3A_85 = arith.addi %while3A_79, %while3A_84 : i32
    %while3A_86 = arith.constant 1 : i32
    scf.for %while3A_94 = %while3A_79 to %while3A_85 step %while3A_86  : i32 {
      %dma_wait3A = arith.constant 0 : i32
      %dma_wait3A_95 = tpu.memref_slice %arg7[%while3A_94, %dma_wait3A] : memref<40x128xi32, #tpu.memory_space<vmem>> -> memref<1x128xi32, #tpu.memory_space<vmem>>
      %dma_wait3A_96 = tpu.memref_squeeze %dma_wait3A_95 : memref<1x128xi32, #tpu.memory_space<vmem>> -> memref<128xi32, #tpu.memory_space<vmem>>
      %dma_wait3A_97 = arith.constant 0 : i32
      %dma_wait3A_98 = tpu.memref_slice %arg5[%dma_wait3A_97] : memref<10000xf32, #tpu.memory_space<vmem_shared>> -> memref<10000xf32, #tpu.memory_space<vmem_shared>>
      tpu.wait_indirect_dma semaphore(%arg8 : memref<!tpu.dma_semaphore, #tpu.memory_space<semaphore_mem>>) src(%arg6 : memref<128xf32, #tpu.memory_space<vmem>>) dst(%dma_wait3A_98 : memref<10000xf32, #tpu.memory_space<vmem_shared>>)
    }
    %while3A_87 = arith.constant 1 : i32
    scf.for %while3A_94 = %while3A_85 to %while3A_81 step %while3A_87  : i32 {
      %dma_wait3A = arith.constant 0 : i32
      %dma_wait3A_95 = tpu.memref_slice %arg7[%while3A_94, %dma_wait3A] : memref<40x128xi32, #tpu.memory_space<vmem>> -> memref<1x128xi32, #tpu.memory_space<vmem>>
      %dma_wait3A_96 = tpu.memref_squeeze %dma_wait3A_95 : memref<1x128xi32, #tpu.memory_space<vmem>> -> memref<128xi32, #tpu.memory_space<vmem>>
      %dma_wait3A_97 = arith.constant 0 : i32
      %dma_wait3A_98 = tpu.memref_slice %arg5[%dma_wait3A_97] : memref<10000xf32, #tpu.memory_space<vmem_shared>> -> memref<10000xf32, #tpu.memory_space<vmem_shared>>
      tpu.wait_indirect_dma semaphore(%arg8 : memref<!tpu.dma_semaphore, #tpu.memory_space<semaphore_mem>>) src(%arg6 : memref<128xf32, #tpu.memory_space<vmem>>) dst(%dma_wait3A_98 : memref<10000xf32, #tpu.memory_space<vmem_shared>>)
    }
    %barrier3A_88 = arith.constant 0 : index
    tpu.barrier barrier_id(%barrier3A_88)
    %eq3A_89 = arith.constant 0 : i32
    %eq3A_90 = arith.cmpi eq, %arg1, %eq3A_89 : i32
    %convert_element_type3A_91 = arith.extui %eq3A_90 : i1 to i32
    %cond3A_92 = arith.constant 0 : i32
    %cond3A_93 = arith.cmpi ne, %convert_element_type3A_91, %cond3A_92 : i32
    scf.if %cond3A_93 {
      "tpu.region"() ({
        %run_scoped3A = tpu.sem_alloc : memref<!tpu.dma_semaphore, #tpu.memory_space<semaphore_mem>>
        %dma_start3A = arith.constant 0 : i32
        %dma_start3A_94 = tpu.memref_slice %arg4[%arg0, %dma_start3A] : memref<2x10000xf32, #tpu.memory_space<hbm>> -> memref<1x10000xf32, #tpu.memory_space<hbm>>
        %dma_start3A_95 = tpu.memref_squeeze %dma_start3A_94 : memref<1x10000xf32, #tpu.memory_space<hbm>> -> memref<10000xf32, #tpu.memory_space<hbm>>
        tpu.enqueue_dma source(%arg5 : memref<10000xf32, #tpu.memory_space<vmem_shared>>) target(%dma_start3A_95 : memref<10000xf32, #tpu.memory_space<hbm>>) target_semaphore(%run_scoped3A : memref<!tpu.dma_semaphore, #tpu.memory_space<semaphore_mem>>)
        %dma_wait3A = arith.constant 0 : i32
        %dma_wait3A_96 = tpu.memref_slice %arg4[%arg0, %dma_wait3A] : memref<2x10000xf32, #tpu.memory_space<hbm>> -> memref<1x10000xf32, #tpu.memory_space<hbm>>
        %dma_wait3A_97 = tpu.memref_squeeze %dma_wait3A_96 : memref<1x10000xf32, #tpu.memory_space<hbm>> -> memref<10000xf32, #tpu.memory_space<hbm>>
        tpu.wait_dma2 semaphore(%run_scoped3A : memref<!tpu.dma_semaphore, #tpu.memory_space<semaphore_mem>>) src(%arg5 : memref<10000xf32, #tpu.memory_space<vmem_shared>>) dst(%dma_wait3A_97 : memref<10000xf32, #tpu.memory_space<hbm>>)
        tpu.yield
      }) : () -> ()
    } else {
    }
    return
  }
}

#map = affine_map<(d0, d1) -> (0, 0, 0)>
#map1 = affine_map<(d0, d1) -> (0, 0)>
module attributes {stable_mosaic.version = 14 : i64} {
  func.func @_agg_kernel(%arg0: i32, %arg1: i32, %arg2: memref<2x10000x128xf32, #tpu.memory_space<hbm>>, %arg3: memref<1250x128xi32, #tpu.memory_space<hbm>>, %arg4: memref<1250x128xi32, #tpu.memory_space<hbm>>, %arg5: memref<10000x128xf32, #tpu.memory_space<hbm>>, %arg6: memref<2x10000x128xf32, #tpu.memory_space<hbm>>, %arg7: memref<10000x128xf32, #tpu.memory_space<vmem_shared>>, %arg8: memref<40x128xi32, #tpu.memory_space<vmem>>, %arg9: memref<40x128xi32, #tpu.memory_space<vmem>>, %arg10: memref<2x128x128xf32, #tpu.memory_space<vmem>>, %arg11: memref<!tpu.dma_semaphore, #tpu.memory_space<semaphore_mem>>, %arg12: memref<!tpu.dma_semaphore, #tpu.memory_space<semaphore_mem>>) attributes {dimension_semantics = [#tpu.dimension_semantics<core_parallel>, #tpu.dimension_semantics<subcore_parallel>], iteration_bounds = array<i64: 2, 16>, scalar_prefetch = 0 : i64, scratch_operands = 6 : i64, tpu.core_type = #tpu.core_type<sc_vector_subcore>, window_params = [{transform_indices = #map}, {transform_indices = #map1}, {transform_indices = #map1}, {transform_indices = #map1}, {transform_indices = #map}]} {
    %mul3A = arith.constant 632 : i32
    %mul3A_0 = arith.muli %arg1, %mul3A : i32
    %multiple_of3A = tpu.assume_multiple %mul3A_0, 8 : i32
    %lt3A = arith.constant 15 : i32
    %lt3A_1 = arith.cmpi slt, %arg1, %lt3A : i32
    %mul3A_2 = arith.constant 80 : i32
    %mul3A_3 = arith.muli %arg1, %mul3A_2 : i32
    %jit3A = arith.constant 1200 : i32
    %select_n3A = arith.select %lt3A_1, %mul3A_3, %jit3A : i32
    %multiple_of3A_4 = tpu.assume_multiple %select_n3A, 8 : i32
    %dma_start3A = arith.constant 0 : i32
    %dma_start3A_5 = tpu.memref_slice %arg3[%multiple_of3A_4, %dma_start3A] : memref<1250x128xi32, #tpu.memory_space<hbm>> -> memref<40x128xi32, #tpu.memory_space<hbm>>
    %dma_start3A_6 = arith.constant 0 : i32
    %dma_start3A_7 = tpu.memref_slice %arg3[%multiple_of3A_4, %dma_start3A_6] : memref<1250x128xi32, #tpu.memory_space<hbm>> -> memref<40x128xi32, #tpu.memory_space<hbm>>
    tpu.enqueue_dma source(%dma_start3A_7 : memref<40x128xi32, #tpu.memory_space<hbm>>) target(%arg8 : memref<40x128xi32, #tpu.memory_space<vmem>>) target_semaphore(%arg11 : memref<!tpu.dma_semaphore, #tpu.memory_space<semaphore_mem>>)
    %dma_start3A_8 = arith.constant 0 : i32
    %dma_start3A_9 = tpu.memref_slice %arg4[%multiple_of3A_4, %dma_start3A_8] : memref<1250x128xi32, #tpu.memory_space<hbm>> -> memref<40x128xi32, #tpu.memory_space<hbm>>
    %dma_start3A_10 = arith.constant 0 : i32
    %dma_start3A_11 = tpu.memref_slice %arg4[%multiple_of3A_4, %dma_start3A_10] : memref<1250x128xi32, #tpu.memory_space<hbm>> -> memref<40x128xi32, #tpu.memory_space<hbm>>
    tpu.enqueue_dma source(%dma_start3A_11 : memref<40x128xi32, #tpu.memory_space<hbm>>) target(%arg9 : memref<40x128xi32, #tpu.memory_space<vmem>>) target_semaphore(%arg12 : memref<!tpu.dma_semaphore, #tpu.memory_space<semaphore_mem>>)
    %lt3A_12 = arith.constant 15 : i32
    %lt3A_13 = arith.cmpi slt, %arg1, %lt3A_12 : i32
    %convert_element_type3A = arith.extui %lt3A_13 : i1 to i32
    %cond3A = arith.constant 0 : i32
    %cond3A_14 = arith.cmpi ne, %convert_element_type3A, %cond3A : i32
    scf.if %cond3A_14 {
      "tpu.region"() ({
        %run_scoped3A = tpu.sem_alloc : memref<!tpu.dma_semaphore, #tpu.memory_space<semaphore_mem>>
        %dma_start3A_121 = arith.constant 0 : i32
        %dma_start3A_122 = tpu.memref_slice %arg7[%multiple_of3A, %dma_start3A_121] : memref<10000x128xf32, #tpu.memory_space<vmem_shared>> -> memref<632x128xf32, #tpu.memory_space<vmem_shared>>
        %dma_start3A_123 = arith.constant 0 : i32
        %dma_start3A_124 = tpu.memref_slice %arg5[%multiple_of3A, %dma_start3A_123] : memref<10000x128xf32, #tpu.memory_space<hbm>> -> memref<632x128xf32, #tpu.memory_space<hbm>>
        tpu.enqueue_dma source(%dma_start3A_124 : memref<632x128xf32, #tpu.memory_space<hbm>>) target(%dma_start3A_122 : memref<632x128xf32, #tpu.memory_space<vmem_shared>>) target_semaphore(%run_scoped3A : memref<!tpu.dma_semaphore, #tpu.memory_space<semaphore_mem>>)
        %dma_wait3A_125 = arith.constant 0 : i32
        %dma_wait3A_126 = tpu.memref_slice %arg7[%multiple_of3A, %dma_wait3A_125] : memref<10000x128xf32, #tpu.memory_space<vmem_shared>> -> memref<632x128xf32, #tpu.memory_space<vmem_shared>>
        %dma_wait3A_127 = arith.constant 0 : i32
        %dma_wait3A_128 = tpu.memref_slice %arg5[%multiple_of3A, %dma_wait3A_127] : memref<10000x128xf32, #tpu.memory_space<hbm>> -> memref<632x128xf32, #tpu.memory_space<hbm>>
        tpu.wait_dma2 semaphore(%run_scoped3A : memref<!tpu.dma_semaphore, #tpu.memory_space<semaphore_mem>>) src(%dma_wait3A_128 : memref<632x128xf32, #tpu.memory_space<hbm>>) dst(%dma_wait3A_126 : memref<632x128xf32, #tpu.memory_space<vmem_shared>>)
        tpu.yield
      }) : () -> ()
    } else {
    }
    %eq3A = arith.constant 15 : i32
    %eq3A_15 = arith.cmpi eq, %arg1, %eq3A : i32
    %convert_element_type3A_16 = arith.extui %eq3A_15 : i1 to i32
    %cond3A_17 = arith.constant 0 : i32
    %cond3A_18 = arith.cmpi ne, %convert_element_type3A_16, %cond3A_17 : i32
    scf.if %cond3A_18 {
      "tpu.region"() ({
        %run_scoped3A = tpu.sem_alloc : memref<!tpu.dma_semaphore, #tpu.memory_space<semaphore_mem>>
        %dma_start3A_121 = arith.constant 9480 : i32
        %dma_start3A_122 = arith.constant 0 : i32
        %dma_start3A_123 = tpu.memref_slice %arg7[%dma_start3A_121, %dma_start3A_122] : memref<10000x128xf32, #tpu.memory_space<vmem_shared>> -> memref<520x128xf32, #tpu.memory_space<vmem_shared>>
        %dma_start3A_124 = arith.constant 9480 : i32
        %dma_start3A_125 = arith.constant 0 : i32
        %dma_start3A_126 = tpu.memref_slice %arg5[%dma_start3A_124, %dma_start3A_125] : memref<10000x128xf32, #tpu.memory_space<hbm>> -> memref<520x128xf32, #tpu.memory_space<hbm>>
        tpu.enqueue_dma source(%dma_start3A_126 : memref<520x128xf32, #tpu.memory_space<hbm>>) target(%dma_start3A_123 : memref<520x128xf32, #tpu.memory_space<vmem_shared>>) target_semaphore(%run_scoped3A : memref<!tpu.dma_semaphore, #tpu.memory_space<semaphore_mem>>)
        %dma_wait3A_127 = arith.constant 9480 : i32
        %dma_wait3A_128 = arith.constant 0 : i32
        %dma_wait3A_129 = tpu.memref_slice %arg7[%dma_wait3A_127, %dma_wait3A_128] : memref<10000x128xf32, #tpu.memory_space<vmem_shared>> -> memref<520x128xf32, #tpu.memory_space<vmem_shared>>
        %dma_wait3A_130 = arith.constant 9480 : i32
        %dma_wait3A_131 = arith.constant 0 : i32
        %dma_wait3A_132 = tpu.memref_slice %arg5[%dma_wait3A_130, %dma_wait3A_131] : memref<10000x128xf32, #tpu.memory_space<hbm>> -> memref<520x128xf32, #tpu.memory_space<hbm>>
        tpu.wait_dma2 semaphore(%run_scoped3A : memref<!tpu.dma_semaphore, #tpu.memory_space<semaphore_mem>>) src(%dma_wait3A_132 : memref<520x128xf32, #tpu.memory_space<hbm>>) dst(%dma_wait3A_129 : memref<520x128xf32, #tpu.memory_space<vmem_shared>>)
        tpu.yield
      }) : () -> ()
    } else {
    }
    %barrier3A = arith.constant 0 : index
    tpu.barrier barrier_id(%barrier3A)
    %lt3A_19 = arith.constant 15 : i32
    %lt3A_20 = arith.cmpi slt, %arg1, %lt3A_19 : i32
    %mul3A_21 = arith.constant 80 : i32
    %mul3A_22 = arith.muli %arg1, %mul3A_21 : i32
    %jit3A_23 = arith.constant 1200 : i32
    %select_n3A_24 = arith.select %lt3A_20, %mul3A_22, %jit3A_23 : i32
    %multiple_of3A_25 = tpu.assume_multiple %select_n3A_24, 8 : i32
    %dma_wait3A = arith.constant 0 : i32
    %dma_wait3A_26 = tpu.memref_slice %arg3[%multiple_of3A_25, %dma_wait3A] : memref<1250x128xi32, #tpu.memory_space<hbm>> -> memref<40x128xi32, #tpu.memory_space<hbm>>
    %dma_wait3A_27 = arith.constant 0 : i32
    %dma_wait3A_28 = tpu.memref_slice %arg3[%multiple_of3A_25, %dma_wait3A_27] : memref<1250x128xi32, #tpu.memory_space<hbm>> -> memref<40x128xi32, #tpu.memory_space<hbm>>
    tpu.wait_dma2 semaphore(%arg11 : memref<!tpu.dma_semaphore, #tpu.memory_space<semaphore_mem>>) src(%dma_wait3A_28 : memref<40x128xi32, #tpu.memory_space<hbm>>) dst(%arg8 : memref<40x128xi32, #tpu.memory_space<vmem>>)
    %dma_wait3A_29 = arith.constant 0 : i32
    %dma_wait3A_30 = tpu.memref_slice %arg4[%multiple_of3A_25, %dma_wait3A_29] : memref<1250x128xi32, #tpu.memory_space<hbm>> -> memref<40x128xi32, #tpu.memory_space<hbm>>
    %dma_wait3A_31 = arith.constant 0 : i32
    %dma_wait3A_32 = tpu.memref_slice %arg4[%multiple_of3A_25, %dma_wait3A_31] : memref<1250x128xi32, #tpu.memory_space<hbm>> -> memref<40x128xi32, #tpu.memory_space<hbm>>
    tpu.wait_dma2 semaphore(%arg12 : memref<!tpu.dma_semaphore, #tpu.memory_space<semaphore_mem>>) src(%dma_wait3A_32 : memref<40x128xi32, #tpu.memory_space<hbm>>) dst(%arg9 : memref<40x128xi32, #tpu.memory_space<vmem>>)
    %dma_start3A_33 = arith.constant 0 : i32
    %dma_start3A_34 = arith.constant 0 : i32
    %dma_start3A_35 = arith.constant 0 : i32
    %dma_start3A_36 = arith.constant 0 : i32
    %dma_start3A_37 = tpu.memref_slice %arg10[%dma_start3A_34, %dma_start3A_35, %dma_start3A_36] : memref<2x128x128xf32, #tpu.memory_space<vmem>> -> memref<1x128x128xf32, #tpu.memory_space<vmem>>
    %dma_start3A_38 = tpu.memref_squeeze %dma_start3A_37 : memref<1x128x128xf32, #tpu.memory_space<vmem>> -> memref<128x128xf32, #tpu.memory_space<vmem>>
    %dma_start3A_39 = arith.constant 0 : i32
    %dma_start3A_40 = tpu.memref_slice %arg8[%dma_start3A_33, %dma_start3A_39] : memref<40x128xi32, #tpu.memory_space<vmem>> -> memref<1x128xi32, #tpu.memory_space<vmem>>
    %dma_start3A_41 = tpu.memref_squeeze %dma_start3A_40 : memref<1x128xi32, #tpu.memory_space<vmem>> -> memref<128xi32, #tpu.memory_space<vmem>>
    %dma_start3A_42 = arith.constant 0 : i32
    %dma_start3A_43 = arith.constant 0 : i32
    %dma_start3A_44 = tpu.memref_slice %arg2[%arg0, %dma_start3A_42, %dma_start3A_43] : memref<2x10000x128xf32, #tpu.memory_space<hbm>> -> memref<1x10000x128xf32, #tpu.memory_space<hbm>>
    %dma_start3A_45 = tpu.memref_squeeze %dma_start3A_44 : memref<1x10000x128xf32, #tpu.memory_space<hbm>> -> memref<10000x128xf32, #tpu.memory_space<hbm>>
    %dma_start3A_46 = arith.constant 0 : i32
    %dma_start3A_47 = arith.constant 0 : i32
    %dma_start3A_48 = tpu.memref_slice %dma_start3A_45[%dma_start3A_46, %dma_start3A_47] : memref<10000x128xf32, #tpu.memory_space<hbm>> -> memref<10000x128xf32, #tpu.memory_space<hbm>>
    tpu.enqueue_indirect_dma source(%dma_start3A_48 : memref<10000x128xf32, #tpu.memory_space<hbm>>) target(%dma_start3A_38 : memref<128x128xf32, #tpu.memory_space<vmem>>) offsets(%dma_start3A_41 : memref<128xi32, #tpu.memory_space<vmem>>) semaphore(%arg11 : memref<!tpu.dma_semaphore, #tpu.memory_space<semaphore_mem>>)
    %scan3A = arith.constant 0 : i32
    %scan3A_49 = arith.constant 20 : i32
    %scan3A_50 = arith.addi %scan3A, %scan3A_49 : i32
    %scan3A_51 = arith.constant 1 : i32
    scf.for %scan3A_121 = %scan3A to %scan3A_50 step %scan3A_51  : i32 {
      %mul3A_122 = arith.constant 2 : i32
      %mul3A_123 = arith.muli %mul3A_122, %scan3A_121 : i32
      %add3A = arith.constant 1 : i32
      %add3A_124 = arith.addi %mul3A_123, %add3A : i32
      %dma_start3A_125 = arith.constant 1 : i32
      %dma_start3A_126 = arith.constant 0 : i32
      %dma_start3A_127 = arith.constant 0 : i32
      %dma_start3A_128 = tpu.memref_slice %arg10[%dma_start3A_125, %dma_start3A_126, %dma_start3A_127] : memref<2x128x128xf32, #tpu.memory_space<vmem>> -> memref<1x128x128xf32, #tpu.memory_space<vmem>>
      %dma_start3A_129 = tpu.memref_squeeze %dma_start3A_128 : memref<1x128x128xf32, #tpu.memory_space<vmem>> -> memref<128x128xf32, #tpu.memory_space<vmem>>
      %dma_start3A_130 = arith.constant 0 : i32
      %dma_start3A_131 = tpu.memref_slice %arg8[%add3A_124, %dma_start3A_130] : memref<40x128xi32, #tpu.memory_space<vmem>> -> memref<1x128xi32, #tpu.memory_space<vmem>>
      %dma_start3A_132 = tpu.memref_squeeze %dma_start3A_131 : memref<1x128xi32, #tpu.memory_space<vmem>> -> memref<128xi32, #tpu.memory_space<vmem>>
      %dma_start3A_133 = arith.constant 0 : i32
      %dma_start3A_134 = arith.constant 0 : i32
      %dma_start3A_135 = tpu.memref_slice %arg2[%arg0, %dma_start3A_133, %dma_start3A_134] : memref<2x10000x128xf32, #tpu.memory_space<hbm>> -> memref<1x10000x128xf32, #tpu.memory_space<hbm>>
      %dma_start3A_136 = tpu.memref_squeeze %dma_start3A_135 : memref<1x10000x128xf32, #tpu.memory_space<hbm>> -> memref<10000x128xf32, #tpu.memory_space<hbm>>
      %dma_start3A_137 = arith.constant 0 : i32
      %dma_start3A_138 = arith.constant 0 : i32
      %dma_start3A_139 = tpu.memref_slice %dma_start3A_136[%dma_start3A_137, %dma_start3A_138] : memref<10000x128xf32, #tpu.memory_space<hbm>> -> memref<10000x128xf32, #tpu.memory_space<hbm>>
      tpu.enqueue_indirect_dma source(%dma_start3A_139 : memref<10000x128xf32, #tpu.memory_space<hbm>>) target(%dma_start3A_129 : memref<128x128xf32, #tpu.memory_space<vmem>>) offsets(%dma_start3A_132 : memref<128xi32, #tpu.memory_space<vmem>>) semaphore(%arg12 : memref<!tpu.dma_semaphore, #tpu.memory_space<semaphore_mem>>)
      %dma_wait3A_140 = arith.constant 0 : i32
      %dma_wait3A_141 = arith.constant 0 : i32
      %dma_wait3A_142 = arith.constant 0 : i32
      %dma_wait3A_143 = tpu.memref_slice %arg10[%dma_wait3A_140, %dma_wait3A_141, %dma_wait3A_142] : memref<2x128x128xf32, #tpu.memory_space<vmem>> -> memref<1x128x128xf32, #tpu.memory_space<vmem>>
      %dma_wait3A_144 = tpu.memref_squeeze %dma_wait3A_143 : memref<1x128x128xf32, #tpu.memory_space<vmem>> -> memref<128x128xf32, #tpu.memory_space<vmem>>
      %dma_wait3A_145 = arith.constant 0 : i32
      %dma_wait3A_146 = tpu.memref_slice %arg8[%mul3A_123, %dma_wait3A_145] : memref<40x128xi32, #tpu.memory_space<vmem>> -> memref<1x128xi32, #tpu.memory_space<vmem>>
      %dma_wait3A_147 = tpu.memref_squeeze %dma_wait3A_146 : memref<1x128xi32, #tpu.memory_space<vmem>> -> memref<128xi32, #tpu.memory_space<vmem>>
      %dma_wait3A_148 = arith.constant 0 : i32
      %dma_wait3A_149 = arith.constant 0 : i32
      %dma_wait3A_150 = tpu.memref_slice %arg2[%arg0, %dma_wait3A_148, %dma_wait3A_149] : memref<2x10000x128xf32, #tpu.memory_space<hbm>> -> memref<1x10000x128xf32, #tpu.memory_space<hbm>>
      %dma_wait3A_151 = tpu.memref_squeeze %dma_wait3A_150 : memref<1x10000x128xf32, #tpu.memory_space<hbm>> -> memref<10000x128xf32, #tpu.memory_space<hbm>>
      %dma_wait3A_152 = arith.constant 0 : i32
      %dma_wait3A_153 = arith.constant 0 : i32
      %dma_wait3A_154 = tpu.memref_slice %dma_wait3A_151[%dma_wait3A_152, %dma_wait3A_153] : memref<10000x128xf32, #tpu.memory_space<hbm>> -> memref<10000x128xf32, #tpu.memory_space<hbm>>
      tpu.wait_indirect_dma semaphore(%arg11 : memref<!tpu.dma_semaphore, #tpu.memory_space<semaphore_mem>>) src(%dma_wait3A_154 : memref<10000x128xf32, #tpu.memory_space<hbm>>) dst(%dma_wait3A_144 : memref<128x128xf32, #tpu.memory_space<vmem>>)
      %run_scoped3A = arith.constant 0 : i32
      "tpu.region"() ({
        %run_scoped3A_182 = tpu.sem_alloc : memref<!tpu.dma_semaphore, #tpu.memory_space<semaphore_mem>>
        %dma_start3A_183 = arith.constant 0 : i32
        %dma_start3A_184 = arith.constant 0 : i32
        %dma_start3A_185 = tpu.memref_slice %arg10[%run_scoped3A, %dma_start3A_183, %dma_start3A_184] : memref<2x128x128xf32, #tpu.memory_space<vmem>> -> memref<1x128x128xf32, #tpu.memory_space<vmem>>
        %dma_start3A_186 = tpu.memref_squeeze %dma_start3A_185 : memref<1x128x128xf32, #tpu.memory_space<vmem>> -> memref<128x128xf32, #tpu.memory_space<vmem>>
        %dma_start3A_187 = arith.constant 0 : i32
        %dma_start3A_188 = tpu.memref_slice %arg9[%mul3A_123, %dma_start3A_187] : memref<40x128xi32, #tpu.memory_space<vmem>> -> memref<1x128xi32, #tpu.memory_space<vmem>>
        %dma_start3A_189 = tpu.memref_squeeze %dma_start3A_188 : memref<1x128xi32, #tpu.memory_space<vmem>> -> memref<128xi32, #tpu.memory_space<vmem>>
        %dma_start3A_190 = arith.constant 0 : i32
        %dma_start3A_191 = arith.constant 0 : i32
        %dma_start3A_192 = tpu.memref_slice %arg7[%dma_start3A_190, %dma_start3A_191] : memref<10000x128xf32, #tpu.memory_space<vmem_shared>> -> memref<10000x128xf32, #tpu.memory_space<vmem_shared>>
        tpu.enqueue_indirect_dma source(%dma_start3A_186 : memref<128x128xf32, #tpu.memory_space<vmem>>) target(%dma_start3A_192 : memref<10000x128xf32, #tpu.memory_space<vmem_shared>>) offsets(%dma_start3A_189 : memref<128xi32, #tpu.memory_space<vmem>>) semaphore(%run_scoped3A_182 : memref<!tpu.dma_semaphore, #tpu.memory_space<semaphore_mem>>) {add = true}
        %dma_wait3A_193 = arith.constant 0 : i32
        %dma_wait3A_194 = arith.constant 0 : i32
        %dma_wait3A_195 = tpu.memref_slice %arg10[%run_scoped3A, %dma_wait3A_193, %dma_wait3A_194] : memref<2x128x128xf32, #tpu.memory_space<vmem>> -> memref<1x128x128xf32, #tpu.memory_space<vmem>>
        %dma_wait3A_196 = tpu.memref_squeeze %dma_wait3A_195 : memref<1x128x128xf32, #tpu.memory_space<vmem>> -> memref<128x128xf32, #tpu.memory_space<vmem>>
        %dma_wait3A_197 = arith.constant 0 : i32
        %dma_wait3A_198 = tpu.memref_slice %arg9[%mul3A_123, %dma_wait3A_197] : memref<40x128xi32, #tpu.memory_space<vmem>> -> memref<1x128xi32, #tpu.memory_space<vmem>>
        %dma_wait3A_199 = tpu.memref_squeeze %dma_wait3A_198 : memref<1x128xi32, #tpu.memory_space<vmem>> -> memref<128xi32, #tpu.memory_space<vmem>>
        %dma_wait3A_200 = arith.constant 0 : i32
        %dma_wait3A_201 = arith.constant 0 : i32
        %dma_wait3A_202 = tpu.memref_slice %arg7[%dma_wait3A_200, %dma_wait3A_201] : memref<10000x128xf32, #tpu.memory_space<vmem_shared>> -> memref<10000x128xf32, #tpu.memory_space<vmem_shared>>
        tpu.wait_indirect_dma semaphore(%run_scoped3A_182 : memref<!tpu.dma_semaphore, #tpu.memory_space<semaphore_mem>>) src(%dma_wait3A_196 : memref<128x128xf32, #tpu.memory_space<vmem>>) dst(%dma_wait3A_202 : memref<10000x128xf32, #tpu.memory_space<vmem_shared>>)
        tpu.yield
      }) : () -> ()
      %add3A_155 = arith.constant 2 : i32
      %add3A_156 = arith.addi %mul3A_123, %add3A_155 : i32
      %lt3A_157 = arith.constant 40 : i32
      %lt3A_158 = arith.cmpi slt, %add3A_156, %lt3A_157 : i32
      %convert_element_type3A_159 = arith.extui %lt3A_158 : i1 to i32
      %cond3A_160 = arith.constant 0 : i32
      %cond3A_161 = arith.cmpi ne, %convert_element_type3A_159, %cond3A_160 : i32
      scf.if %cond3A_161 {
        %add3A_182 = arith.constant 2 : i32
        %add3A_183 = arith.addi %mul3A_123, %add3A_182 : i32
        %dma_start3A_184 = arith.constant 0 : i32
        %dma_start3A_185 = arith.constant 0 : i32
        %dma_start3A_186 = arith.constant 0 : i32
        %dma_start3A_187 = tpu.memref_slice %arg10[%dma_start3A_184, %dma_start3A_185, %dma_start3A_186] : memref<2x128x128xf32, #tpu.memory_space<vmem>> -> memref<1x128x128xf32, #tpu.memory_space<vmem>>
        %dma_start3A_188 = tpu.memref_squeeze %dma_start3A_187 : memref<1x128x128xf32, #tpu.memory_space<vmem>> -> memref<128x128xf32, #tpu.memory_space<vmem>>
        %dma_start3A_189 = arith.constant 0 : i32
        %dma_start3A_190 = tpu.memref_slice %arg8[%add3A_183, %dma_start3A_189] : memref<40x128xi32, #tpu.memory_space<vmem>> -> memref<1x128xi32, #tpu.memory_space<vmem>>
        %dma_start3A_191 = tpu.memref_squeeze %dma_start3A_190 : memref<1x128xi32, #tpu.memory_space<vmem>> -> memref<128xi32, #tpu.memory_space<vmem>>
        %dma_start3A_192 = arith.constant 0 : i32
        %dma_start3A_193 = arith.constant 0 : i32
        %dma_start3A_194 = tpu.memref_slice %arg2[%arg0, %dma_start3A_192, %dma_start3A_193] : memref<2x10000x128xf32, #tpu.memory_space<hbm>> -> memref<1x10000x128xf32, #tpu.memory_space<hbm>>
        %dma_start3A_195 = tpu.memref_squeeze %dma_start3A_194 : memref<1x10000x128xf32, #tpu.memory_space<hbm>> -> memref<10000x128xf32, #tpu.memory_space<hbm>>
        %dma_start3A_196 = arith.constant 0 : i32
        %dma_start3A_197 = arith.constant 0 : i32
        %dma_start3A_198 = tpu.memref_slice %dma_start3A_195[%dma_start3A_196, %dma_start3A_197] : memref<10000x128xf32, #tpu.memory_space<hbm>> -> memref<10000x128xf32, #tpu.memory_space<hbm>>
        tpu.enqueue_indirect_dma source(%dma_start3A_198 : memref<10000x128xf32, #tpu.memory_space<hbm>>) target(%dma_start3A_188 : memref<128x128xf32, #tpu.memory_space<vmem>>) offsets(%dma_start3A_191 : memref<128xi32, #tpu.memory_space<vmem>>) semaphore(%arg11 : memref<!tpu.dma_semaphore, #tpu.memory_space<semaphore_mem>>)
      } else {
      }
      %add3A_162 = arith.constant 1 : i32
      %add3A_163 = arith.addi %mul3A_123, %add3A_162 : i32
      %dma_wait3A_164 = arith.constant 1 : i32
      %dma_wait3A_165 = arith.constant 0 : i32
      %dma_wait3A_166 = arith.constant 0 : i32
      %dma_wait3A_167 = tpu.memref_slice %arg10[%dma_wait3A_164, %dma_wait3A_165, %dma_wait3A_166] : memref<2x128x128xf32, #tpu.memory_space<vmem>> -> memref<1x128x128xf32, #tpu.memory_space<vmem>>
      %dma_wait3A_168 = tpu.memref_squeeze %dma_wait3A_167 : memref<1x128x128xf32, #tpu.memory_space<vmem>> -> memref<128x128xf32, #tpu.memory_space<vmem>>
      %dma_wait3A_169 = arith.constant 0 : i32
      %dma_wait3A_170 = tpu.memref_slice %arg8[%add3A_163, %dma_wait3A_169] : memref<40x128xi32, #tpu.memory_space<vmem>> -> memref<1x128xi32, #tpu.memory_space<vmem>>
      %dma_wait3A_171 = tpu.memref_squeeze %dma_wait3A_170 : memref<1x128xi32, #tpu.memory_space<vmem>> -> memref<128xi32, #tpu.memory_space<vmem>>
      %dma_wait3A_172 = arith.constant 0 : i32
      %dma_wait3A_173 = arith.constant 0 : i32
      %dma_wait3A_174 = tpu.memref_slice %arg2[%arg0, %dma_wait3A_172, %dma_wait3A_173] : memref<2x10000x128xf32, #tpu.memory_space<hbm>> -> memref<1x10000x128xf32, #tpu.memory_space<hbm>>
      %dma_wait3A_175 = tpu.memref_squeeze %dma_wait3A_174 : memref<1x10000x128xf32, #tpu.memory_space<hbm>> -> memref<10000x128xf32, #tpu.memory_space<hbm>>
      %dma_wait3A_176 = arith.constant 0 : i32
      %dma_wait3A_177 = arith.constant 0 : i32
      %dma_wait3A_178 = tpu.memref_slice %dma_wait3A_175[%dma_wait3A_176, %dma_wait3A_177] : memref<10000x128xf32, #tpu.memory_space<hbm>> -> memref<10000x128xf32, #tpu.memory_space<hbm>>
      tpu.wait_indirect_dma semaphore(%arg12 : memref<!tpu.dma_semaphore, #tpu.memory_space<semaphore_mem>>) src(%dma_wait3A_178 : memref<10000x128xf32, #tpu.memory_space<hbm>>) dst(%dma_wait3A_168 : memref<128x128xf32, #tpu.memory_space<vmem>>)
      %add3A_179 = arith.constant 1 : i32
      %add3A_180 = arith.addi %mul3A_123, %add3A_179 : i32
      %run_scoped3A_181 = arith.constant 1 : i32
      "tpu.region"() ({
        %run_scoped3A_182 = tpu.sem_alloc : memref<!tpu.dma_semaphore, #tpu.memory_space<semaphore_mem>>
        %dma_start3A_183 = arith.constant 0 : i32
        %dma_start3A_184 = arith.constant 0 : i32
        %dma_start3A_185 = tpu.memref_slice %arg10[%run_scoped3A_181, %dma_start3A_183, %dma_start3A_184] : memref<2x128x128xf32, #tpu.memory_space<vmem>> -> memref<1x128x128xf32, #tpu.memory_space<vmem>>
        %dma_start3A_186 = tpu.memref_squeeze %dma_start3A_185 : memref<1x128x128xf32, #tpu.memory_space<vmem>> -> memref<128x128xf32, #tpu.memory_space<vmem>>
        %dma_start3A_187 = arith.constant 0 : i32
        %dma_start3A_188 = tpu.memref_slice %arg9[%add3A_180, %dma_start3A_187] : memref<40x128xi32, #tpu.memory_space<vmem>> -> memref<1x128xi32, #tpu.memory_space<vmem>>
        %dma_start3A_189 = tpu.memref_squeeze %dma_start3A_188 : memref<1x128xi32, #tpu.memory_space<vmem>> -> memref<128xi32, #tpu.memory_space<vmem>>
        %dma_start3A_190 = arith.constant 0 : i32
        %dma_start3A_191 = arith.constant 0 : i32
        %dma_start3A_192 = tpu.memref_slice %arg7[%dma_start3A_190, %dma_start3A_191] : memref<10000x128xf32, #tpu.memory_space<vmem_shared>> -> memref<10000x128xf32, #tpu.memory_space<vmem_shared>>
        tpu.enqueue_indirect_dma source(%dma_start3A_186 : memref<128x128xf32, #tpu.memory_space<vmem>>) target(%dma_start3A_192 : memref<10000x128xf32, #tpu.memory_space<vmem_shared>>) offsets(%dma_start3A_189 : memref<128xi32, #tpu.memory_space<vmem>>) semaphore(%run_scoped3A_182 : memref<!tpu.dma_semaphore, #tpu.memory_space<semaphore_mem>>) {add = true}
        %dma_wait3A_193 = arith.constant 0 : i32
        %dma_wait3A_194 = arith.constant 0 : i32
        %dma_wait3A_195 = tpu.memref_slice %arg10[%run_scoped3A_181, %dma_wait3A_193, %dma_wait3A_194] : memref<2x128x128xf32, #tpu.memory_space<vmem>> -> memref<1x128x128xf32, #tpu.memory_space<vmem>>
        %dma_wait3A_196 = tpu.memref_squeeze %dma_wait3A_195 : memref<1x128x128xf32, #tpu.memory_space<vmem>> -> memref<128x128xf32, #tpu.memory_space<vmem>>
        %dma_wait3A_197 = arith.constant 0 : i32
        %dma_wait3A_198 = tpu.memref_slice %arg9[%add3A_180, %dma_wait3A_197] : memref<40x128xi32, #tpu.memory_space<vmem>> -> memref<1x128xi32, #tpu.memory_space<vmem>>
        %dma_wait3A_199 = tpu.memref_squeeze %dma_wait3A_198 : memref<1x128xi32, #tpu.memory_space<vmem>> -> memref<128xi32, #tpu.memory_space<vmem>>
        %dma_wait3A_200 = arith.constant 0 : i32
        %dma_wait3A_201 = arith.constant 0 : i32
        %dma_wait3A_202 = tpu.memref_slice %arg7[%dma_wait3A_200, %dma_wait3A_201] : memref<10000x128xf32, #tpu.memory_space<vmem_shared>> -> memref<10000x128xf32, #tpu.memory_space<vmem_shared>>
        tpu.wait_indirect_dma semaphore(%run_scoped3A_182 : memref<!tpu.dma_semaphore, #tpu.memory_space<semaphore_mem>>) src(%dma_wait3A_196 : memref<128x128xf32, #tpu.memory_space<vmem>>) dst(%dma_wait3A_202 : memref<10000x128xf32, #tpu.memory_space<vmem_shared>>)
        tpu.yield
      }) : () -> ()
    }
    %scan3A_52 = arith.constant 20 : i32
    %lt3A_53 = arith.constant 15 : i32
    %lt3A_54 = arith.cmpi slt, %arg1, %lt3A_53 : i32
    %convert_element_type3A_55 = arith.extui %lt3A_54 : i1 to i32
    %cond3A_56 = arith.constant 0 : i32
    %cond3A_57 = arith.cmpi ne, %convert_element_type3A_55, %cond3A_56 : i32
    scf.if %cond3A_57 {
      %mul3A_121 = arith.constant 80 : i32
      %mul3A_122 = arith.muli %arg1, %mul3A_121 : i32
      %add3A = arith.constant 40 : i32
      %add3A_123 = arith.addi %mul3A_122, %add3A : i32
      %multiple_of3A_124 = tpu.assume_multiple %add3A_123, 8 : i32
      "tpu.region"() ({
        %run_scoped3A = tpu.sem_alloc : memref<!tpu.dma_semaphore, #tpu.memory_space<semaphore_mem>>
        %dma_start3A_125 = arith.constant 0 : i32
        %dma_start3A_126 = tpu.memref_slice %arg3[%multiple_of3A_124, %dma_start3A_125] : memref<1250x128xi32, #tpu.memory_space<hbm>> -> memref<40x128xi32, #tpu.memory_space<hbm>>
        %dma_start3A_127 = arith.constant 0 : i32
        %dma_start3A_128 = tpu.memref_slice %arg3[%multiple_of3A_124, %dma_start3A_127] : memref<1250x128xi32, #tpu.memory_space<hbm>> -> memref<40x128xi32, #tpu.memory_space<hbm>>
        tpu.enqueue_dma source(%dma_start3A_128 : memref<40x128xi32, #tpu.memory_space<hbm>>) target(%arg8 : memref<40x128xi32, #tpu.memory_space<vmem>>) target_semaphore(%run_scoped3A : memref<!tpu.dma_semaphore, #tpu.memory_space<semaphore_mem>>)
        %dma_wait3A_129 = arith.constant 0 : i32
        %dma_wait3A_130 = tpu.memref_slice %arg3[%multiple_of3A_124, %dma_wait3A_129] : memref<1250x128xi32, #tpu.memory_space<hbm>> -> memref<40x128xi32, #tpu.memory_space<hbm>>
        %dma_wait3A_131 = arith.constant 0 : i32
        %dma_wait3A_132 = tpu.memref_slice %arg3[%multiple_of3A_124, %dma_wait3A_131] : memref<1250x128xi32, #tpu.memory_space<hbm>> -> memref<40x128xi32, #tpu.memory_space<hbm>>
        tpu.wait_dma2 semaphore(%run_scoped3A : memref<!tpu.dma_semaphore, #tpu.memory_space<semaphore_mem>>) src(%dma_wait3A_132 : memref<40x128xi32, #tpu.memory_space<hbm>>) dst(%arg8 : memref<40x128xi32, #tpu.memory_space<vmem>>)
        tpu.yield
      }) : () -> ()
      "tpu.region"() ({
        %run_scoped3A = tpu.sem_alloc : memref<!tpu.dma_semaphore, #tpu.memory_space<semaphore_mem>>
        %dma_start3A_125 = arith.constant 0 : i32
        %dma_start3A_126 = tpu.memref_slice %arg4[%multiple_of3A_124, %dma_start3A_125] : memref<1250x128xi32, #tpu.memory_space<hbm>> -> memref<40x128xi32, #tpu.memory_space<hbm>>
        %dma_start3A_127 = arith.constant 0 : i32
        %dma_start3A_128 = tpu.memref_slice %arg4[%multiple_of3A_124, %dma_start3A_127] : memref<1250x128xi32, #tpu.memory_space<hbm>> -> memref<40x128xi32, #tpu.memory_space<hbm>>
        tpu.enqueue_dma source(%dma_start3A_128 : memref<40x128xi32, #tpu.memory_space<hbm>>) target(%arg9 : memref<40x128xi32, #tpu.memory_space<vmem>>) target_semaphore(%run_scoped3A : memref<!tpu.dma_semaphore, #tpu.memory_space<semaphore_mem>>)
        %dma_wait3A_129 = arith.constant 0 : i32
        %dma_wait3A_130 = tpu.memref_slice %arg4[%multiple_of3A_124, %dma_wait3A_129] : memref<1250x128xi32, #tpu.memory_space<hbm>> -> memref<40x128xi32, #tpu.memory_space<hbm>>
        %dma_wait3A_131 = arith.constant 0 : i32
        %dma_wait3A_132 = tpu.memref_slice %arg4[%multiple_of3A_124, %dma_wait3A_131] : memref<1250x128xi32, #tpu.memory_space<hbm>> -> memref<40x128xi32, #tpu.memory_space<hbm>>
        tpu.wait_dma2 semaphore(%run_scoped3A : memref<!tpu.dma_semaphore, #tpu.memory_space<semaphore_mem>>) src(%dma_wait3A_132 : memref<40x128xi32, #tpu.memory_space<hbm>>) dst(%arg9 : memref<40x128xi32, #tpu.memory_space<vmem>>)
        tpu.yield
      }) : () -> ()
    } else {
    }
    %eq3A_58 = arith.constant 15 : i32
    %eq3A_59 = arith.cmpi eq, %arg1, %eq3A_58 : i32
    %convert_element_type3A_60 = arith.extui %eq3A_59 : i1 to i32
    %cond3A_61 = arith.constant 0 : i32
    %cond3A_62 = arith.cmpi ne, %convert_element_type3A_60, %cond3A_61 : i32
    scf.if %cond3A_62 {
      "tpu.region"() ({
        %run_scoped3A = tpu.sem_alloc : memref<!tpu.dma_semaphore, #tpu.memory_space<semaphore_mem>>
        %dma_start3A_121 = arith.constant 0 : i32
        %dma_start3A_122 = arith.constant 0 : i32
        %dma_start3A_123 = tpu.memref_slice %arg8[%dma_start3A_121, %dma_start3A_122] : memref<40x128xi32, #tpu.memory_space<vmem>> -> memref<10x128xi32, #tpu.memory_space<vmem>>
        %dma_start3A_124 = arith.constant 1240 : i32
        %dma_start3A_125 = arith.constant 0 : i32
        %dma_start3A_126 = tpu.memref_slice %arg3[%dma_start3A_124, %dma_start3A_125] : memref<1250x128xi32, #tpu.memory_space<hbm>> -> memref<10x128xi32, #tpu.memory_space<hbm>>
        %dma_start3A_127 = arith.constant 0 : i32
        %dma_start3A_128 = arith.constant 0 : i32
        %dma_start3A_129 = tpu.memref_slice %arg8[%dma_start3A_127, %dma_start3A_128] : memref<40x128xi32, #tpu.memory_space<vmem>> -> memref<10x128xi32, #tpu.memory_space<vmem>>
        %dma_start3A_130 = arith.constant 1240 : i32
        %dma_start3A_131 = arith.constant 0 : i32
        %dma_start3A_132 = tpu.memref_slice %arg3[%dma_start3A_130, %dma_start3A_131] : memref<1250x128xi32, #tpu.memory_space<hbm>> -> memref<10x128xi32, #tpu.memory_space<hbm>>
        tpu.enqueue_dma source(%dma_start3A_132 : memref<10x128xi32, #tpu.memory_space<hbm>>) target(%dma_start3A_129 : memref<10x128xi32, #tpu.memory_space<vmem>>) target_semaphore(%run_scoped3A : memref<!tpu.dma_semaphore, #tpu.memory_space<semaphore_mem>>)
        %dma_wait3A_133 = arith.constant 0 : i32
        %dma_wait3A_134 = arith.constant 0 : i32
        %dma_wait3A_135 = tpu.memref_slice %arg8[%dma_wait3A_133, %dma_wait3A_134] : memref<40x128xi32, #tpu.memory_space<vmem>> -> memref<10x128xi32, #tpu.memory_space<vmem>>
        %dma_wait3A_136 = arith.constant 1240 : i32
        %dma_wait3A_137 = arith.constant 0 : i32
        %dma_wait3A_138 = tpu.memref_slice %arg3[%dma_wait3A_136, %dma_wait3A_137] : memref<1250x128xi32, #tpu.memory_space<hbm>> -> memref<10x128xi32, #tpu.memory_space<hbm>>
        %dma_wait3A_139 = arith.constant 0 : i32
        %dma_wait3A_140 = arith.constant 0 : i32
        %dma_wait3A_141 = tpu.memref_slice %arg8[%dma_wait3A_139, %dma_wait3A_140] : memref<40x128xi32, #tpu.memory_space<vmem>> -> memref<10x128xi32, #tpu.memory_space<vmem>>
        %dma_wait3A_142 = arith.constant 1240 : i32
        %dma_wait3A_143 = arith.constant 0 : i32
        %dma_wait3A_144 = tpu.memref_slice %arg3[%dma_wait3A_142, %dma_wait3A_143] : memref<1250x128xi32, #tpu.memory_space<hbm>> -> memref<10x128xi32, #tpu.memory_space<hbm>>
        tpu.wait_dma2 semaphore(%run_scoped3A : memref<!tpu.dma_semaphore, #tpu.memory_space<semaphore_mem>>) src(%dma_wait3A_144 : memref<10x128xi32, #tpu.memory_space<hbm>>) dst(%dma_wait3A_141 : memref<10x128xi32, #tpu.memory_space<vmem>>)
        tpu.yield
      }) : () -> ()
      "tpu.region"() ({
        %run_scoped3A = tpu.sem_alloc : memref<!tpu.dma_semaphore, #tpu.memory_space<semaphore_mem>>
        %dma_start3A_121 = arith.constant 0 : i32
        %dma_start3A_122 = arith.constant 0 : i32
        %dma_start3A_123 = tpu.memref_slice %arg9[%dma_start3A_121, %dma_start3A_122] : memref<40x128xi32, #tpu.memory_space<vmem>> -> memref<10x128xi32, #tpu.memory_space<vmem>>
        %dma_start3A_124 = arith.constant 1240 : i32
        %dma_start3A_125 = arith.constant 0 : i32
        %dma_start3A_126 = tpu.memref_slice %arg4[%dma_start3A_124, %dma_start3A_125] : memref<1250x128xi32, #tpu.memory_space<hbm>> -> memref<10x128xi32, #tpu.memory_space<hbm>>
        %dma_start3A_127 = arith.constant 0 : i32
        %dma_start3A_128 = arith.constant 0 : i32
        %dma_start3A_129 = tpu.memref_slice %arg9[%dma_start3A_127, %dma_start3A_128] : memref<40x128xi32, #tpu.memory_space<vmem>> -> memref<10x128xi32, #tpu.memory_space<vmem>>
        %dma_start3A_130 = arith.constant 1240 : i32
        %dma_start3A_131 = arith.constant 0 : i32
        %dma_start3A_132 = tpu.memref_slice %arg4[%dma_start3A_130, %dma_start3A_131] : memref<1250x128xi32, #tpu.memory_space<hbm>> -> memref<10x128xi32, #tpu.memory_space<hbm>>
        tpu.enqueue_dma source(%dma_start3A_132 : memref<10x128xi32, #tpu.memory_space<hbm>>) target(%dma_start3A_129 : memref<10x128xi32, #tpu.memory_space<vmem>>) target_semaphore(%run_scoped3A : memref<!tpu.dma_semaphore, #tpu.memory_space<semaphore_mem>>)
        %dma_wait3A_133 = arith.constant 0 : i32
        %dma_wait3A_134 = arith.constant 0 : i32
        %dma_wait3A_135 = tpu.memref_slice %arg9[%dma_wait3A_133, %dma_wait3A_134] : memref<40x128xi32, #tpu.memory_space<vmem>> -> memref<10x128xi32, #tpu.memory_space<vmem>>
        %dma_wait3A_136 = arith.constant 1240 : i32
        %dma_wait3A_137 = arith.constant 0 : i32
        %dma_wait3A_138 = tpu.memref_slice %arg4[%dma_wait3A_136, %dma_wait3A_137] : memref<1250x128xi32, #tpu.memory_space<hbm>> -> memref<10x128xi32, #tpu.memory_space<hbm>>
        %dma_wait3A_139 = arith.constant 0 : i32
        %dma_wait3A_140 = arith.constant 0 : i32
        %dma_wait3A_141 = tpu.memref_slice %arg9[%dma_wait3A_139, %dma_wait3A_140] : memref<40x128xi32, #tpu.memory_space<vmem>> -> memref<10x128xi32, #tpu.memory_space<vmem>>
        %dma_wait3A_142 = arith.constant 1240 : i32
        %dma_wait3A_143 = arith.constant 0 : i32
        %dma_wait3A_144 = tpu.memref_slice %arg4[%dma_wait3A_142, %dma_wait3A_143] : memref<1250x128xi32, #tpu.memory_space<hbm>> -> memref<10x128xi32, #tpu.memory_space<hbm>>
        tpu.wait_dma2 semaphore(%run_scoped3A : memref<!tpu.dma_semaphore, #tpu.memory_space<semaphore_mem>>) src(%dma_wait3A_144 : memref<10x128xi32, #tpu.memory_space<hbm>>) dst(%dma_wait3A_141 : memref<10x128xi32, #tpu.memory_space<vmem>>)
        tpu.yield
      }) : () -> ()
    } else {
    }
    %lt3A_63 = arith.constant 15 : i32
    %lt3A_64 = arith.cmpi slt, %arg1, %lt3A_63 : i32
    %jit3A_65 = arith.constant 40 : i32
    %jit3A_66 = arith.constant 10 : i32
    %select_n3A_67 = arith.select %lt3A_64, %jit3A_65, %jit3A_66 : i32
    %dma_start3A_68 = arith.constant 0 : i32
    %dma_start3A_69 = arith.constant 0 : i32
    %dma_start3A_70 = arith.constant 0 : i32
    %dma_start3A_71 = arith.constant 0 : i32
    %dma_start3A_72 = tpu.memref_slice %arg10[%dma_start3A_69, %dma_start3A_70, %dma_start3A_71] : memref<2x128x128xf32, #tpu.memory_space<vmem>> -> memref<1x128x128xf32, #tpu.memory_space<vmem>>
    %dma_start3A_73 = tpu.memref_squeeze %dma_start3A_72 : memref<1x128x128xf32, #tpu.memory_space<vmem>> -> memref<128x128xf32, #tpu.memory_space<vmem>>
    %dma_start3A_74 = arith.constant 0 : i32
    %dma_start3A_75 = tpu.memref_slice %arg8[%dma_start3A_68, %dma_start3A_74] : memref<40x128xi32, #tpu.memory_space<vmem>> -> memref<1x128xi32, #tpu.memory_space<vmem>>
    %dma_start3A_76 = tpu.memref_squeeze %dma_start3A_75 : memref<1x128xi32, #tpu.memory_space<vmem>> -> memref<128xi32, #tpu.memory_space<vmem>>
    %dma_start3A_77 = arith.constant 0 : i32
    %dma_start3A_78 = arith.constant 0 : i32
    %dma_start3A_79 = tpu.memref_slice %arg2[%arg0, %dma_start3A_77, %dma_start3A_78] : memref<2x10000x128xf32, #tpu.memory_space<hbm>> -> memref<1x10000x128xf32, #tpu.memory_space<hbm>>
    %dma_start3A_80 = tpu.memref_squeeze %dma_start3A_79 : memref<1x10000x128xf32, #tpu.memory_space<hbm>> -> memref<10000x128xf32, #tpu.memory_space<hbm>>
    %dma_start3A_81 = arith.constant 0 : i32
    %dma_start3A_82 = arith.constant 0 : i32
    %dma_start3A_83 = tpu.memref_slice %dma_start3A_80[%dma_start3A_81, %dma_start3A_82] : memref<10000x128xf32, #tpu.memory_space<hbm>> -> memref<10000x128xf32, #tpu.memory_space<hbm>>
    tpu.enqueue_indirect_dma source(%dma_start3A_83 : memref<10000x128xf32, #tpu.memory_space<hbm>>) target(%dma_start3A_73 : memref<128x128xf32, #tpu.memory_space<vmem>>) offsets(%dma_start3A_76 : memref<128xi32, #tpu.memory_space<vmem>>) semaphore(%arg11 : memref<!tpu.dma_semaphore, #tpu.memory_space<semaphore_mem>>)
    %jit3A_84 = arith.constant 2 : i32
    %div3A = arith.divsi %select_n3A_67, %jit3A_84 : i32
    %sign3A = arith.constant 0 : i32
    %sign3A_85 = arith.cmpi sgt, %select_n3A_67, %sign3A : i32
    %sign3A_86 = arith.extui %sign3A_85 : i1 to i32
    %sign3A_87 = arith.constant 0 : i32
    %sign3A_88 = arith.cmpi slt, %select_n3A_67, %sign3A_87 : i32
    %sign3A_89 = arith.extui %sign3A_88 : i1 to i32
    %sign3A_90 = arith.subi %sign3A_86, %sign3A_89 : i32
    %sign3A_91 = arith.constant 0 : i32
    %sign3A_92 = arith.cmpi sgt, %jit3A_84, %sign3A_91 : i32
    %sign3A_93 = arith.extui %sign3A_92 : i1 to i32
    %sign3A_94 = arith.constant 0 : i32
    %sign3A_95 = arith.cmpi slt, %jit3A_84, %sign3A_94 : i32
    %sign3A_96 = arith.extui %sign3A_95 : i1 to i32
    %sign3A_97 = arith.subi %sign3A_93, %sign3A_96 : i32
    %ne3A = arith.cmpi ne, %sign3A_90, %sign3A_97 : i32
    %rem3A = arith.remsi %select_n3A_67, %jit3A_84 : i32
    %ne3A_98 = arith.constant 0 : i32
    %ne3A_99 = arith.cmpi ne, %rem3A, %ne3A_98 : i32
    %and3A = arith.andi %ne3A, %ne3A_99 : i1
    %sub3A = arith.constant 1 : i32
    %sub3A_100 = arith.subi %div3A, %sub3A : i32
    %select_n3A_101 = arith.select %and3A, %sub3A_100, %div3A : i32
    %while3A = arith.constant 0 : i32
    %while3A_102 = arith.subi %select_n3A_101, %while3A : i32
    %while3A_103 = arith.addi %while3A, %while3A_102 : i32
    %while3A_104 = arith.constant 1 : i32
    %while3A_105 = arith.divsi %while3A_102, %while3A_104 : i32
    %while3A_106 = arith.muli %while3A_105, %while3A_104 : i32
    %while3A_107 = arith.addi %while3A, %while3A_106 : i32
    %while3A_108 = arith.constant 1 : i32
    scf.for %while3A_121 = %while3A to %while3A_107 step %while3A_108  : i32 {
      %mul3A_122 = arith.constant 2 : i32
      %mul3A_123 = arith.muli %mul3A_122, %while3A_121 : i32
      %add3A = arith.constant 1 : i32
      %add3A_124 = arith.addi %mul3A_123, %add3A : i32
      %dma_start3A_125 = arith.constant 1 : i32
      %dma_start3A_126 = arith.constant 0 : i32
      %dma_start3A_127 = arith.constant 0 : i32
      %dma_start3A_128 = tpu.memref_slice %arg10[%dma_start3A_125, %dma_start3A_126, %dma_start3A_127] : memref<2x128x128xf32, #tpu.memory_space<vmem>> -> memref<1x128x128xf32, #tpu.memory_space<vmem>>
      %dma_start3A_129 = tpu.memref_squeeze %dma_start3A_128 : memref<1x128x128xf32, #tpu.memory_space<vmem>> -> memref<128x128xf32, #tpu.memory_space<vmem>>
      %dma_start3A_130 = arith.constant 0 : i32
      %dma_start3A_131 = tpu.memref_slice %arg8[%add3A_124, %dma_start3A_130] : memref<40x128xi32, #tpu.memory_space<vmem>> -> memref<1x128xi32, #tpu.memory_space<vmem>>
      %dma_start3A_132 = tpu.memref_squeeze %dma_start3A_131 : memref<1x128xi32, #tpu.memory_space<vmem>> -> memref<128xi32, #tpu.memory_space<vmem>>
      %dma_start3A_133 = arith.constant 0 : i32
      %dma_start3A_134 = arith.constant 0 : i32
      %dma_start3A_135 = tpu.memref_slice %arg2[%arg0, %dma_start3A_133, %dma_start3A_134] : memref<2x10000x128xf32, #tpu.memory_space<hbm>> -> memref<1x10000x128xf32, #tpu.memory_space<hbm>>
      %dma_start3A_136 = tpu.memref_squeeze %dma_start3A_135 : memref<1x10000x128xf32, #tpu.memory_space<hbm>> -> memref<10000x128xf32, #tpu.memory_space<hbm>>
      %dma_start3A_137 = arith.constant 0 : i32
      %dma_start3A_138 = arith.constant 0 : i32
      %dma_start3A_139 = tpu.memref_slice %dma_start3A_136[%dma_start3A_137, %dma_start3A_138] : memref<10000x128xf32, #tpu.memory_space<hbm>> -> memref<10000x128xf32, #tpu.memory_space<hbm>>
      tpu.enqueue_indirect_dma source(%dma_start3A_139 : memref<10000x128xf32, #tpu.memory_space<hbm>>) target(%dma_start3A_129 : memref<128x128xf32, #tpu.memory_space<vmem>>) offsets(%dma_start3A_132 : memref<128xi32, #tpu.memory_space<vmem>>) semaphore(%arg12 : memref<!tpu.dma_semaphore, #tpu.memory_space<semaphore_mem>>)
      %dma_wait3A_140 = arith.constant 0 : i32
      %dma_wait3A_141 = arith.constant 0 : i32
      %dma_wait3A_142 = arith.constant 0 : i32
      %dma_wait3A_143 = tpu.memref_slice %arg10[%dma_wait3A_140, %dma_wait3A_141, %dma_wait3A_142] : memref<2x128x128xf32, #tpu.memory_space<vmem>> -> memref<1x128x128xf32, #tpu.memory_space<vmem>>
      %dma_wait3A_144 = tpu.memref_squeeze %dma_wait3A_143 : memref<1x128x128xf32, #tpu.memory_space<vmem>> -> memref<128x128xf32, #tpu.memory_space<vmem>>
      %dma_wait3A_145 = arith.constant 0 : i32
      %dma_wait3A_146 = tpu.memref_slice %arg8[%mul3A_123, %dma_wait3A_145] : memref<40x128xi32, #tpu.memory_space<vmem>> -> memref<1x128xi32, #tpu.memory_space<vmem>>
      %dma_wait3A_147 = tpu.memref_squeeze %dma_wait3A_146 : memref<1x128xi32, #tpu.memory_space<vmem>> -> memref<128xi32, #tpu.memory_space<vmem>>
      %dma_wait3A_148 = arith.constant 0 : i32
      %dma_wait3A_149 = arith.constant 0 : i32
      %dma_wait3A_150 = tpu.memref_slice %arg2[%arg0, %dma_wait3A_148, %dma_wait3A_149] : memref<2x10000x128xf32, #tpu.memory_space<hbm>> -> memref<1x10000x128xf32, #tpu.memory_space<hbm>>
      %dma_wait3A_151 = tpu.memref_squeeze %dma_wait3A_150 : memref<1x10000x128xf32, #tpu.memory_space<hbm>> -> memref<10000x128xf32, #tpu.memory_space<hbm>>
      %dma_wait3A_152 = arith.constant 0 : i32
      %dma_wait3A_153 = arith.constant 0 : i32
      %dma_wait3A_154 = tpu.memref_slice %dma_wait3A_151[%dma_wait3A_152, %dma_wait3A_153] : memref<10000x128xf32, #tpu.memory_space<hbm>> -> memref<10000x128xf32, #tpu.memory_space<hbm>>
      tpu.wait_indirect_dma semaphore(%arg11 : memref<!tpu.dma_semaphore, #tpu.memory_space<semaphore_mem>>) src(%dma_wait3A_154 : memref<10000x128xf32, #tpu.memory_space<hbm>>) dst(%dma_wait3A_144 : memref<128x128xf32, #tpu.memory_space<vmem>>)
      %run_scoped3A = arith.constant 0 : i32
      "tpu.region"() ({
        %run_scoped3A_181 = tpu.sem_alloc : memref<!tpu.dma_semaphore, #tpu.memory_space<semaphore_mem>>
        %dma_start3A_182 = arith.constant 0 : i32
        %dma_start3A_183 = arith.constant 0 : i32
        %dma_start3A_184 = tpu.memref_slice %arg10[%run_scoped3A, %dma_start3A_182, %dma_start3A_183] : memref<2x128x128xf32, #tpu.memory_space<vmem>> -> memref<1x128x128xf32, #tpu.memory_space<vmem>>
        %dma_start3A_185 = tpu.memref_squeeze %dma_start3A_184 : memref<1x128x128xf32, #tpu.memory_space<vmem>> -> memref<128x128xf32, #tpu.memory_space<vmem>>
        %dma_start3A_186 = arith.constant 0 : i32
        %dma_start3A_187 = tpu.memref_slice %arg9[%mul3A_123, %dma_start3A_186] : memref<40x128xi32, #tpu.memory_space<vmem>> -> memref<1x128xi32, #tpu.memory_space<vmem>>
        %dma_start3A_188 = tpu.memref_squeeze %dma_start3A_187 : memref<1x128xi32, #tpu.memory_space<vmem>> -> memref<128xi32, #tpu.memory_space<vmem>>
        %dma_start3A_189 = arith.constant 0 : i32
        %dma_start3A_190 = arith.constant 0 : i32
        %dma_start3A_191 = tpu.memref_slice %arg7[%dma_start3A_189, %dma_start3A_190] : memref<10000x128xf32, #tpu.memory_space<vmem_shared>> -> memref<10000x128xf32, #tpu.memory_space<vmem_shared>>
        tpu.enqueue_indirect_dma source(%dma_start3A_185 : memref<128x128xf32, #tpu.memory_space<vmem>>) target(%dma_start3A_191 : memref<10000x128xf32, #tpu.memory_space<vmem_shared>>) offsets(%dma_start3A_188 : memref<128xi32, #tpu.memory_space<vmem>>) semaphore(%run_scoped3A_181 : memref<!tpu.dma_semaphore, #tpu.memory_space<semaphore_mem>>) {add = true}
        %dma_wait3A_192 = arith.constant 0 : i32
        %dma_wait3A_193 = arith.constant 0 : i32
        %dma_wait3A_194 = tpu.memref_slice %arg10[%run_scoped3A, %dma_wait3A_192, %dma_wait3A_193] : memref<2x128x128xf32, #tpu.memory_space<vmem>> -> memref<1x128x128xf32, #tpu.memory_space<vmem>>
        %dma_wait3A_195 = tpu.memref_squeeze %dma_wait3A_194 : memref<1x128x128xf32, #tpu.memory_space<vmem>> -> memref<128x128xf32, #tpu.memory_space<vmem>>
        %dma_wait3A_196 = arith.constant 0 : i32
        %dma_wait3A_197 = tpu.memref_slice %arg9[%mul3A_123, %dma_wait3A_196] : memref<40x128xi32, #tpu.memory_space<vmem>> -> memref<1x128xi32, #tpu.memory_space<vmem>>
        %dma_wait3A_198 = tpu.memref_squeeze %dma_wait3A_197 : memref<1x128xi32, #tpu.memory_space<vmem>> -> memref<128xi32, #tpu.memory_space<vmem>>
        %dma_wait3A_199 = arith.constant 0 : i32
        %dma_wait3A_200 = arith.constant 0 : i32
        %dma_wait3A_201 = tpu.memref_slice %arg7[%dma_wait3A_199, %dma_wait3A_200] : memref<10000x128xf32, #tpu.memory_space<vmem_shared>> -> memref<10000x128xf32, #tpu.memory_space<vmem_shared>>
        tpu.wait_indirect_dma semaphore(%run_scoped3A_181 : memref<!tpu.dma_semaphore, #tpu.memory_space<semaphore_mem>>) src(%dma_wait3A_195 : memref<128x128xf32, #tpu.memory_space<vmem>>) dst(%dma_wait3A_201 : memref<10000x128xf32, #tpu.memory_space<vmem_shared>>)
        tpu.yield
      }) : () -> ()
      %add3A_155 = arith.constant 2 : i32
      %add3A_156 = arith.addi %mul3A_123, %add3A_155 : i32
      %lt3A_157 = arith.cmpi slt, %add3A_156, %select_n3A_67 : i32
      %convert_element_type3A_158 = arith.extui %lt3A_157 : i1 to i32
      %cond3A_159 = arith.constant 0 : i32
      %cond3A_160 = arith.cmpi ne, %convert_element_type3A_158, %cond3A_159 : i32
      scf.if %cond3A_160 {
        %add3A_181 = arith.constant 2 : i32
        %add3A_182 = arith.addi %mul3A_123, %add3A_181 : i32
        %dma_start3A_183 = arith.constant 0 : i32
        %dma_start3A_184 = arith.constant 0 : i32
        %dma_start3A_185 = arith.constant 0 : i32
        %dma_start3A_186 = tpu.memref_slice %arg10[%dma_start3A_183, %dma_start3A_184, %dma_start3A_185] : memref<2x128x128xf32, #tpu.memory_space<vmem>> -> memref<1x128x128xf32, #tpu.memory_space<vmem>>
        %dma_start3A_187 = tpu.memref_squeeze %dma_start3A_186 : memref<1x128x128xf32, #tpu.memory_space<vmem>> -> memref<128x128xf32, #tpu.memory_space<vmem>>
        %dma_start3A_188 = arith.constant 0 : i32
        %dma_start3A_189 = tpu.memref_slice %arg8[%add3A_182, %dma_start3A_188] : memref<40x128xi32, #tpu.memory_space<vmem>> -> memref<1x128xi32, #tpu.memory_space<vmem>>
        %dma_start3A_190 = tpu.memref_squeeze %dma_start3A_189 : memref<1x128xi32, #tpu.memory_space<vmem>> -> memref<128xi32, #tpu.memory_space<vmem>>
        %dma_start3A_191 = arith.constant 0 : i32
        %dma_start3A_192 = arith.constant 0 : i32
        %dma_start3A_193 = tpu.memref_slice %arg2[%arg0, %dma_start3A_191, %dma_start3A_192] : memref<2x10000x128xf32, #tpu.memory_space<hbm>> -> memref<1x10000x128xf32, #tpu.memory_space<hbm>>
        %dma_start3A_194 = tpu.memref_squeeze %dma_start3A_193 : memref<1x10000x128xf32, #tpu.memory_space<hbm>> -> memref<10000x128xf32, #tpu.memory_space<hbm>>
        %dma_start3A_195 = arith.constant 0 : i32
        %dma_start3A_196 = arith.constant 0 : i32
        %dma_start3A_197 = tpu.memref_slice %dma_start3A_194[%dma_start3A_195, %dma_start3A_196] : memref<10000x128xf32, #tpu.memory_space<hbm>> -> memref<10000x128xf32, #tpu.memory_space<hbm>>
        tpu.enqueue_indirect_dma source(%dma_start3A_197 : memref<10000x128xf32, #tpu.memory_space<hbm>>) target(%dma_start3A_187 : memref<128x128xf32, #tpu.memory_space<vmem>>) offsets(%dma_start3A_190 : memref<128xi32, #tpu.memory_space<vmem>>) semaphore(%arg11 : memref<!tpu.dma_semaphore, #tpu.memory_space<semaphore_mem>>)
      } else {
      }
      %add3A_161 = arith.constant 1 : i32
      %add3A_162 = arith.addi %mul3A_123, %add3A_161 : i32
      %dma_wait3A_163 = arith.constant 1 : i32
      %dma_wait3A_164 = arith.constant 0 : i32
      %dma_wait3A_165 = arith.constant 0 : i32
      %dma_wait3A_166 = tpu.memref_slice %arg10[%dma_wait3A_163, %dma_wait3A_164, %dma_wait3A_165] : memref<2x128x128xf32, #tpu.memory_space<vmem>> -> memref<1x128x128xf32, #tpu.memory_space<vmem>>
      %dma_wait3A_167 = tpu.memref_squeeze %dma_wait3A_166 : memref<1x128x128xf32, #tpu.memory_space<vmem>> -> memref<128x128xf32, #tpu.memory_space<vmem>>
      %dma_wait3A_168 = arith.constant 0 : i32
      %dma_wait3A_169 = tpu.memref_slice %arg8[%add3A_162, %dma_wait3A_168] : memref<40x128xi32, #tpu.memory_space<vmem>> -> memref<1x128xi32, #tpu.memory_space<vmem>>
      %dma_wait3A_170 = tpu.memref_squeeze %dma_wait3A_169 : memref<1x128xi32, #tpu.memory_space<vmem>> -> memref<128xi32, #tpu.memory_space<vmem>>
      %dma_wait3A_171 = arith.constant 0 : i32
      %dma_wait3A_172 = arith.constant 0 : i32
      %dma_wait3A_173 = tpu.memref_slice %arg2[%arg0, %dma_wait3A_171, %dma_wait3A_172] : memref<2x10000x128xf32, #tpu.memory_space<hbm>> -> memref<1x10000x128xf32, #tpu.memory_space<hbm>>
      %dma_wait3A_174 = tpu.memref_squeeze %dma_wait3A_173 : memref<1x10000x128xf32, #tpu.memory_space<hbm>> -> memref<10000x128xf32, #tpu.memory_space<hbm>>
      %dma_wait3A_175 = arith.constant 0 : i32
      %dma_wait3A_176 = arith.constant 0 : i32
      %dma_wait3A_177 = tpu.memref_slice %dma_wait3A_174[%dma_wait3A_175, %dma_wait3A_176] : memref<10000x128xf32, #tpu.memory_space<hbm>> -> memref<10000x128xf32, #tpu.memory_space<hbm>>
      tpu.wait_indirect_dma semaphore(%arg12 : memref<!tpu.dma_semaphore, #tpu.memory_space<semaphore_mem>>) src(%dma_wait3A_177 : memref<10000x128xf32, #tpu.memory_space<hbm>>) dst(%dma_wait3A_167 : memref<128x128xf32, #tpu.memory_space<vmem>>)
      %add3A_178 = arith.constant 1 : i32
      %add3A_179 = arith.addi %mul3A_123, %add3A_178 : i32
      %run_scoped3A_180 = arith.constant 1 : i32
      "tpu.region"() ({
        %run_scoped3A_181 = tpu.sem_alloc : memref<!tpu.dma_semaphore, #tpu.memory_space<semaphore_mem>>
        %dma_start3A_182 = arith.constant 0 : i32
        %dma_start3A_183 = arith.constant 0 : i32
        %dma_start3A_184 = tpu.memref_slice %arg10[%run_scoped3A_180, %dma_start3A_182, %dma_start3A_183] : memref<2x128x128xf32, #tpu.memory_space<vmem>> -> memref<1x128x128xf32, #tpu.memory_space<vmem>>
        %dma_start3A_185 = tpu.memref_squeeze %dma_start3A_184 : memref<1x128x128xf32, #tpu.memory_space<vmem>> -> memref<128x128xf32, #tpu.memory_space<vmem>>
        %dma_start3A_186 = arith.constant 0 : i32
        %dma_start3A_187 = tpu.memref_slice %arg9[%add3A_179, %dma_start3A_186] : memref<40x128xi32, #tpu.memory_space<vmem>> -> memref<1x128xi32, #tpu.memory_space<vmem>>
        %dma_start3A_188 = tpu.memref_squeeze %dma_start3A_187 : memref<1x128xi32, #tpu.memory_space<vmem>> -> memref<128xi32, #tpu.memory_space<vmem>>
        %dma_start3A_189 = arith.constant 0 : i32
        %dma_start3A_190 = arith.constant 0 : i32
        %dma_start3A_191 = tpu.memref_slice %arg7[%dma_start3A_189, %dma_start3A_190] : memref<10000x128xf32, #tpu.memory_space<vmem_shared>> -> memref<10000x128xf32, #tpu.memory_space<vmem_shared>>
        tpu.enqueue_indirect_dma source(%dma_start3A_185 : memref<128x128xf32, #tpu.memory_space<vmem>>) target(%dma_start3A_191 : memref<10000x128xf32, #tpu.memory_space<vmem_shared>>) offsets(%dma_start3A_188 : memref<128xi32, #tpu.memory_space<vmem>>) semaphore(%run_scoped3A_181 : memref<!tpu.dma_semaphore, #tpu.memory_space<semaphore_mem>>) {add = true}
        %dma_wait3A_192 = arith.constant 0 : i32
        %dma_wait3A_193 = arith.constant 0 : i32
        %dma_wait3A_194 = tpu.memref_slice %arg10[%run_scoped3A_180, %dma_wait3A_192, %dma_wait3A_193] : memref<2x128x128xf32, #tpu.memory_space<vmem>> -> memref<1x128x128xf32, #tpu.memory_space<vmem>>
        %dma_wait3A_195 = tpu.memref_squeeze %dma_wait3A_194 : memref<1x128x128xf32, #tpu.memory_space<vmem>> -> memref<128x128xf32, #tpu.memory_space<vmem>>
        %dma_wait3A_196 = arith.constant 0 : i32
        %dma_wait3A_197 = tpu.memref_slice %arg9[%add3A_179, %dma_wait3A_196] : memref<40x128xi32, #tpu.memory_space<vmem>> -> memref<1x128xi32, #tpu.memory_space<vmem>>
        %dma_wait3A_198 = tpu.memref_squeeze %dma_wait3A_197 : memref<1x128xi32, #tpu.memory_space<vmem>> -> memref<128xi32, #tpu.memory_space<vmem>>
        %dma_wait3A_199 = arith.constant 0 : i32
        %dma_wait3A_200 = arith.constant 0 : i32
        %dma_wait3A_201 = tpu.memref_slice %arg7[%dma_wait3A_199, %dma_wait3A_200] : memref<10000x128xf32, #tpu.memory_space<vmem_shared>> -> memref<10000x128xf32, #tpu.memory_space<vmem_shared>>
        tpu.wait_indirect_dma semaphore(%run_scoped3A_181 : memref<!tpu.dma_semaphore, #tpu.memory_space<semaphore_mem>>) src(%dma_wait3A_195 : memref<128x128xf32, #tpu.memory_space<vmem>>) dst(%dma_wait3A_201 : memref<10000x128xf32, #tpu.memory_space<vmem_shared>>)
        tpu.yield
      }) : () -> ()
    }
    %while3A_109 = arith.constant 1 : i32
    scf.for %while3A_121 = %while3A_107 to %while3A_103 step %while3A_109  : i32 {
      %mul3A_122 = arith.constant 2 : i32
      %mul3A_123 = arith.muli %mul3A_122, %while3A_121 : i32
      %add3A = arith.constant 1 : i32
      %add3A_124 = arith.addi %mul3A_123, %add3A : i32
      %dma_start3A_125 = arith.constant 1 : i32
      %dma_start3A_126 = arith.constant 0 : i32
      %dma_start3A_127 = arith.constant 0 : i32
      %dma_start3A_128 = tpu.memref_slice %arg10[%dma_start3A_125, %dma_start3A_126, %dma_start3A_127] : memref<2x128x128xf32, #tpu.memory_space<vmem>> -> memref<1x128x128xf32, #tpu.memory_space<vmem>>
      %dma_start3A_129 = tpu.memref_squeeze %dma_start3A_128 : memref<1x128x128xf32, #tpu.memory_space<vmem>> -> memref<128x128xf32, #tpu.memory_space<vmem>>
      %dma_start3A_130 = arith.constant 0 : i32
      %dma_start3A_131 = tpu.memref_slice %arg8[%add3A_124, %dma_start3A_130] : memref<40x128xi32, #tpu.memory_space<vmem>> -> memref<1x128xi32, #tpu.memory_space<vmem>>
      %dma_start3A_132 = tpu.memref_squeeze %dma_start3A_131 : memref<1x128xi32, #tpu.memory_space<vmem>> -> memref<128xi32, #tpu.memory_space<vmem>>
      %dma_start3A_133 = arith.constant 0 : i32
      %dma_start3A_134 = arith.constant 0 : i32
      %dma_start3A_135 = tpu.memref_slice %arg2[%arg0, %dma_start3A_133, %dma_start3A_134] : memref<2x10000x128xf32, #tpu.memory_space<hbm>> -> memref<1x10000x128xf32, #tpu.memory_space<hbm>>
      %dma_start3A_136 = tpu.memref_squeeze %dma_start3A_135 : memref<1x10000x128xf32, #tpu.memory_space<hbm>> -> memref<10000x128xf32, #tpu.memory_space<hbm>>
      %dma_start3A_137 = arith.constant 0 : i32
      %dma_start3A_138 = arith.constant 0 : i32
      %dma_start3A_139 = tpu.memref_slice %dma_start3A_136[%dma_start3A_137, %dma_start3A_138] : memref<10000x128xf32, #tpu.memory_space<hbm>> -> memref<10000x128xf32, #tpu.memory_space<hbm>>
      tpu.enqueue_indirect_dma source(%dma_start3A_139 : memref<10000x128xf32, #tpu.memory_space<hbm>>) target(%dma_start3A_129 : memref<128x128xf32, #tpu.memory_space<vmem>>) offsets(%dma_start3A_132 : memref<128xi32, #tpu.memory_space<vmem>>) semaphore(%arg12 : memref<!tpu.dma_semaphore, #tpu.memory_space<semaphore_mem>>)
      %dma_wait3A_140 = arith.constant 0 : i32
      %dma_wait3A_141 = arith.constant 0 : i32
      %dma_wait3A_142 = arith.constant 0 : i32
      %dma_wait3A_143 = tpu.memref_slice %arg10[%dma_wait3A_140, %dma_wait3A_141, %dma_wait3A_142] : memref<2x128x128xf32, #tpu.memory_space<vmem>> -> memref<1x128x128xf32, #tpu.memory_space<vmem>>
      %dma_wait3A_144 = tpu.memref_squeeze %dma_wait3A_143 : memref<1x128x128xf32, #tpu.memory_space<vmem>> -> memref<128x128xf32, #tpu.memory_space<vmem>>
      %dma_wait3A_145 = arith.constant 0 : i32
      %dma_wait3A_146 = tpu.memref_slice %arg8[%mul3A_123, %dma_wait3A_145] : memref<40x128xi32, #tpu.memory_space<vmem>> -> memref<1x128xi32, #tpu.memory_space<vmem>>
      %dma_wait3A_147 = tpu.memref_squeeze %dma_wait3A_146 : memref<1x128xi32, #tpu.memory_space<vmem>> -> memref<128xi32, #tpu.memory_space<vmem>>
      %dma_wait3A_148 = arith.constant 0 : i32
      %dma_wait3A_149 = arith.constant 0 : i32
      %dma_wait3A_150 = tpu.memref_slice %arg2[%arg0, %dma_wait3A_148, %dma_wait3A_149] : memref<2x10000x128xf32, #tpu.memory_space<hbm>> -> memref<1x10000x128xf32, #tpu.memory_space<hbm>>
      %dma_wait3A_151 = tpu.memref_squeeze %dma_wait3A_150 : memref<1x10000x128xf32, #tpu.memory_space<hbm>> -> memref<10000x128xf32, #tpu.memory_space<hbm>>
      %dma_wait3A_152 = arith.constant 0 : i32
      %dma_wait3A_153 = arith.constant 0 : i32
      %dma_wait3A_154 = tpu.memref_slice %dma_wait3A_151[%dma_wait3A_152, %dma_wait3A_153] : memref<10000x128xf32, #tpu.memory_space<hbm>> -> memref<10000x128xf32, #tpu.memory_space<hbm>>
      tpu.wait_indirect_dma semaphore(%arg11 : memref<!tpu.dma_semaphore, #tpu.memory_space<semaphore_mem>>) src(%dma_wait3A_154 : memref<10000x128xf32, #tpu.memory_space<hbm>>) dst(%dma_wait3A_144 : memref<128x128xf32, #tpu.memory_space<vmem>>)
      %run_scoped3A = arith.constant 0 : i32
      "tpu.region"() ({
        %run_scoped3A_181 = tpu.sem_alloc : memref<!tpu.dma_semaphore, #tpu.memory_space<semaphore_mem>>
        %dma_start3A_182 = arith.constant 0 : i32
        %dma_start3A_183 = arith.constant 0 : i32
        %dma_start3A_184 = tpu.memref_slice %arg10[%run_scoped3A, %dma_start3A_182, %dma_start3A_183] : memref<2x128x128xf32, #tpu.memory_space<vmem>> -> memref<1x128x128xf32, #tpu.memory_space<vmem>>
        %dma_start3A_185 = tpu.memref_squeeze %dma_start3A_184 : memref<1x128x128xf32, #tpu.memory_space<vmem>> -> memref<128x128xf32, #tpu.memory_space<vmem>>
        %dma_start3A_186 = arith.constant 0 : i32
        %dma_start3A_187 = tpu.memref_slice %arg9[%mul3A_123, %dma_start3A_186] : memref<40x128xi32, #tpu.memory_space<vmem>> -> memref<1x128xi32, #tpu.memory_space<vmem>>
        %dma_start3A_188 = tpu.memref_squeeze %dma_start3A_187 : memref<1x128xi32, #tpu.memory_space<vmem>> -> memref<128xi32, #tpu.memory_space<vmem>>
        %dma_start3A_189 = arith.constant 0 : i32
        %dma_start3A_190 = arith.constant 0 : i32
        %dma_start3A_191 = tpu.memref_slice %arg7[%dma_start3A_189, %dma_start3A_190] : memref<10000x128xf32, #tpu.memory_space<vmem_shared>> -> memref<10000x128xf32, #tpu.memory_space<vmem_shared>>
        tpu.enqueue_indirect_dma source(%dma_start3A_185 : memref<128x128xf32, #tpu.memory_space<vmem>>) target(%dma_start3A_191 : memref<10000x128xf32, #tpu.memory_space<vmem_shared>>) offsets(%dma_start3A_188 : memref<128xi32, #tpu.memory_space<vmem>>) semaphore(%run_scoped3A_181 : memref<!tpu.dma_semaphore, #tpu.memory_space<semaphore_mem>>) {add = true}
        %dma_wait3A_192 = arith.constant 0 : i32
        %dma_wait3A_193 = arith.constant 0 : i32
        %dma_wait3A_194 = tpu.memref_slice %arg10[%run_scoped3A, %dma_wait3A_192, %dma_wait3A_193] : memref<2x128x128xf32, #tpu.memory_space<vmem>> -> memref<1x128x128xf32, #tpu.memory_space<vmem>>
        %dma_wait3A_195 = tpu.memref_squeeze %dma_wait3A_194 : memref<1x128x128xf32, #tpu.memory_space<vmem>> -> memref<128x128xf32, #tpu.memory_space<vmem>>
        %dma_wait3A_196 = arith.constant 0 : i32
        %dma_wait3A_197 = tpu.memref_slice %arg9[%mul3A_123, %dma_wait3A_196] : memref<40x128xi32, #tpu.memory_space<vmem>> -> memref<1x128xi32, #tpu.memory_space<vmem>>
        %dma_wait3A_198 = tpu.memref_squeeze %dma_wait3A_197 : memref<1x128xi32, #tpu.memory_space<vmem>> -> memref<128xi32, #tpu.memory_space<vmem>>
        %dma_wait3A_199 = arith.constant 0 : i32
        %dma_wait3A_200 = arith.constant 0 : i32
        %dma_wait3A_201 = tpu.memref_slice %arg7[%dma_wait3A_199, %dma_wait3A_200] : memref<10000x128xf32, #tpu.memory_space<vmem_shared>> -> memref<10000x128xf32, #tpu.memory_space<vmem_shared>>
        tpu.wait_indirect_dma semaphore(%run_scoped3A_181 : memref<!tpu.dma_semaphore, #tpu.memory_space<semaphore_mem>>) src(%dma_wait3A_195 : memref<128x128xf32, #tpu.memory_space<vmem>>) dst(%dma_wait3A_201 : memref<10000x128xf32, #tpu.memory_space<vmem_shared>>)
        tpu.yield
      }) : () -> ()
      %add3A_155 = arith.constant 2 : i32
      %add3A_156 = arith.addi %mul3A_123, %add3A_155 : i32
      %lt3A_157 = arith.cmpi slt, %add3A_156, %select_n3A_67 : i32
      %convert_element_type3A_158 = arith.extui %lt3A_157 : i1 to i32
      %cond3A_159 = arith.constant 0 : i32
      %cond3A_160 = arith.cmpi ne, %convert_element_type3A_158, %cond3A_159 : i32
      scf.if %cond3A_160 {
        %add3A_181 = arith.constant 2 : i32
        %add3A_182 = arith.addi %mul3A_123, %add3A_181 : i32
        %dma_start3A_183 = arith.constant 0 : i32
        %dma_start3A_184 = arith.constant 0 : i32
        %dma_start3A_185 = arith.constant 0 : i32
        %dma_start3A_186 = tpu.memref_slice %arg10[%dma_start3A_183, %dma_start3A_184, %dma_start3A_185] : memref<2x128x128xf32, #tpu.memory_space<vmem>> -> memref<1x128x128xf32, #tpu.memory_space<vmem>>
        %dma_start3A_187 = tpu.memref_squeeze %dma_start3A_186 : memref<1x128x128xf32, #tpu.memory_space<vmem>> -> memref<128x128xf32, #tpu.memory_space<vmem>>
        %dma_start3A_188 = arith.constant 0 : i32
        %dma_start3A_189 = tpu.memref_slice %arg8[%add3A_182, %dma_start3A_188] : memref<40x128xi32, #tpu.memory_space<vmem>> -> memref<1x128xi32, #tpu.memory_space<vmem>>
        %dma_start3A_190 = tpu.memref_squeeze %dma_start3A_189 : memref<1x128xi32, #tpu.memory_space<vmem>> -> memref<128xi32, #tpu.memory_space<vmem>>
        %dma_start3A_191 = arith.constant 0 : i32
        %dma_start3A_192 = arith.constant 0 : i32
        %dma_start3A_193 = tpu.memref_slice %arg2[%arg0, %dma_start3A_191, %dma_start3A_192] : memref<2x10000x128xf32, #tpu.memory_space<hbm>> -> memref<1x10000x128xf32, #tpu.memory_space<hbm>>
        %dma_start3A_194 = tpu.memref_squeeze %dma_start3A_193 : memref<1x10000x128xf32, #tpu.memory_space<hbm>> -> memref<10000x128xf32, #tpu.memory_space<hbm>>
        %dma_start3A_195 = arith.constant 0 : i32
        %dma_start3A_196 = arith.constant 0 : i32
        %dma_start3A_197 = tpu.memref_slice %dma_start3A_194[%dma_start3A_195, %dma_start3A_196] : memref<10000x128xf32, #tpu.memory_space<hbm>> -> memref<10000x128xf32, #tpu.memory_space<hbm>>
        tpu.enqueue_indirect_dma source(%dma_start3A_197 : memref<10000x128xf32, #tpu.memory_space<hbm>>) target(%dma_start3A_187 : memref<128x128xf32, #tpu.memory_space<vmem>>) offsets(%dma_start3A_190 : memref<128xi32, #tpu.memory_space<vmem>>) semaphore(%arg11 : memref<!tpu.dma_semaphore, #tpu.memory_space<semaphore_mem>>)
      } else {
      }
      %add3A_161 = arith.constant 1 : i32
      %add3A_162 = arith.addi %mul3A_123, %add3A_161 : i32
      %dma_wait3A_163 = arith.constant 1 : i32
      %dma_wait3A_164 = arith.constant 0 : i32
      %dma_wait3A_165 = arith.constant 0 : i32
      %dma_wait3A_166 = tpu.memref_slice %arg10[%dma_wait3A_163, %dma_wait3A_164, %dma_wait3A_165] : memref<2x128x128xf32, #tpu.memory_space<vmem>> -> memref<1x128x128xf32, #tpu.memory_space<vmem>>
      %dma_wait3A_167 = tpu.memref_squeeze %dma_wait3A_166 : memref<1x128x128xf32, #tpu.memory_space<vmem>> -> memref<128x128xf32, #tpu.memory_space<vmem>>
      %dma_wait3A_168 = arith.constant 0 : i32
      %dma_wait3A_169 = tpu.memref_slice %arg8[%add3A_162, %dma_wait3A_168] : memref<40x128xi32, #tpu.memory_space<vmem>> -> memref<1x128xi32, #tpu.memory_space<vmem>>
      %dma_wait3A_170 = tpu.memref_squeeze %dma_wait3A_169 : memref<1x128xi32, #tpu.memory_space<vmem>> -> memref<128xi32, #tpu.memory_space<vmem>>
      %dma_wait3A_171 = arith.constant 0 : i32
      %dma_wait3A_172 = arith.constant 0 : i32
      %dma_wait3A_173 = tpu.memref_slice %arg2[%arg0, %dma_wait3A_171, %dma_wait3A_172] : memref<2x10000x128xf32, #tpu.memory_space<hbm>> -> memref<1x10000x128xf32, #tpu.memory_space<hbm>>
      %dma_wait3A_174 = tpu.memref_squeeze %dma_wait3A_173 : memref<1x10000x128xf32, #tpu.memory_space<hbm>> -> memref<10000x128xf32, #tpu.memory_space<hbm>>
      %dma_wait3A_175 = arith.constant 0 : i32
      %dma_wait3A_176 = arith.constant 0 : i32
      %dma_wait3A_177 = tpu.memref_slice %dma_wait3A_174[%dma_wait3A_175, %dma_wait3A_176] : memref<10000x128xf32, #tpu.memory_space<hbm>> -> memref<10000x128xf32, #tpu.memory_space<hbm>>
      tpu.wait_indirect_dma semaphore(%arg12 : memref<!tpu.dma_semaphore, #tpu.memory_space<semaphore_mem>>) src(%dma_wait3A_177 : memref<10000x128xf32, #tpu.memory_space<hbm>>) dst(%dma_wait3A_167 : memref<128x128xf32, #tpu.memory_space<vmem>>)
      %add3A_178 = arith.constant 1 : i32
      %add3A_179 = arith.addi %mul3A_123, %add3A_178 : i32
      %run_scoped3A_180 = arith.constant 1 : i32
      "tpu.region"() ({
        %run_scoped3A_181 = tpu.sem_alloc : memref<!tpu.dma_semaphore, #tpu.memory_space<semaphore_mem>>
        %dma_start3A_182 = arith.constant 0 : i32
        %dma_start3A_183 = arith.constant 0 : i32
        %dma_start3A_184 = tpu.memref_slice %arg10[%run_scoped3A_180, %dma_start3A_182, %dma_start3A_183] : memref<2x128x128xf32, #tpu.memory_space<vmem>> -> memref<1x128x128xf32, #tpu.memory_space<vmem>>
        %dma_start3A_185 = tpu.memref_squeeze %dma_start3A_184 : memref<1x128x128xf32, #tpu.memory_space<vmem>> -> memref<128x128xf32, #tpu.memory_space<vmem>>
        %dma_start3A_186 = arith.constant 0 : i32
        %dma_start3A_187 = tpu.memref_slice %arg9[%add3A_179, %dma_start3A_186] : memref<40x128xi32, #tpu.memory_space<vmem>> -> memref<1x128xi32, #tpu.memory_space<vmem>>
        %dma_start3A_188 = tpu.memref_squeeze %dma_start3A_187 : memref<1x128xi32, #tpu.memory_space<vmem>> -> memref<128xi32, #tpu.memory_space<vmem>>
        %dma_start3A_189 = arith.constant 0 : i32
        %dma_start3A_190 = arith.constant 0 : i32
        %dma_start3A_191 = tpu.memref_slice %arg7[%dma_start3A_189, %dma_start3A_190] : memref<10000x128xf32, #tpu.memory_space<vmem_shared>> -> memref<10000x128xf32, #tpu.memory_space<vmem_shared>>
        tpu.enqueue_indirect_dma source(%dma_start3A_185 : memref<128x128xf32, #tpu.memory_space<vmem>>) target(%dma_start3A_191 : memref<10000x128xf32, #tpu.memory_space<vmem_shared>>) offsets(%dma_start3A_188 : memref<128xi32, #tpu.memory_space<vmem>>) semaphore(%run_scoped3A_181 : memref<!tpu.dma_semaphore, #tpu.memory_space<semaphore_mem>>) {add = true}
        %dma_wait3A_192 = arith.constant 0 : i32
        %dma_wait3A_193 = arith.constant 0 : i32
        %dma_wait3A_194 = tpu.memref_slice %arg10[%run_scoped3A_180, %dma_wait3A_192, %dma_wait3A_193] : memref<2x128x128xf32, #tpu.memory_space<vmem>> -> memref<1x128x128xf32, #tpu.memory_space<vmem>>
        %dma_wait3A_195 = tpu.memref_squeeze %dma_wait3A_194 : memref<1x128x128xf32, #tpu.memory_space<vmem>> -> memref<128x128xf32, #tpu.memory_space<vmem>>
        %dma_wait3A_196 = arith.constant 0 : i32
        %dma_wait3A_197 = tpu.memref_slice %arg9[%add3A_179, %dma_wait3A_196] : memref<40x128xi32, #tpu.memory_space<vmem>> -> memref<1x128xi32, #tpu.memory_space<vmem>>
        %dma_wait3A_198 = tpu.memref_squeeze %dma_wait3A_197 : memref<1x128xi32, #tpu.memory_space<vmem>> -> memref<128xi32, #tpu.memory_space<vmem>>
        %dma_wait3A_199 = arith.constant 0 : i32
        %dma_wait3A_200 = arith.constant 0 : i32
        %dma_wait3A_201 = tpu.memref_slice %arg7[%dma_wait3A_199, %dma_wait3A_200] : memref<10000x128xf32, #tpu.memory_space<vmem_shared>> -> memref<10000x128xf32, #tpu.memory_space<vmem_shared>>
        tpu.wait_indirect_dma semaphore(%run_scoped3A_181 : memref<!tpu.dma_semaphore, #tpu.memory_space<semaphore_mem>>) src(%dma_wait3A_195 : memref<128x128xf32, #tpu.memory_space<vmem>>) dst(%dma_wait3A_201 : memref<10000x128xf32, #tpu.memory_space<vmem_shared>>)
        tpu.yield
      }) : () -> ()
    }
    %barrier3A_110 = arith.constant 0 : index
    tpu.barrier barrier_id(%barrier3A_110)
    %lt3A_111 = arith.constant 15 : i32
    %lt3A_112 = arith.cmpi slt, %arg1, %lt3A_111 : i32
    %convert_element_type3A_113 = arith.extui %lt3A_112 : i1 to i32
    %cond3A_114 = arith.constant 0 : i32
    %cond3A_115 = arith.cmpi ne, %convert_element_type3A_113, %cond3A_114 : i32
    scf.if %cond3A_115 {
      "tpu.region"() ({
        %run_scoped3A = tpu.sem_alloc : memref<!tpu.dma_semaphore, #tpu.memory_space<semaphore_mem>>
        %dma_start3A_121 = arith.constant 0 : i32
        %dma_start3A_122 = arith.constant 0 : i32
        %dma_start3A_123 = tpu.memref_slice %arg6[%arg0, %dma_start3A_121, %dma_start3A_122] : memref<2x10000x128xf32, #tpu.memory_space<hbm>> -> memref<1x10000x128xf32, #tpu.memory_space<hbm>>
        %dma_start3A_124 = tpu.memref_squeeze %dma_start3A_123 : memref<1x10000x128xf32, #tpu.memory_space<hbm>> -> memref<10000x128xf32, #tpu.memory_space<hbm>>
        %dma_start3A_125 = arith.constant 0 : i32
        %dma_start3A_126 = tpu.memref_slice %dma_start3A_124[%multiple_of3A, %dma_start3A_125] : memref<10000x128xf32, #tpu.memory_space<hbm>> -> memref<632x128xf32, #tpu.memory_space<hbm>>
        %dma_start3A_127 = arith.constant 0 : i32
        %dma_start3A_128 = tpu.memref_slice %arg7[%multiple_of3A, %dma_start3A_127] : memref<10000x128xf32, #tpu.memory_space<vmem_shared>> -> memref<632x128xf32, #tpu.memory_space<vmem_shared>>
        tpu.enqueue_dma source(%dma_start3A_128 : memref<632x128xf32, #tpu.memory_space<vmem_shared>>) target(%dma_start3A_126 : memref<632x128xf32, #tpu.memory_space<hbm>>) target_semaphore(%run_scoped3A : memref<!tpu.dma_semaphore, #tpu.memory_space<semaphore_mem>>)
        %dma_wait3A_129 = arith.constant 0 : i32
        %dma_wait3A_130 = arith.constant 0 : i32
        %dma_wait3A_131 = tpu.memref_slice %arg6[%arg0, %dma_wait3A_129, %dma_wait3A_130] : memref<2x10000x128xf32, #tpu.memory_space<hbm>> -> memref<1x10000x128xf32, #tpu.memory_space<hbm>>
        %dma_wait3A_132 = tpu.memref_squeeze %dma_wait3A_131 : memref<1x10000x128xf32, #tpu.memory_space<hbm>> -> memref<10000x128xf32, #tpu.memory_space<hbm>>
        %dma_wait3A_133 = arith.constant 0 : i32
        %dma_wait3A_134 = tpu.memref_slice %dma_wait3A_132[%multiple_of3A, %dma_wait3A_133] : memref<10000x128xf32, #tpu.memory_space<hbm>> -> memref<632x128xf32, #tpu.memory_space<hbm>>
        %dma_wait3A_135 = arith.constant 0 : i32
        %dma_wait3A_136 = tpu.memref_slice %arg7[%multiple_of3A, %dma_wait3A_135] : memref<10000x128xf32, #tpu.memory_space<vmem_shared>> -> memref<632x128xf32, #tpu.memory_space<vmem_shared>>
        tpu.wait_dma2 semaphore(%run_scoped3A : memref<!tpu.dma_semaphore, #tpu.memory_space<semaphore_mem>>) src(%dma_wait3A_136 : memref<632x128xf32, #tpu.memory_space<vmem_shared>>) dst(%dma_wait3A_134 : memref<632x128xf32, #tpu.memory_space<hbm>>)
        tpu.yield
      }) : () -> ()
    } else {
    }
    %eq3A_116 = arith.constant 15 : i32
    %eq3A_117 = arith.cmpi eq, %arg1, %eq3A_116 : i32
    %convert_element_type3A_118 = arith.extui %eq3A_117 : i1 to i32
    %cond3A_119 = arith.constant 0 : i32
    %cond3A_120 = arith.cmpi ne, %convert_element_type3A_118, %cond3A_119 : i32
    scf.if %cond3A_120 {
      "tpu.region"() ({
        %run_scoped3A = tpu.sem_alloc : memref<!tpu.dma_semaphore, #tpu.memory_space<semaphore_mem>>
        %dma_start3A_121 = arith.constant 0 : i32
        %dma_start3A_122 = arith.constant 0 : i32
        %dma_start3A_123 = tpu.memref_slice %arg6[%arg0, %dma_start3A_121, %dma_start3A_122] : memref<2x10000x128xf32, #tpu.memory_space<hbm>> -> memref<1x10000x128xf32, #tpu.memory_space<hbm>>
        %dma_start3A_124 = tpu.memref_squeeze %dma_start3A_123 : memref<1x10000x128xf32, #tpu.memory_space<hbm>> -> memref<10000x128xf32, #tpu.memory_space<hbm>>
        %dma_start3A_125 = arith.constant 9480 : i32
        %dma_start3A_126 = arith.constant 0 : i32
        %dma_start3A_127 = tpu.memref_slice %dma_start3A_124[%dma_start3A_125, %dma_start3A_126] : memref<10000x128xf32, #tpu.memory_space<hbm>> -> memref<520x128xf32, #tpu.memory_space<hbm>>
        %dma_start3A_128 = arith.constant 9480 : i32
        %dma_start3A_129 = arith.constant 0 : i32
        %dma_start3A_130 = tpu.memref_slice %arg7[%dma_start3A_128, %dma_start3A_129] : memref<10000x128xf32, #tpu.memory_space<vmem_shared>> -> memref<520x128xf32, #tpu.memory_space<vmem_shared>>
        tpu.enqueue_dma source(%dma_start3A_130 : memref<520x128xf32, #tpu.memory_space<vmem_shared>>) target(%dma_start3A_127 : memref<520x128xf32, #tpu.memory_space<hbm>>) target_semaphore(%run_scoped3A : memref<!tpu.dma_semaphore, #tpu.memory_space<semaphore_mem>>)
        %dma_wait3A_131 = arith.constant 0 : i32
        %dma_wait3A_132 = arith.constant 0 : i32
        %dma_wait3A_133 = tpu.memref_slice %arg6[%arg0, %dma_wait3A_131, %dma_wait3A_132] : memref<2x10000x128xf32, #tpu.memory_space<hbm>> -> memref<1x10000x128xf32, #tpu.memory_space<hbm>>
        %dma_wait3A_134 = tpu.memref_squeeze %dma_wait3A_133 : memref<1x10000x128xf32, #tpu.memory_space<hbm>> -> memref<10000x128xf32, #tpu.memory_space<hbm>>
        %dma_wait3A_135 = arith.constant 9480 : i32
        %dma_wait3A_136 = arith.constant 0 : i32
        %dma_wait3A_137 = tpu.memref_slice %dma_wait3A_134[%dma_wait3A_135, %dma_wait3A_136] : memref<10000x128xf32, #tpu.memory_space<hbm>> -> memref<520x128xf32, #tpu.memory_space<hbm>>
        %dma_wait3A_138 = arith.constant 9480 : i32
        %dma_wait3A_139 = arith.constant 0 : i32
        %dma_wait3A_140 = tpu.memref_slice %arg7[%dma_wait3A_138, %dma_wait3A_139] : memref<10000x128xf32, #tpu.memory_space<vmem_shared>> -> memref<520x128xf32, #tpu.memory_space<vmem_shared>>
        tpu.wait_dma2 semaphore(%run_scoped3A : memref<!tpu.dma_semaphore, #tpu.memory_space<semaphore_mem>>) src(%dma_wait3A_140 : memref<520x128xf32, #tpu.memory_space<vmem_shared>>) dst(%dma_wait3A_137 : memref<520x128xf32, #tpu.memory_space<hbm>>)
        tpu.yield
      }) : () -> ()
    } else {
    }
    return
  }
}

module attributes {stable_mosaic.version = 14 : i64} {
  func.func @_mm1_body(%arg0: i32, %arg1: memref<2x400x1xf32, #tpu.memory_space<vmem>>, %arg2: memref<400x256xf32, #tpu.memory_space<vmem>>, %arg3: memref<256x256xf32, #tpu.memory_space<vmem>>, %arg4: memref<2x400x128xf32, #tpu.memory_space<vmem>>) attributes {dimension_semantics = [#tpu.dimension_semantics<arbitrary>], iteration_bounds = array<i64: 25>, scalar_prefetch = 0 : i64, scratch_operands = 0 : i64, tpu.core_type = #tpu.core_type<tc>, window_params = [{transform_indices = @transform_0, window_bounds = array<i64: 2, 400, 1>}, {transform_indices = @transform_1, window_bounds = array<i64: 400, 256>}, {pipeline_mode = #tpu.pipeline_mode<synchronous>, transform_indices = @transform_2, window_bounds = array<i64: 256, 256>}, {transform_indices = @transform_3, window_bounds = array<i64: 2, 400, 128>}]} {
    %get3A = arith.constant 0 : index
    %get3A_0 = arith.constant 0 : index
    %get3A_1 = vector.load %arg2[%get3A, %get3A_0] : memref<400x256xf32, #tpu.memory_space<vmem>>, vector<400x256xf32>
    %get3A_2 = arith.constant 0 : index
    %get3A_3 = arith.constant 0 : index
    %get3A_4 = vector.load %arg3[%get3A_2, %get3A_3] : memref<256x256xf32, #tpu.memory_space<vmem>>, vector<256x256xf32>
    %dot_general3A = arith.constant dense<0.000000e+00> : vector<400x256xf32>
    %dot_general3A_5 = tpu.matmul %get3A_1, %get3A_4, %dot_general3A {dimension_numbers = #tpu.dot_dimension_numbers<[1], [0], [0], [1], [0, 0, 1, 1], [], []>, transpose_lhs_hint = false} : vector<400x256xf32>, vector<256x256xf32>, vector<400x256xf32> -> vector<400x256xf32>
    %get3A_6 = arith.constant 0 : index
    %get3A_7 = arith.constant 0 : index
    %get3A_8 = arith.constant 0 : index
    %get3A_9 = vector.load %arg1[%get3A_6, %get3A_7, %get3A_8] : memref<2x400x1xf32, #tpu.memory_space<vmem>>, vector<2x400x1xf32>
    %slice3A = vector.extract_strided_slice %get3A_9 {offsets = [0, 0, 0], sizes = [1, 400, 1], strides = [1, 1, 1]} : vector<2x400x1xf32> to vector<1x400x1xf32>
    %squeeze3A = vector.shape_cast %slice3A : vector<1x400x1xf32> to vector<400xf32>
    %slice3A_10 = vector.extract_strided_slice %get3A_9 {offsets = [1, 0, 0], sizes = [1, 400, 1], strides = [1, 1, 1]} : vector<2x400x1xf32> to vector<1x400x1xf32>
    %squeeze3A_11 = vector.shape_cast %slice3A_10 : vector<1x400x1xf32> to vector<400xf32>
    %add3A = arith.addf %squeeze3A, %squeeze3A_11 : vector<400xf32>
    %add3A_12 = arith.constant 1.000000e+00 : f32
    %add3A_13 = vector.broadcast %add3A_12 : f32 to vector<400xf32>
    %add3A_14 = arith.addf %add3A, %add3A_13 : vector<400xf32>
    %rsqrt3A = math.rsqrt %add3A_14 : vector<400xf32>
    %broadcast_in_dim3A = vector.shape_cast %rsqrt3A : vector<400xf32> to vector<400x1xf32>
    %mul3A = vector.broadcast %broadcast_in_dim3A : vector<400x1xf32> to vector<400x256xf32>
    %mul3A_15 = arith.mulf %dot_general3A_5, %mul3A : vector<400x256xf32>
    %slice3A_16 = vector.extract_strided_slice %mul3A_15 {offsets = [0, 0], sizes = [400, 128], strides = [1, 1]} : vector<400x256xf32> to vector<400x128xf32>
    %swap3A = arith.constant 0 : index
    %swap3A_17 = arith.constant 0 : index
    %swap3A_18 = arith.constant 0 : index
    %swap3A_19 = vector.load %arg4[%swap3A, %swap3A_17, %swap3A_18] : memref<2x400x128xf32, #tpu.memory_space<vmem>>, vector<1x400x128xf32>
    %swap3A_20 = vector.shape_cast %swap3A_19 : vector<1x400x128xf32> to vector<400x128xf32>
    %swap3A_21 = vector.shape_cast %slice3A_16 : vector<400x128xf32> to vector<1x400x128xf32>
    tpu.vector_store %arg4[%swap3A, %swap3A_17, %swap3A_18], %swap3A_21 {strides = array<i32>} : memref<2x400x128xf32, #tpu.memory_space<vmem>>, vector<1x400x128xf32>,
    %slice3A_22 = vector.extract_strided_slice %mul3A_15 {offsets = [0, 128], sizes = [400, 128], strides = [1, 1]} : vector<400x256xf32> to vector<400x128xf32>
    %swap3A_23 = arith.constant 1 : index
    %swap3A_24 = arith.constant 0 : index
    %swap3A_25 = arith.constant 0 : index
    %swap3A_26 = vector.load %arg4[%swap3A_23, %swap3A_24, %swap3A_25] : memref<2x400x128xf32, #tpu.memory_space<vmem>>, vector<1x400x128xf32>
    %swap3A_27 = vector.shape_cast %swap3A_26 : vector<1x400x128xf32> to vector<400x128xf32>
    %swap3A_28 = vector.shape_cast %slice3A_22 : vector<400x128xf32> to vector<1x400x128xf32>
    tpu.vector_store %arg4[%swap3A_23, %swap3A_24, %swap3A_25], %swap3A_28 {strides = array<i32>} : memref<2x400x128xf32, #tpu.memory_space<vmem>>, vector<1x400x128xf32>,
    return
  }
  func.func @transform_0(%arg0: i32) -> (i32, i32, i32) {
    %c0_i32 = arith.constant 0 : i32
    %c0_i32_0 = arith.constant 0 : i32
    %c0_i32_1 = arith.constant 0 : i32
    return %c0_i32, %arg0, %c0_i32_0 : i32, i32, i32
  }
  func.func @transform_1(%arg0: i32) -> (i32, i32) {
    %c0_i32 = arith.constant 0 : i32
    %c0_i32_0 = arith.constant 0 : i32
    return %arg0, %c0_i32 : i32, i32
  }
  func.func @transform_2(%arg0: i32) -> (i32, i32) {
    %c0_i32 = arith.constant 0 : i32
    %c0_i32_0 = arith.constant 0 : i32
    %c0_i32_1 = arith.constant 0 : i32
    return %c0_i32, %c0_i32_0 : i32, i32
  }
  func.func @transform_3(%arg0: i32) -> (i32, i32, i32) {
    %c0_i32 = arith.constant 0 : i32
    %c0_i32_0 = arith.constant 0 : i32
    %c0_i32_1 = arith.constant 0 : i32
    return %c0_i32, %arg0, %c0_i32_0 : i32, i32, i32
  }
}

module attributes {stable_mosaic.version = 14 : i64} {
  func.func @_fin_body(%arg0: i32, %arg1: memref<2x400x1xf32, #tpu.memory_space<vmem>>, %arg2: memref<2x400x128xf32, #tpu.memory_space<vmem>>, %arg3: memref<2x400x128xf32, #tpu.memory_space<vmem>>, %arg4: memref<1x256xf32, #tpu.memory_space<vmem>>, %arg5: memref<400x256xf32, #tpu.memory_space<vmem>>) attributes {dimension_semantics = [#tpu.dimension_semantics<arbitrary>], iteration_bounds = array<i64: 25>, scalar_prefetch = 0 : i64, scratch_operands = 0 : i64, tpu.core_type = #tpu.core_type<tc>, window_params = [{transform_indices = @transform_0, window_bounds = array<i64: 2, 400, 1>}, {transform_indices = @transform_1, window_bounds = array<i64: 2, 400, 128>}, {transform_indices = @transform_2, window_bounds = array<i64: 2, 400, 128>}, {pipeline_mode = #tpu.pipeline_mode<synchronous>, transform_indices = @transform_3, window_bounds = array<i64: 1, 256>}, {transform_indices = @transform_4, window_bounds = array<i64: 400, 256>}]} {
    %get3A = arith.constant 0 : index
    %get3A_0 = arith.constant 0 : index
    %get3A_1 = arith.constant 0 : index
    %get3A_2 = vector.load %arg1[%get3A, %get3A_0, %get3A_1] : memref<2x400x1xf32, #tpu.memory_space<vmem>>, vector<2x400x1xf32>
    %slice3A = vector.extract_strided_slice %get3A_2 {offsets = [0, 0, 0], sizes = [1, 400, 1], strides = [1, 1, 1]} : vector<2x400x1xf32> to vector<1x400x1xf32>
    %squeeze3A = vector.shape_cast %slice3A : vector<1x400x1xf32> to vector<400xf32>
    %slice3A_3 = vector.extract_strided_slice %get3A_2 {offsets = [1, 0, 0], sizes = [1, 400, 1], strides = [1, 1, 1]} : vector<2x400x1xf32> to vector<1x400x1xf32>
    %squeeze3A_4 = vector.shape_cast %slice3A_3 : vector<1x400x1xf32> to vector<400xf32>
    %add3A = arith.addf %squeeze3A, %squeeze3A_4 : vector<400xf32>
    %add3A_5 = arith.constant 1.000000e+00 : f32
    %add3A_6 = vector.broadcast %add3A_5 : f32 to vector<400xf32>
    %add3A_7 = arith.addf %add3A, %add3A_6 : vector<400xf32>
    %rsqrt3A = math.rsqrt %add3A_7 : vector<400xf32>
    %get3A_8 = arith.constant 0 : index
    %get3A_9 = arith.constant 0 : index
    %get3A_10 = arith.constant 0 : index
    %get3A_11 = vector.load %arg2[%get3A_8, %get3A_9, %get3A_10] : memref<2x400x128xf32, #tpu.memory_space<vmem>>, vector<1x400x128xf32>
    %get3A_12 = vector.shape_cast %get3A_11 : vector<1x400x128xf32> to vector<400x128xf32>
    %get3A_13 = arith.constant 0 : index
    %get3A_14 = arith.constant 0 : index
    %get3A_15 = arith.constant 0 : index
    %get3A_16 = vector.load %arg3[%get3A_13, %get3A_14, %get3A_15] : memref<2x400x128xf32, #tpu.memory_space<vmem>>, vector<1x400x128xf32>
    %get3A_17 = vector.shape_cast %get3A_16 : vector<1x400x128xf32> to vector<400x128xf32>
    %add3A_18 = arith.addf %get3A_12, %get3A_17 : vector<400x128xf32>
    %get3A_19 = arith.constant 1 : index
    %get3A_20 = arith.constant 0 : index
    %get3A_21 = arith.constant 0 : index
    %get3A_22 = vector.load %arg2[%get3A_19, %get3A_20, %get3A_21] : memref<2x400x128xf32, #tpu.memory_space<vmem>>, vector<1x400x128xf32>
    %get3A_23 = vector.shape_cast %get3A_22 : vector<1x400x128xf32> to vector<400x128xf32>
    %get3A_24 = arith.constant 1 : index
    %get3A_25 = arith.constant 0 : index
    %get3A_26 = arith.constant 0 : index
    %get3A_27 = vector.load %arg3[%get3A_24, %get3A_25, %get3A_26] : memref<2x400x128xf32, #tpu.memory_space<vmem>>, vector<1x400x128xf32>
    %get3A_28 = vector.shape_cast %get3A_27 : vector<1x400x128xf32> to vector<400x128xf32>
    %add3A_29 = arith.addf %get3A_23, %get3A_28 : vector<400x128xf32>
    %concatenate3A = tpu.concatenate %add3A_18, %add3A_29 in 1 : vector<400x128xf32>, vector<400x128xf32> -> vector<400x256xf32>
    %broadcast_in_dim3A = vector.shape_cast %rsqrt3A : vector<400xf32> to vector<400x1xf32>
    %mul3A = vector.broadcast %broadcast_in_dim3A : vector<400x1xf32> to vector<400x256xf32>
    %mul3A_30 = arith.mulf %concatenate3A, %mul3A : vector<400x256xf32>
    %get3A_31 = arith.constant 0 : index
    %get3A_32 = arith.constant 0 : index
    %get3A_33 = vector.load %arg4[%get3A_31, %get3A_32] : memref<1x256xf32, #tpu.memory_space<vmem>>, vector<1x256xf32>
    %add3A_34 = vector.broadcast %get3A_33 : vector<1x256xf32> to vector<400x256xf32>
    %add3A_35 = arith.addf %mul3A_30, %add3A_34 : vector<400x256xf32>
    %swap3A = arith.constant 0 : index
    %swap3A_36 = arith.constant 0 : index
    %swap3A_37 = vector.load %arg5[%swap3A, %swap3A_36] : memref<400x256xf32, #tpu.memory_space<vmem>>, vector<400x256xf32>
    tpu.vector_store %arg5[%swap3A, %swap3A_36], %add3A_35 {strides = array<i32>} : memref<400x256xf32, #tpu.memory_space<vmem>>, vector<400x256xf32>,
    return
  }
  func.func @transform_0(%arg0: i32) -> (i32, i32, i32) {
    %c0_i32 = arith.constant 0 : i32
    %c0_i32_0 = arith.constant 0 : i32
    %c0_i32_1 = arith.constant 0 : i32
    return %c0_i32, %arg0, %c0_i32_0 : i32, i32, i32
  }
  func.func @transform_1(%arg0: i32) -> (i32, i32, i32) {
    %c0_i32 = arith.constant 0 : i32
    %c0_i32_0 = arith.constant 0 : i32
    %c0_i32_1 = arith.constant 0 : i32
    return %c0_i32, %arg0, %c0_i32_0 : i32, i32, i32
  }
  func.func @transform_2(%arg0: i32) -> (i32, i32, i32) {
    %c0_i32 = arith.constant 0 : i32
    %c0_i32_0 = arith.constant 0 : i32
    %c0_i32_1 = arith.constant 0 : i32
    return %c0_i32, %arg0, %c0_i32_0 : i32, i32, i32
  }
  func.func @transform_3(%arg0: i32) -> (i32, i32) {
    %c0_i32 = arith.constant 0 : i32
    %c0_i32_0 = arith.constant 0 : i32
    %c0_i32_1 = arith.constant 0 : i32
    return %c0_i32, %c0_i32_0 : i32, i32
  }
  func.func @transform_4(%arg0: i32) -> (i32, i32) {
    %c0_i32 = arith.constant 0 : i32
    %c0_i32_0 = arith.constant 0 : i32
    return %arg0, %c0_i32 : i32, i32
  }
}

module attributes {stable_mosaic.version = 14 : i64} {
  func.func @_mid_body(%arg0: i32, %arg1: memref<2x400x1xf32, #tpu.memory_space<vmem>>, %arg2: memref<2x400x128xf32, #tpu.memory_space<vmem>>, %arg3: memref<2x400x128xf32, #tpu.memory_space<vmem>>, %arg4: memref<1x256xf32, #tpu.memory_space<vmem>>, %arg5: memref<256x256xf32, #tpu.memory_space<vmem>>, %arg6: memref<2x400x128xf32, #tpu.memory_space<vmem>>) attributes {dimension_semantics = [#tpu.dimension_semantics<arbitrary>], iteration_bounds = array<i64: 25>, scalar_prefetch = 0 : i64, scratch_operands = 0 : i64, tpu.core_type = #tpu.core_type<tc>, window_params = [{transform_indices = @transform_0, window_bounds = array<i64: 2, 400, 1>}, {transform_indices = @transform_1, window_bounds = array<i64: 2, 400, 128>}, {transform_indices = @transform_2, window_bounds = array<i64: 2, 400, 128>}, {pipeline_mode = #tpu.pipeline_mode<synchronous>, transform_indices = @transform_3, window_bounds = array<i64: 1, 256>}, {pipeline_mode = #tpu.pipeline_mode<synchronous>, transform_indices = @transform_4, window_bounds = array<i64: 256, 256>}, {transform_indices = @transform_5, window_bounds = array<i64: 2, 400, 128>}]} {
    %get3A = arith.constant 0 : index
    %get3A_0 = arith.constant 0 : index
    %get3A_1 = arith.constant 0 : index
    %get3A_2 = vector.load %arg1[%get3A, %get3A_0, %get3A_1] : memref<2x400x1xf32, #tpu.memory_space<vmem>>, vector<2x400x1xf32>
    %slice3A = vector.extract_strided_slice %get3A_2 {offsets = [0, 0, 0], sizes = [1, 400, 1], strides = [1, 1, 1]} : vector<2x400x1xf32> to vector<1x400x1xf32>
    %squeeze3A = vector.shape_cast %slice3A : vector<1x400x1xf32> to vector<400xf32>
    %slice3A_3 = vector.extract_strided_slice %get3A_2 {offsets = [1, 0, 0], sizes = [1, 400, 1], strides = [1, 1, 1]} : vector<2x400x1xf32> to vector<1x400x1xf32>
    %squeeze3A_4 = vector.shape_cast %slice3A_3 : vector<1x400x1xf32> to vector<400xf32>
    %add3A = arith.addf %squeeze3A, %squeeze3A_4 : vector<400xf32>
    %add3A_5 = arith.constant 1.000000e+00 : f32
    %add3A_6 = vector.broadcast %add3A_5 : f32 to vector<400xf32>
    %add3A_7 = arith.addf %add3A, %add3A_6 : vector<400xf32>
    %rsqrt3A = math.rsqrt %add3A_7 : vector<400xf32>
    %get3A_8 = arith.constant 0 : index
    %get3A_9 = arith.constant 0 : index
    %get3A_10 = arith.constant 0 : index
    %get3A_11 = vector.load %arg2[%get3A_8, %get3A_9, %get3A_10] : memref<2x400x128xf32, #tpu.memory_space<vmem>>, vector<1x400x128xf32>
    %get3A_12 = vector.shape_cast %get3A_11 : vector<1x400x128xf32> to vector<400x128xf32>
    %get3A_13 = arith.constant 0 : index
    %get3A_14 = arith.constant 0 : index
    %get3A_15 = arith.constant 0 : index
    %get3A_16 = vector.load %arg3[%get3A_13, %get3A_14, %get3A_15] : memref<2x400x128xf32, #tpu.memory_space<vmem>>, vector<1x400x128xf32>
    %get3A_17 = vector.shape_cast %get3A_16 : vector<1x400x128xf32> to vector<400x128xf32>
    %add3A_18 = arith.addf %get3A_12, %get3A_17 : vector<400x128xf32>
    %get3A_19 = arith.constant 1 : index
    %get3A_20 = arith.constant 0 : index
    %get3A_21 = arith.constant 0 : index
    %get3A_22 = vector.load %arg2[%get3A_19, %get3A_20, %get3A_21] : memref<2x400x128xf32, #tpu.memory_space<vmem>>, vector<1x400x128xf32>
    %get3A_23 = vector.shape_cast %get3A_22 : vector<1x400x128xf32> to vector<400x128xf32>
    %get3A_24 = arith.constant 1 : index
    %get3A_25 = arith.constant 0 : index
    %get3A_26 = arith.constant 0 : index
    %get3A_27 = vector.load %arg3[%get3A_24, %get3A_25, %get3A_26] : memref<2x400x128xf32, #tpu.memory_space<vmem>>, vector<1x400x128xf32>
    %get3A_28 = vector.shape_cast %get3A_27 : vector<1x400x128xf32> to vector<400x128xf32>
    %add3A_29 = arith.addf %get3A_23, %get3A_28 : vector<400x128xf32>
    %concatenate3A = tpu.concatenate %add3A_18, %add3A_29 in 1 : vector<400x128xf32>, vector<400x128xf32> -> vector<400x256xf32>
    %broadcast_in_dim3A = vector.shape_cast %rsqrt3A : vector<400xf32> to vector<400x1xf32>
    %mul3A = vector.broadcast %broadcast_in_dim3A : vector<400x1xf32> to vector<400x256xf32>
    %mul3A_30 = arith.mulf %concatenate3A, %mul3A : vector<400x256xf32>
    %get3A_31 = arith.constant 0 : index
    %get3A_32 = arith.constant 0 : index
    %get3A_33 = vector.load %arg4[%get3A_31, %get3A_32] : memref<1x256xf32, #tpu.memory_space<vmem>>, vector<1x256xf32>
    %add3A_34 = vector.broadcast %get3A_33 : vector<1x256xf32> to vector<400x256xf32>
    %add3A_35 = arith.addf %mul3A_30, %add3A_34 : vector<400x256xf32>
    %max3A = arith.constant 0.000000e+00 : f32
    %max3A_36 = vector.broadcast %max3A : f32 to vector<400x256xf32>
    %max3A_37 = arith.maximumf %add3A_35, %max3A_36 : vector<400x256xf32>
    %get3A_38 = arith.constant 0 : index
    %get3A_39 = arith.constant 0 : index
    %get3A_40 = vector.load %arg5[%get3A_38, %get3A_39] : memref<256x256xf32, #tpu.memory_space<vmem>>, vector<256x256xf32>
    %dot_general3A = arith.constant dense<0.000000e+00> : vector<400x256xf32>
    %dot_general3A_41 = tpu.matmul %max3A_37, %get3A_40, %dot_general3A {dimension_numbers = #tpu.dot_dimension_numbers<[1], [0], [0], [1], [0, 0, 1, 1], [], []>, transpose_lhs_hint = false} : vector<400x256xf32>, vector<256x256xf32>, vector<400x256xf32> -> vector<400x256xf32>
    %broadcast_in_dim3A_42 = vector.shape_cast %rsqrt3A : vector<400xf32> to vector<400x1xf32>
    %mul3A_43 = vector.broadcast %broadcast_in_dim3A_42 : vector<400x1xf32> to vector<400x256xf32>
    %mul3A_44 = arith.mulf %dot_general3A_41, %mul3A_43 : vector<400x256xf32>
    %slice3A_45 = vector.extract_strided_slice %mul3A_44 {offsets = [0, 0], sizes = [400, 128], strides = [1, 1]} : vector<400x256xf32> to vector<400x128xf32>
    %swap3A = arith.constant 0 : index
    %swap3A_46 = arith.constant 0 : index
    %swap3A_47 = arith.constant 0 : index
    %swap3A_48 = vector.load %arg6[%swap3A, %swap3A_46, %swap3A_47] : memref<2x400x128xf32, #tpu.memory_space<vmem>>, vector<1x400x128xf32>
    %swap3A_49 = vector.shape_cast %swap3A_48 : vector<1x400x128xf32> to vector<400x128xf32>
    %swap3A_50 = vector.shape_cast %slice3A_45 : vector<400x128xf32> to vector<1x400x128xf32>
    tpu.vector_store %arg6[%swap3A, %swap3A_46, %swap3A_47], %swap3A_50 {strides = array<i32>} : memref<2x400x128xf32, #tpu.memory_space<vmem>>, vector<1x400x128xf32>,
    %slice3A_51 = vector.extract_strided_slice %mul3A_44 {offsets = [0, 128], sizes = [400, 128], strides = [1, 1]} : vector<400x256xf32> to vector<400x128xf32>
    %swap3A_52 = arith.constant 1 : index
    %swap3A_53 = arith.constant 0 : index
    %swap3A_54 = arith.constant 0 : index
    %swap3A_55 = vector.load %arg6[%swap3A_52, %swap3A_53, %swap3A_54] : memref<2x400x128xf32, #tpu.memory_space<vmem>>, vector<1x400x128xf32>
    %swap3A_56 = vector.shape_cast %swap3A_55 : vector<1x400x128xf32> to vector<400x128xf32>
    %swap3A_57 = vector.shape_cast %slice3A_51 : vector<400x128xf32> to vector<1x400x128xf32>
    tpu.vector_store %arg6[%swap3A_52, %swap3A_53, %swap3A_54], %swap3A_57 {strides = array<i32>} : memref<2x400x128xf32, #tpu.memory_space<vmem>>, vector<1x400x128xf32>,
    return
  }
  func.func @transform_0(%arg0: i32) -> (i32, i32, i32) {
    %c0_i32 = arith.constant 0 : i32
    %c0_i32_0 = arith.constant 0 : i32
    %c0_i32_1 = arith.constant 0 : i32
    return %c0_i32, %arg0, %c0_i32_0 : i32, i32, i32
  }
  func.func @transform_1(%arg0: i32) -> (i32, i32, i32) {
    %c0_i32 = arith.constant 0 : i32
    %c0_i32_0 = arith.constant 0 : i32
    %c0_i32_1 = arith.constant 0 : i32
    return %c0_i32, %arg0, %c0_i32_0 : i32, i32, i32
  }
  func.func @transform_2(%arg0: i32) -> (i32, i32, i32) {
    %c0_i32 = arith.constant 0 : i32
    %c0_i32_0 = arith.constant 0 : i32
    %c0_i32_1 = arith.constant 0 : i32
    return %c0_i32, %arg0, %c0_i32_0 : i32, i32, i32
  }
  func.func @transform_3(%arg0: i32) -> (i32, i32) {
    %c0_i32 = arith.constant 0 : i32
    %c0_i32_0 = arith.constant 0 : i32
    %c0_i32_1 = arith.constant 0 : i32
    return %c0_i32, %c0_i32_0 : i32, i32
  }
  func.func @transform_4(%arg0: i32) -> (i32, i32) {
    %c0_i32 = arith.constant 0 : i32
    %c0_i32_0 = arith.constant 0 : i32
    %c0_i32_1 = arith.constant 0 : i32
    return %c0_i32, %c0_i32_0 : i32, i32
  }
  func.func @transform_5(%arg0: i32) -> (i32, i32, i32) {
    %c0_i32 = arith.constant 0 : i32
    %c0_i32_0 = arith.constant 0 : i32
    %c0_i32_1 = arith.constant 0 : i32
    return %c0_i32, %arg0, %c0_i32_0 : i32, i32, i32
  }
}

</mosaic_0001>

<sc_bundles>
// kernel: kernel.11.cloned.1.call-start
scs
__scs_entry_jumppad:
0x0: {  	(pc) =	sbr.rel $0x88, $3  }
0x1: {  	(tag) =	ssettag $0x0;
	lr =	simm.s32 $0x1  }
0x2: {  	[smem:$0x3F9B] =	sst lr;
	_ =	strace $0xD0000000  }
0x3: {  	_ = 	snop  }
0x4: {  	_ = 	snop  }
0x5: {  	_ = 	snop  }
0x6: {  	_ = 	snop  }
0x7: {  	_ = 	snop  }
__scs_overlays_trampoline_lowered:
0x8: {  	[smem:$0x3FAA] =	sst s0  }
0x9: {  	[smem:$0x3FAB] =	sst s1  }
0xa: {  	[smem:$0x3FAC] =	sst s2  }
0xb: {  	[smem:$0x3FAD] =	sst s3  }
0xc: {  	[smem:$0x3FAE] =	sst s4  }
0xd: {  	[smem:$0x3FAF] =	sst s5  }
0xe: {  	[smem:$0x3FB0] =	sst s6  }
0xf: {  	[smem:$0x3FB1] =	sst s7  }
0x10: {  	[smem:$0x3FB2] =	sst s8  }
0x11: {  	[smem:$0x3FB3] =	sst s9;
	s0 =	simm.s32 @!p0 $0x0  }
0x12: {  	s1 =	sld [smem:$0x3F99];
	s0 =	simm.s32 @p0 $0x1  }
0x13: {  	[smem:$0x3FB4] =	sst s0;
	s0 =	simm.s32 @!p1 $0x0  }
0x14: {  	s2 =	sld [smem:$0x3F98];
	s0 =	simm.s32 @p1 $0x1  }
0x15: {  	[smem:$0x3FB5] =	sst s0;
	s0 =	simm.s32 @!p2 $0x0  }
0x16: {  	s3 =	sld [smem:$0x3FDB];
	s0 =	simm.s32 @p2 $0x1  }
0x17: {  	s4 =	simm.s32 $0x1BF5;
	[smem:$0x3FB7] =	sst s0  }
0x18: {  	s0 =	sld [smem:$0x3F9A];
	_ =	swait.ge [sflag:s4], $0x0  }
0x19: {  	s7 =	sld [smem:$0x3F9B]  }
0x1a: {  	s8 =	sadd.s32 $0xFFFFE003, lr  }
0x1b: {  	s9 =	sadd.s32 $0xFFFFFEF7, lr;
	s5 =	simm.s32 $0xFFFFFFFF;
	p2 =	slt.u32 s8, $0xFFFFF086  }
0x1c: {  	p1 =	slt.u32 s9, $0xF7A;
	s5 =	simm.s32 @!p2 $0x0  }
0x1d: {  	s5 =	simm.s32 @p1 $0x1;
	p0 =	seq.s32 s7, s2  }
0x1e: {  	s7 =	smul.u32 @!p0 $0xF7A, s2;
	p2 =	seq.s32 @!p0 s5, $0x0  }
0x1f: {  	s9 =	smul.u32 $0xF7A, s1;
	s8 =	simm.s32 @!p0 $0x1BF5;
	p2 =	por !p2, p0  }
0x20: {  	[sflag:s8] =	ssyncset.s32 @!p0 $0xFFFFF086;
	s6 =	sadd.s32 @!p0 s3, s7;
	s7 =	simm.s32 @!p0 $0x108  }
0x21: {  	s3 =	sadd.s32 s3, s9;
	s6 =	sadd.s32 @!p0 $0x88, s6;
	s7 =	simm.s32 @p2 $0x1082  }
0x22: {  	[simem:s7], [sflag:s8] =	dma.local @!p0 [hbm:s6], $0xF7A  }
0x23: {  	s9 =	sor.u32 $0xD0000000, s2;
	s6 =	simm.s32 $0x108;
	_ =	swait.ge @!p0 [sflag:s8], $0x0  }
0x24: {  	s3 =	sadd.s32 $0x88, s3;
	s6 =	simm.s32 @!p1 $0x1082;
	[sflag:s4] =	ssyncset.s32 $0xFFFFF086  }
0x25: {  	[simem:s6], [sflag:s4] =	dma.local [hbm:s3], $0xF7A  }
0x26: {  	[smem:$0x3F9B] =	sst s1;
	(tag) =	ssettag s2;
	_ =	strace s9  }
0x27: {  	s1 =	sld [smem:$0x3FAB]  }
0x28: {  	s2 =	sld [smem:$0x3FAC]  }
0x29: {  	s4 =	sld [smem:$0x3FAE]  }
0x2a: {  	p0 =	seq.s32 s5, $0x0;
	s5 =	sld [smem:$0x3FAF]  }
0x2b: {  	s6 =	sld [smem:$0x3FB0]  }
0x2c: {  	s7 =	sld [smem:$0x3FB1]  }
0x2d: {  	s3 =	simm.s32 $0x108;
	s8 =	sld [smem:$0x3FB2]  }
0x2e: {  	s3 =	simm.s32 @!p0 $0x1082;
	s9 =	sld [smem:$0x3FB3]  }
0x2f: {  	lr =	sadd.s32 s0, s3;
	s0 =	sld [smem:$0x3FAA]  }
0x30: {  	s3 =	sld [smem:$0x3FAD]  }
0x31: {  	[smem:$0x3FB6] =	sst s10  }
0x32: {  	s10 =	sld [smem:$0x3FB4];
	_ =	sdelay $0x3  }
0x33: {  	p0 =	seq.s32 s10, $0x1;
	s10 =	sld [smem:$0x3FB6];
	_ =	sdelay $0x3  }
0x34: {  	[smem:$0x3FB6] =	sst s10  }
0x35: {  	s10 =	sld [smem:$0x3FB5];
	_ =	sdelay $0x3  }
0x36: {  	p1 =	seq.s32 s10, $0x1;
	s10 =	sld [smem:$0x3FB6];
	_ =	sdelay $0x3  }
0x37: {  	[smem:$0x3FB6] =	sst s10  }
0x38: {  	s10 =	sld [smem:$0x3FB7]  }
0x39: {  	_ = 	snop;
	(pc) =	sbr.ind lr, $3  }
0x3a: {  	_ = 	snop  }
0x3b: {  	_ = 	snop  }
0x3c: {  	p2 =	seq.s32 s10, $0x1;
	s10 =	sld [smem:$0x3FB6]  }
0x3d: {  	_ =	shalt  }
0x3e: {  	_ =	shalt  }
0x3f: {  	_ =	shalt  }
0x40: {  	_ =	shalt  }
0x41: {  	_ =	shalt  }
0x42: {  	_ =	shalt  }
0x43: {  	_ =	shalt  }
0x44: {  	_ =	shalt  }
0x45: {  	_ =	shalt  }
0x46: {  	_ =	shalt  }
0x47: {  	_ =	shalt  }
0x48: {  	_ =	shalt  }
0x49: {  	_ =	shalt  }
0x4a: {  	_ =	shalt  }
0x4b: {  	_ =	shalt  }
0x4c: {  	_ =	shalt  }
0x4d: {  	_ =	shalt  }
0x4e: {  	_ =	shalt  }
0x4f: {  	_ =	shalt  }
0x50: {  	_ =	shalt  }
0x51: {  	_ =	shalt  }
0x52: {  	_ =	shalt  }
0x53: {  	_ =	shalt  }
0x54: {  	_ =	shalt  }
0x55: {  	_ =	shalt  }
0x56: {  	_ =	shalt  }
0x57: {  	_ =	shalt  }
0x58: {  	_ =	shalt  }
0x59: {  	_ =	shalt  }
0x5a: {  	_ =	shalt  }
0x5b: {  	_ =	shalt  }
0x5c: {  	_ =	shalt  }
0x5d: {  	_ =	shalt  }
0x5e: {  	_ =	shalt  }
0x5f: {  	_ =	shalt  }
0x60: {  	_ =	shalt  }
0x61: {  	_ =	shalt  }
0x62: {  	_ =	shalt  }
0x63: {  	_ =	shalt  }
0x64: {  	_ =	shalt  }
0x65: {  	_ =	shalt  }
0x66: {  	_ =	shalt  }
0x67: {  	_ =	shalt  }
0x68: {  	_ =	shalt  }
0x69: {  	_ =	shalt  }
0x6a: {  	_ =	shalt  }
0x6b: {  	_ =	shalt  }
0x6c: {  	_ =	shalt  }
0x6d: {  	_ =	shalt  }
0x6e: {  	_ =	shalt  }
0x6f: {  	_ =	shalt  }
0x70: {  	_ =	shalt  }
0x71: {  	_ =	shalt  }
0x72: {  	_ =	shalt  }
0x73: {  	_ =	shalt  }
0x74: {  	_ =	shalt  }
0x75: {  	_ =	shalt  }
0x76: {  	_ =	shalt  }
0x77: {  	_ =	shalt  }
0x78: {  	_ =	shalt  }
0x79: {  	_ =	shalt  }
0x7a: {  	_ =	shalt  }
0x7b: {  	_ =	shalt  }
0x7c: {  	_ =	shalt  }
0x7d: {  	_ =	shalt  }
0x7e: {  	_ =	shalt  }
0x7f: {  	_ =	shalt  }
0x80: {  	_ =	shalt  }
0x81: {  	_ =	shalt  }
0x82: {  	_ =	shalt  }
0x83: {  	_ =	shalt  }
0x84: {  	_ =	shalt  }
0x85: {  	_ =	shalt  }
0x86: {  	_ =	shalt  }
0x87: {  	_ =	shalt  }
.Lfunc_end0:
.L_simem_size_0:
called_computation.1_lowered:
.L_overlay_start_0:
0x88: {  	s2 =	sld [smem:$0x3FD9]  }
0x89: {  	s3 =	sld [smem:$0x3FFE];
	_ =	sdelay $0x1  }
0x8a: {  	s1 =	srdreg.scid  }
0x8b: {  	s0 =	sand.u32 $0x1, s1  }
0x8c: {  	s17 =	sshll.u32 s0, $0xA;
	s2 =	sadd.s32 s3, s2  }
0x8d: {  	s2 =	sadd.s32 s2, s17  }
0x8e: {  	[smem:$0x3FC2] =	sst s2  }
0x8f: {  	_ = 	snop  }
0x90: {  	s2 =	sld [smem:$0x3FD0];
	(tm) =	ssettm $0x1  }
0x91: {  	s18 =	sld [smem:$0x3FFB];
	_ =	sdelay $0x3  }
0x92: {  	_ =	strace s18  }
0x93: {  	s3 =	sld [smem:$0x3FFC];
	_ =	sdelay $0x3  }
0x94: {  	_ =	strace s3  }
0x95: {  	s3 =	sld [smem:$0x3FFD];
	_ =	sdelay $0x3  }
0x96: {  	_ =	strace s3  }
0x97: {  	_ =	strace $0x8FFFFFFF  }
0x98: {  	s19 =	sld [smem:$0x3FDB];
	_ =	sdelay $0x1  }
0x99: {  	s4 =	simm.s32 $_scs_section_size  }
0x9a: {  	s5 =	simm.s32 $_size__tile_overlayer_lowered;
	s6 =	simm.s32 $_tile_overlayer_lowered  }
0x9b: {  	s22 =	simm.s32 $0x1BFF;
	s21 =	sshll.u32 s6, $0x1;
	s3 =	sadd.s32 s4, s19  }
0x9c: {  	s7 =	simm.s32 $0x0;
	s20 =	sshll.u32 s5, $0x1;
	s5 =	sadd.s32 s21, s3  }
0x9d: {  	[timem:s7], [sflag:s22] =	dma.local [hbm:s5], s20  }
0x9e: {  	_ =	swait.ge [sflag:s22], s20  }
0x9f: {  	s4 =	ssub.s32 $0x0, s20;
	[sflag:s22] =	ssyncset.done $0x0  }
0xa0: {  	[sflag:s22] =	ssyncadd.s32 s4;
	_ =	sdelay $0x1  }
0xa1: {  	s23 =	simm.s32 $0x1B8B  }
0xa2: {  	_ =	swait.ge [sflag:s23], $0x1  }
0xa3: {  	[sflag:s23] =	ssyncset.done $0x0  }
0xa4: {  	s25 =	simm.s32 $0x1B8E;
	s24 =	sld [smem:$0x3FFE];
	[sflag:s23] =	ssyncadd.s32 $0xFFFFFFFF  }
0xa5: {  	s26 =	simm.s32 $execute0_lowered;
	[smem:$0x3FD2] =	sst s25  }
0xa6: {  	s5 =	sshll.u32 s26, $0x1;
	_ =	strace $0x80000049;
	[dreg:$0x1] =	wrdreg $0xFFFFFFFF  }
0xa7: {  	s28 =	simm.s32 $_size_execute0_lowered;
	s3 =	sadd.s32 s3, s5;
	[dreg:$0x0] =	wrdreg $0x0  }
0xa8: {  	s5 =	sshll.u32 s28, $0x1;
	[dreg:$0x2] =	wrdreg s3  }
0xa9: {  	[dreg:$0x3] =	wrdreg s5  }
0xaa: {  	[dreg:$0x4] =	wrdreg $0xC0  }
0xab: {  	_ =	task [dreg:s7], $0x5FFFF  }
0xac: {  	[dreg:$0x1] =	wrdreg $0xFFFFFFFF  }
0xad: {  	[dreg:$0x0] =	wrdreg $0x60  }
0xae: {  	[dreg:$0x2] =	wrdreg s2  }
0xaf: {  	[dreg:$0x3] =	wrdreg s24  }
0xb0: {  	[dreg:$0x4] =	wrdreg $0x0  }
0xb1: {  	[dreg:$0x5] =	wrdreg $0x9  }
0xb2: {  	_ =	task.clear_ibuf [dreg:s7], $0x6FFFF;
	_ =	strace $0x90000049  }
0xb3: {  	s29 =	simm.s32 $0x9;
	_ =	strace $0x8000004B  }
0xb4: {  	_ =	swait.ge [sflag:s29], $0x1  }
0xb5: {  	[sflag:s29] =	ssyncadd.s32 $0xFFFFFFFF  }
0xb6: {  	_ =	strace $0x9000004B  }
0xb7: {  	_ =	sfence  }
0xb8: {  	s30 =	sld [smem:$0x0];
	_ =	sdelay $0x2  }
0xb9: {  	s31 =	sshll.u32 s1, $0xD;
	s1 =	sshrl.u32 s1, $0x2  }
0xba: {  	s3 =	sand.u32 $0x4000, s31;
	s1 =	sadd.s32 s1, s30  }
0xbb: {  	s0 =	sor.u32 s3, s0;
	s1 =	sshll.u32 s1, $0x11  }
0xbc: {  	s0 =	sor.u32 s1, s0  }
0xbd: {  	s0 =	sadd.s32 $0x8F2B, s0  }
0xbe: {  	[sflag:s0] =	ssyncadd.remote.s32 $0x1  }
0xbf: {  	_ =	sfence.sel $0xFFFF  }
0xc0: {  	[dreg:$0x0] =	wrdreg $0xFFFFFFFF;
	(pc) =	sbr.abs _section_cstart, $3  }
0xc1: {  	[dreg:$0x1] =	wrdreg $0xFFFFFFFF  }
0xc2: {  	_ =	task.clear_ibuf [dreg:s7], $0x2FFFF;
	_ =	strace $0x9FFFFFFF  }
0xc3: {  	(tm) =	ssettm $0x7FFFFFFF  }
tec
execute0_lowered:
.L_overlay_start_1:
0x0: {  	(tag) =	ssettag $0x1  }
0x1: {  	s1 =	rddreg [dreg:$0x0]  }
0x2: {  	s4 =	rddreg [dreg:$0x1]  }
0x3: {  	s2 =	rddreg [dreg:$0x2];
	s6 =	simm.s32 $0x0;
	s19 =	stileid.u32  }
0x4: {  	s5 =	srdreg.scid;
	s17 =	simm.s32 $0x13880;
	s23 =	simm.s32 $0x1  }
0x5: {  	s24 =	simm.s32 $0x2;
	s25 =	simm.s32 $0x80;
	s28 =	simm.s32 $0x1A080  }
0x6: {  	s29 =	simm.s32 $0x3;
	[smem:$0x7FF] =	sst s6;
	s7 =	smul.u32 $0x2780, s19  }
0x7: {  	s5 =	sand.u32 $0x1, s5;
	s10 =	sadd.s32 $0x1200, s4;
	s26 =	smul.u32 $0x500, s19  }
0x8: {  	s11 =	sadd.s32 $0x6200, s4;
	s12 =	smul.u32 $0x4F000, s19;
	s18 =	sadd.s32 $0x128400, s2  }
0x9: {  	s30 =	smul.u32 $0x2800, s19;
	p0 =	seq.s32 s19, $0xF;
	_ =	strace $0x8000004A  }
0xa: {  	s9 =	smul.u32 $0x27100, s5;
	s5 =	ssub.s32 $0x2, s5;
	s20 =	sshrl.u32 @p0 s18, $0x3  }
0xb: {  	[dreg:$0x4] =	wrdreg s7;
	s7 =	sadd.s32 s7, s4;
	s8 =	sshrl.u32 s5, $0x1  }
0xc: {  	s13 =	sadd.s32 s10, s26;
	s6 =	sadd.s32 s11, s26;
	s12 =	sshrl.u32 s12, $0x2  }
0xd: {  	s31 =	sshrl.u32 s30, $0x3;
	s26 =	simm.s32 $0x16080;
	[dreg:$0x5] =	wrdreg s13  }
0xe: {  	s14 =	sadd.s32 s9, s4;
	s5 =	ssub.s32 s5, s8;
	[dreg:$0x6] =	wrdreg s6  }
0xf: {  	s16 =	sadd.s32 s12, s2;
	s7 =	sadd.s32 $0xB200, s7;
	s8 =	sadd.s32 $0x30280, s4  }
0x10: {  	s12 =	sadd.s32 $0x280, s31;
	s9 =	sadd.s32 s1, s9;
	s13 =	sadd.s32 $0xAF80, s4  }
0x11: {  	s1 =	sshll.u32 @!p0 s19, $0x6;
	s10 =	sadd.s32 s10, s12;
	s11 =	sadd.s32 s11, s12  }
0x12: {  	s12 =	sadd.s32 $0x5F80, s4;
	s14 =	sadd.s32 $0x32400, s14;
	s15 =	smax.u32 s5, $0x1  }
0x13: {  	s21 =	sor.u32 @!p0 $0x1C03, s1;
	s22 =	sshrl.u32 @!p0 s16, $0x3;
	s1 =	simm.s32 $0x0  }
.LBB2_1:
0x14: {  	s4 =	simm.s32 $0x0;
	s5 =	rddreg [dreg:$0x5]  }
0x15: {  	[tilespmem:s17], [sflag:$0x1] =	stream.linear.gather [hbm4b:s5+s4], $0x1400, $0x38;
	[tilespmem:$0x1E080] =	vst v63  }
0x16: {  	s16 =	rddreg [dreg:$0x6];
	s6 =	simm.s32 $0x14C80  }
0x17: {  	[tilespmem:s6], [sflag:$0x2] =	stream.linear.gather [hbm4b:s16+s4], $0x1400, $0x38;
	[tilespmem:$0x1E080] =	vst v63  }
0x18: {  	s4 =	simm.s32 @p0 $0x1FC3  }
0x19: {  	[spmem:s20], [sflag:s4] =	dma.local @p0 [hbm:s8], $0x2080  }
0x1a: {  	s4 =	simm.s32 @p0 $0x3  }
0x1b: {  	_ =	swait.ge @p0 [sflag:s4], $0x2080  }
0x1c: {  	[sflag:s4] =	ssyncset.done @p0 $0x0  }
0x1d: {  	[sflag:s4] =	ssyncadd.s32 @p0 $0xFFFFDF80;
	s4 =	simm.s32 @!p0 $0x3  }
0x1e: {  	[spmem:s22], [sflag:s21] =	dma.local @!p0 [hbm:s7], $0x2780  }
0x1f: {  	_ =	swait.ge @!p0 [sflag:s4], $0x2780  }
0x20: {  	[sflag:s4] =	ssyncset.done @!p0 $0x0  }
0x21: {  	[sflag:s4] =	ssyncadd.s32 @!p0 $0xFFFFD880  }
0x22: {  	[bflag:$0x0] =	sbarrier.arrive $0xFFFF  }
0x23: {  	_ =	swait.ge [sflag:s23], $0x1400  }
0x24: {  	[sflag:s23] =	ssyncset.done $0x0  }
0x25: {  	[sflag:s23] =	ssyncadd.s32 $0xFFFFEC00  }
0x26: {  	_ =	swait.ge [sflag:s24], $0x1400  }
0x27: {  	[sflag:s24] =	ssyncset.done $0x0  }
0x28: {  	[sflag:s24] =	ssyncadd.s32 $0xFFFFEC00  }
0x29: {  	[tilespmem:s26], [sflag:$0x1] =	stream.indirect.gather [hbm4b:s9+s25], $0x80, s17, s25, $0xb8;
	[tilespmem:$0x1E080] =	vst v63  }
0x2a: {  	s18 =	simm.s32 $0x13900  }
0x2b: {  	[tilespmem:s28], [sflag:$0x2] =	stream.indirect.gather [hbm4b:s9+s25], $0x80, s18, s25, $0xb8;
	[tilespmem:$0x1E080] =	vst v63  }
0x2c: {  	_ =	swait.ge [sflag:s23], $0x4000  }
0x2d: {  	[sflag:s23] =	ssyncset.done $0x0  }
0x2e: {  	s19 =	simm.s32 $0x14C80;
	[sflag:s23] =	ssyncadd.s32 $0xFFFFC000  }
0x2f: {  	[spmem:s2] =	stream.indirect.scatter.add.f32 [tilespmem:s26], [sflag:$0x3], $0x80, s19, s25, $0xb8;
	[tilespmem:$0x1E080] =	vst v63  }
0x30: {  	_ =	swait.ge [sflag:s29], $0x4000  }
0x31: {  	[sflag:s29] =	ssyncset.done $0x0  }
0x32: {  	s30 =	simm.s32 $0x13980;
	[sflag:s29] =	ssyncadd.s32 $0xFFFFC000  }
0x33: {  	[tilespmem:s26], [sflag:$0x1] =	stream.indirect.gather [hbm4b:s9+s25], $0x80, s30, s25, $0xb8;
	[tilespmem:$0x1E080] =	vst v63  }
0x34: {  	_ =	swait.ge [sflag:s24], $0x4000  }
0x35: {  	[sflag:s24] =	ssyncset.done $0x0  }
0x36: {  	s31 =	simm.s32 $0x14D00;
	[sflag:s24] =	ssyncadd.s32 $0xFFFFC000  }
0x37: {  	[spmem:s2] =	stream.indirect.scatter.add.f32 [tilespmem:s28], [sflag:$0x3], $0x80, s31, s25, $0xb8;
	[tilespmem:$0x1E080] =	vst v63  }
0x38: {  	_ =	swait.ge [sflag:s29], $0x4000  }
0x39: {  	s5 =	simm.s32 $0x800;
	s4 =	simm.s32 $0x100;
	[sflag:s29] =	ssyncset.done $0x0  }
.LBB2_2:
0x3a: {  	s16 =	sadd.s32 $0x13900, s4  }
0x3b: {  	[sflag:s29] =	ssyncadd.s32 $0xFFFFC000;
	s18 =	smov.u32 s5;
	s19 =	sadd.s32 $0x400, s5  }
0x3c: {  	[tilespmem:s28], [sflag:$0x2] =	stream.indirect.gather [hbm4b:s9+s25], $0x80, s16, s25, $0xb8;
	[tilespmem:$0x1E080] =	vst v63  }
0x3d: {  	p1 =	sne.s32 s5, $0x4800;
	_ =	swait.ge [sflag:s23], $0x4000  }
0x3e: {  	[sflag:s23] =	ssyncset.done $0x0  }
0x3f: {  	s5 =	sadd.s32 $0x14C80, s4;
	[sflag:s23] =	ssyncadd.s32 $0xFFFFC000  }
0x40: {  	[spmem:s2] =	stream.indirect.scatter.add.f32 [tilespmem:s26], [sflag:$0x3], $0x80, s5, s25, $0xb8;
	[tilespmem:$0x1E080] =	vst v63  }
0x41: {  	_ =	swait.ge [sflag:s29], $0x4000  }
0x42: {  	[sflag:s29] =	ssyncset.done $0x0  }
0x43: {  	s5 =	sadd.s32 $0x13980, s4;
	[sflag:s29] =	ssyncadd.s32 $0xFFFFC000  }
0x44: {  	[tilespmem:s26], [sflag:$0x1] =	stream.indirect.gather [hbm4b:s9+s25], $0x80, s5, s25, $0xb8;
	[tilespmem:$0x1E080] =	vst v63  }
0x45: {  	_ =	swait.ge [sflag:s24], $0x4000  }
.Ltmp0:
0x46: {  	[sflag:s24] =	ssyncset.done $0x0;
	(pc) =	sbr.rel @p1 .LBB2_2-.Ltmp0, $4  }
0x47: {  	s4 =	sadd.s32 $0x14D00, s4;
	[sflag:s24] =	ssyncadd.s32 $0xFFFFC000  }
0x48: {  	[spmem:s2] =	stream.indirect.scatter.add.f32 [tilespmem:s28], [sflag:$0x3], $0x80, s4, s25, $0xb8;
	[tilespmem:$0x1E080] =	vst v63  }
0x49: {  	_ =	swait.ge [sflag:s29], $0x4000  }
0x4a: {  	s5 =	smov.u32 s19;
	s4 =	sshra.s32 s18, $0x2;
	[sflag:s29] =	ssyncset.done $0x0  }
0x4b: {  	s5 =	sadd.s32 $0x13900, s4;
	[sflag:s29] =	ssyncadd.s32 $0xFFFFC000  }
0x4c: {  	[tilespmem:s28], [sflag:$0x2] =	stream.indirect.gather [hbm4b:s9+s25], $0x80, s5, s25, $0xb8;
	[tilespmem:$0x1E080] =	vst v63  }
0x4d: {  	_ =	swait.ge [sflag:s23], $0x4000  }
0x4e: {  	[sflag:s23] =	ssyncset.done $0x0  }
0x4f: {  	s16 =	sadd.s32 $0x14C80, s4;
	[sflag:s23] =	ssyncadd.s32 $0xFFFFC000  }
0x50: {  	[spmem:s2] =	stream.indirect.scatter.add.f32 [tilespmem:s26], [sflag:$0x3], $0x80, s16, s25, $0xb8;
	[tilespmem:$0x1E080] =	vst v63  }
0x51: {  	_ =	swait.ge [sflag:s29], $0x4000  }
0x52: {  	[sflag:s29] =	ssyncset.done $0x0  }
0x53: {  	s18 =	sadd.s32 $0x13980, s4;
	[sflag:s29] =	ssyncadd.s32 $0xFFFFC000  }
0x54: {  	[tilespmem:s26], [sflag:$0x1] =	stream.indirect.gather [hbm4b:s9+s25], $0x80, s18, s25, $0xb8;
	[tilespmem:$0x1E080] =	vst v63  }
0x55: {  	_ =	swait.ge [sflag:s24], $0x4000  }
0x56: {  	[sflag:s24] =	ssyncset.done $0x0  }
0x57: {  	s19 =	sadd.s32 $0x14D00, s4;
	[sflag:s24] =	ssyncadd.s32 $0xFFFFC000  }
0x58: {  	[spmem:s2] =	stream.indirect.scatter.add.f32 [tilespmem:s28], [sflag:$0x3], $0x80, s19, s25, $0xb8;
	[tilespmem:$0x1E080] =	vst v63  }
0x59: {  	_ =	swait.ge [sflag:s29], $0x4000  }
0x5a: {  	[sflag:s29] =	ssyncset.done $0x0  }
0x5b: {  	s5 =	simm.s32 $0x14C00;
	[sflag:s29] =	ssyncadd.s32 $0xFFFFC000  }
0x5c: {  	[tilespmem:s28], [sflag:$0x2] =	stream.indirect.gather [hbm4b:s9+s25], $0x80, s5, s25, $0xb8;
	[tilespmem:$0x1E080] =	vst v63  }
0x5d: {  	_ =	swait.ge [sflag:s23], $0x4000  }
0x5e: {  	[sflag:s23] =	ssyncset.done $0x0  }
0x5f: {  	s6 =	simm.s32 $0x15F80;
	[sflag:s23] =	ssyncadd.s32 $0xFFFFC000  }
0x60: {  	[spmem:s2] =	stream.indirect.scatter.add.f32 [tilespmem:s26], [sflag:$0x3], $0x80, s6, s25, $0xb8;
	[tilespmem:$0x1E080] =	vst v63  }
0x61: {  	_ =	swait.ge [sflag:s29], $0x4000  }
0x62: {  	[sflag:s29] =	ssyncset.done $0x0  }
0x63: {  	[sflag:s29] =	ssyncadd.s32 $0xFFFFC000  }
0x64: {  	_ =	swait.ge [sflag:s24], $0x4000  }
0x65: {  	[sflag:s24] =	ssyncset.done $0x0  }
0x66: {  	s16 =	simm.s32 $0x16000;
	[sflag:s24] =	ssyncadd.s32 $0xFFFFC000  }
0x67: {  	[spmem:s2] =	stream.indirect.scatter.add.f32 [tilespmem:s28], [sflag:$0x3], $0x80, s16, s25, $0xb8;
	[tilespmem:$0x1E080] =	vst v63  }
0x68: {  	_ =	swait.ge [sflag:s29], $0x4000  }
0x69: {  	s4 =	simm.s32 @p0 $0x0;
	[sflag:s29] =	ssyncset.done $0x0  }
0x6a: {  	s19 =	simm.s32 @p0 $0x3;
	s5 =	simm.s32 @p0 $0x13880;
	[sflag:s29] =	ssyncadd.s32 $0xFFFFC000  }
0x6b: {  	[tilespmem:s5], [sflag:$0x3] =	stream.linear.gather @p0 [hbm4b:s12+s4], $0x500, $0x38;
	[tilespmem:$0x1E080] =	vst v63  }
0x6c: {  	_ =	swait.ge @p0 [sflag:s19], $0x500  }
0x6d: {  	[sflag:s19] =	ssyncset.done @p0 $0x0  }
0x6e: {  	s5 =	simm.s32 @p0 $0x14C80;
	[sflag:s19] =	ssyncadd.s32 @p0 $0xFFFFFB00  }
0x6f: {  	[tilespmem:s5], [sflag:$0x3] =	stream.linear.gather @p0 [hbm4b:s13+s4], $0x500, $0x38;
	[tilespmem:$0x1E080] =	vst v63  }
0x70: {  	_ =	swait.ge @p0 [sflag:s19], $0x500  }
0x71: {  	s30 =	simm.s32 @!p0 $0x3;
	[sflag:s19] =	ssyncset.done @p0 $0x0  }
0x72: {  	s4 =	simm.s32 @!p0 $0x0;
	s5 =	simm.s32 @!p0 $0x13880;
	[sflag:s19] =	ssyncadd.s32 @p0 $0xFFFFFB00  }
0x73: {  	[tilespmem:s5], [sflag:$0x3] =	stream.linear.gather @!p0 [hbm4b:s10+s4], $0x1400, $0x38;
	[tilespmem:$0x1E080] =	vst v63  }
0x74: {  	s31 =	simm.s32 @!p0 $0x28;
	_ =	swait.ge @!p0 [sflag:s30], $0x1400  }
0x75: {  	s31 =	simm.s32 @p0 $0xA;
	[sflag:s30] =	ssyncset.done @!p0 $0x0  }
0x76: {  	s18 =	sshrl.u32 s31, $0x1;
	s5 =	simm.s32 @!p0 $0x14C80;
	[sflag:s30] =	ssyncadd.s32 @!p0 $0xFFFFEC00  }
0x77: {  	[tilespmem:s5], [sflag:$0x3] =	stream.linear.gather @!p0 [hbm4b:s11+s4], $0x1400, $0x38;
	[tilespmem:$0x1E080] =	vst v63  }
0x78: {  	s4 =	sadd.s32 $0xFFFFFFFF, s18  }
0x79: {  	s5 =	sadd.s32 $0xFFFFFFFF, s4  }
0x7a: {  	p2 =	sne.s32 s5, $0x0  }
.Ltmp1:
0x7b: {  	_ = 	snop;
	(pc) =	sbr.rel @!p2 .LBB2_7-.Ltmp1, $4  }
0x7c: {  	_ =	swait.ge @!p0 [sflag:s30], $0x1400  }
0x7d: {  	p1 =	por $0x0, $0x0;
	s16 =	simm.s32 $0x14D00;
	[sflag:s30] =	ssyncset.done @!p0 $0x0  }
0x7e: {  	s18 =	simm.s32 $0x13980;
	s4 =	simm.s32 $0x2;
	[sflag:s30] =	ssyncadd.s32 @!p0 $0xFFFFEC00  }
0x7f: {  	[tilespmem:s26], [sflag:$0x1] =	stream.indirect.gather [hbm4b:s9+s25], $0x80, s17, s25, $0xb8;
	[tilespmem:$0x1E080] =	vst v63  }
0x80: {  	s4 =	simm.s32 $0x13900  }
0x81: {  	[tilespmem:s28], [sflag:$0x2] =	stream.indirect.gather [hbm4b:s9+s25], $0x80, s4, s25, $0xb8;
	[tilespmem:$0x1E080] =	vst v63  }
0x82: {  	_ =	swait.ge [sflag:s23], $0x4000  }
0x83: {  	[sflag:s23] =	ssyncset.done $0x0  }
0x84: {  	s6 =	simm.s32 $0x14C80;
	[sflag:s23] =	ssyncadd.s32 $0xFFFFC000  }
0x85: {  	[spmem:s2] =	stream.indirect.scatter.add.f32 [tilespmem:s26], [sflag:$0x3], $0x80, s6, s25, $0xb8;
	[tilespmem:$0x1E080] =	vst v63  }
0x86: {  	_ =	swait.ge [sflag:s29], $0x4000  }
0x87: {  	p1 =	sle.u32 s31, $0x2;
	s5 =	sadd.s32 $0xFFFFFFFF, s5;
	[sflag:s29] =	ssyncset.done $0x0  }
0x88: {  	s4 =	simm.s32 @!p1 $0x80;
	s6 =	simm.s32 @!p1 $0x16080;
	[sflag:s29] =	ssyncadd.s32 $0xFFFFC000  }
0x89: {  	[tilespmem:s6], [sflag:$0x1] =	stream.indirect.gather @!p1 [hbm4b:s9+s4], $0x80, s18, s4, $0xb8;
	[tilespmem:$0x1E080] =	vst v63  }
0x8a: {  	p2 =	sne.s32 s5, $0x0;
	_ =	swait.ge [sflag:s24], $0x4000  }
.Ltmp2:
0x8b: {  	[sflag:s24] =	ssyncset.done $0x0;
	(pc) =	sbr.rel @!p2 .LBB2_7-.Ltmp2, $4  }
0x8c: {  	[sflag:s24] =	ssyncadd.s32 $0xFFFFC000  }
0x8d: {  	[spmem:s2] =	stream.indirect.scatter.add.f32 [tilespmem:s28], [sflag:$0x3], $0x80, s16, s25, $0xb8;
	[tilespmem:$0x1E080] =	vst v63  }
0x8e: {  	s18 =	simm.s32 $0x13A80;
	s4 =	simm.s32 $0x4;
	_ =	swait.ge [sflag:s29], $0x4000  }
0x8f: {  	p1 =	por $0x1, $0x1;
	s16 =	simm.s32 $0x14E00;
	[sflag:s29] =	ssyncset.done $0x0  }
.LBB2_5:
0x90: {  	s5 =	sadd.s32 $0xFFFFFFFF, s5;
	s0 =	sadd.s32 $0xFFFFFF80, s18;
	[sflag:s29] =	ssyncadd.s32 $0xFFFFC000  }
0x91: {  	[tilespmem:s28], [sflag:$0x2] =	stream.indirect.gather [hbm4b:s9+s25], $0x80, s0, s25, $0xb8;
	[tilespmem:$0x1E080] =	vst v63  }
0x92: {  	p2 =	sne.s32 s5, $0x0;
	_ =	swait.ge [sflag:s23], $0x4000  }
0x93: {  	[sflag:s23] =	ssyncset.done $0x0  }
0x94: {  	s0 =	sadd.s32 $0xFFFFFF80, s16;
	[sflag:s23] =	ssyncadd.s32 $0xFFFFC000  }
0x95: {  	[spmem:s2] =	stream.indirect.scatter.add.f32 [tilespmem:s26], [sflag:$0x3], $0x80, s0, s25, $0xb8;
	[tilespmem:$0x1E080] =	vst v63  }
0x96: {  	_ =	swait.ge [sflag:s29], $0x4000  }
0x97: {  	p3 =	sge.u32 s4, s31;
	[sflag:s29] =	ssyncset.done $0x0  }
0x98: {  	s3 =	simm.s32 @!p3 $0x16080;
	s0 =	simm.s32 @!p3 $0x80;
	[sflag:s29] =	ssyncadd.s32 $0xFFFFC000  }
0x99: {  	[tilespmem:s3], [sflag:$0x1] =	stream.indirect.gather @!p3 [hbm4b:s9+s0], $0x80, s18, s0, $0xb8;
	[tilespmem:$0x1E080] =	vst v63  }
0x9a: {  	_ =	swait.ge [sflag:s24], $0x4000  }
.Ltmp3:
0x9b: {  	[sflag:s24] =	ssyncset.done $0x0;
	(pc) =	sbr.rel @p2 .LBB2_5-.Ltmp3, $4  }
0x9c: {  	s4 =	sadd.s32 $0x2, s4;
	[sflag:s24] =	ssyncadd.s32 $0xFFFFC000  }
0x9d: {  	[spmem:s2] =	stream.indirect.scatter.add.f32 [tilespmem:s28], [sflag:$0x3], $0x80, s16, s25, $0xb8;
	[tilespmem:$0x1E080] =	vst v63  }
0x9e: {  	s0 =	sadd.s32 $0x100, s16;
	s3 =	sadd.s32 $0x100, s18;
	_ =	swait.ge [sflag:s29], $0x4000  }
0x9f: {  	s18 =	smov.u32 s3;
	s16 =	smov.u32 s0;
	[sflag:s29] =	ssyncset.done $0x0  }
0xa0: {  	s18 =	smov.u32 s3;
	s16 =	smov.u32 s0  }
.LBB2_7:
0xa1: {  	s5 =	sadd.s32 $0xFFFFFF80, s18;
	[sflag:s29] =	ssyncadd.s32 @p1 $0xFFFFC000  }
0xa2: {  	[tilespmem:s28], [sflag:$0x2] =	stream.indirect.gather [hbm4b:s9+s25], $0x80, s5, s25, $0xb8;
	[tilespmem:$0x1E080] =	vst v63  }
0xa3: {  	_ =	swait.ge [sflag:s23], $0x4000  }
0xa4: {  	[sflag:s23] =	ssyncset.done $0x0  }
0xa5: {  	s6 =	sadd.s32 $0xFFFFFF80, s16;
	[sflag:s23] =	ssyncadd.s32 $0xFFFFC000  }
0xa6: {  	[spmem:s2] =	stream.indirect.scatter.add.f32 [tilespmem:s26], [sflag:$0x3], $0x80, s6, s25, $0xb8;
	[tilespmem:$0x1E080] =	vst v63  }
0xa7: {  	_ =	swait.ge [sflag:s29], $0x4000  }
0xa8: {  	p1 =	sge.u32 s4, s31;
	[sflag:s29] =	ssyncset.done $0x0  }
0xa9: {  	s5 =	simm.s32 @!p1 $0x80;
	s6 =	simm.s32 @!p1 $0x16080;
	[sflag:s29] =	ssyncadd.s32 $0xFFFFC000  }
0xaa: {  	[tilespmem:s6], [sflag:$0x1] =	stream.indirect.gather @!p1 [hbm4b:s9+s5], $0x80, s18, s5, $0xb8;
	[tilespmem:$0x1E080] =	vst v63  }
0xab: {  	_ =	swait.ge [sflag:s24], $0x4000  }
0xac: {  	[sflag:s24] =	ssyncset.done $0x0  }
0xad: {  	[sflag:s24] =	ssyncadd.s32 $0xFFFFC000  }
0xae: {  	[spmem:s2] =	stream.indirect.scatter.add.f32 [tilespmem:s28], [sflag:$0x3], $0x80, s16, s25, $0xb8;
	[tilespmem:$0x1E080] =	vst v63  }
0xaf: {  	_ =	swait.ge [sflag:s29], $0x4000  }
0xb0: {  	[sflag:s29] =	ssyncset.done $0x0  }
0xb1: {  	s6 =	sadd.s32 $0x80, s3;
	[sflag:s29] =	ssyncadd.s32 $0xFFFFC000  }
0xb2: {  	[tilespmem:s28], [sflag:$0x2] =	stream.indirect.gather [hbm4b:s9+s25], $0x80, s6, s25, $0xb8;
	[tilespmem:$0x1E080] =	vst v63  }
0xb3: {  	_ =	swait.ge [sflag:s23], $0x4000  }
0xb4: {  	[sflag:s23] =	ssyncset.done $0x0  }
0xb5: {  	s6 =	sadd.s32 $0x80, s0;
	[sflag:s23] =	ssyncadd.s32 $0xFFFFC000  }
0xb6: {  	[spmem:s2] =	stream.indirect.scatter.add.f32 [tilespmem:s26], [sflag:$0x3], $0x80, s6, s25, $0xb8;
	[tilespmem:$0x1E080] =	vst v63  }
0xb7: {  	s6 =	sadd.s32 $0x2, s4;
	_ =	swait.ge [sflag:s29], $0x4000  }
0xb8: {  	s5 =	sadd.s32 $0x100, s18;
	p1 =	sge.u32 s6, s31;
	[sflag:s29] =	ssyncset.done $0x0  }
0xb9: {  	s4 =	simm.s32 @!p1 $0x80;
	s6 =	simm.s32 @!p1 $0x16080;
	[sflag:s29] =	ssyncadd.s32 $0xFFFFC000  }
0xba: {  	[tilespmem:s6], [sflag:$0x1] =	stream.indirect.gather @!p1 [hbm4b:s9+s4], $0x80, s5, s4, $0xb8;
	[tilespmem:$0x1E080] =	vst v63  }
0xbb: {  	_ =	swait.ge [sflag:s24], $0x4000  }
0xbc: {  	[sflag:s24] =	ssyncset.done $0x0  }
0xbd: {  	s31 =	sadd.s32 $0x100, s16;
	[sflag:s24] =	ssyncadd.s32 $0xFFFFC000  }
0xbe: {  	[spmem:s2] =	stream.indirect.scatter.add.f32 [tilespmem:s28], [sflag:$0x3], $0x80, s31, s25, $0xb8;
	[tilespmem:$0x1E080] =	vst v63  }
0xbf: {  	_ =	swait.ge [sflag:s29], $0x4000  }
0xc0: {  	[sflag:s29] =	ssyncset.done $0x0  }
0xc1: {  	[sflag:s29] =	ssyncadd.s32 $0xFFFFC000  }
0xc2: {  	s4 =	sadd.s32 @p0 $0x25080, s14;
	s5 =	simm.s32 @p0 $0x1FC3;
	[bflag:$0x0] =	sbarrier.arrive $0xFFFF  }
0xc3: {  	[hbm:s4], [sflag:s5] =	dma.local @p0 [spmem:s20], $0x2080  }
0xc4: {  	s1 =	sadd.s32 $0x1, s1;
	_ =	swait.ge @p0 [sflag:s19], $0x2080  }
0xc5: {  	p1 =	sne.s32 s1, s15;
	[sflag:s19] =	ssyncset.done @p0 $0x0;
	s4 =	rddreg [dreg:$0x4]  }
.Ltmp4:
0xc6: {  	[sflag:s19] =	ssyncadd.s32 @p0 $0xFFFFDF80;
	s4 =	sadd.s32 @!p0 s4, s14;
	(pc) =	sbr.rel @p1 .LBB2_1-.Ltmp4, $4  }
0xc7: {  	[hbm:s4], [sflag:s21] =	dma.local @!p0 [spmem:s22], $0x2780  }
0xc8: {  	_ =	swait.ge @!p0 [sflag:s30], $0x2780  }
0xc9: {  	[sflag:s30] =	ssyncset.done @!p0 $0x0  }
0xca: {  	[sflag:s30] =	ssyncadd.s32 @!p0 $0xFFFFD880  }
0xcb: {  	_ =	sfence.sel $0x180000  }
0xcc: {  	[bflag:$0x0] =	sbarrier.arrive $0xFFFF  }
0xcd: {  	_ =	strace $0x9000004A  }
0xce: {  	s0 =	stileid.u32;
	[bflag:$0x2] =	sbarrier.arrive $0xFFFF  }
0xcf: {  	p0 =	sne.s32 s0, $0x0;
	s0 =	rddreg [dreg:$0x3]  }
0xd0: {  	s0 =	sadd.s32 @!p0 $0x100000, s0  }
0xd1: {  	[sflag:s0] =	ssyncadd.tile.s32 @!p0 $0x1;
	_ =	shalt  }
.Lfunc_end2:
_tile_overlayer_lowered:
.L_overlay_start_2:
0xd2: {  	(tag) =	ssettag $0x2  }
0xd3: {  	s0 =	rddreg [dreg:$0x0];
	s2 =	stileid.u32  }
0xd4: {  	s1 =	rddreg [dreg:$0x1];
	p0 =	sne.s32 s2, $0x0  }
0xd5: {  	s3 =	rddreg [dreg:$0x2];
	[bflag:$0x3] =	sbarrier.arrive $0xFFFF;
	s2 =	simm.s32 @!p0 $0x1C03  }
0xd6: {  	[timem:s3], [sflag:s2] =	dma.local @!p0 [hbm:s0], s1  }
0xd7: {  	s0 =	simm.s32 @!p0 $0x3  }
0xd8: {  	_ =	swait.ge @!p0 [sflag:s0], s1  }
0xd9: {  	s1 =	ssub.s32 @!p0 $0x0, s1;
	[sflag:s0] =	ssyncset.done @!p0 $0x0  }
0xda: {  	[sflag:s0] =	ssyncadd.s32 @!p0 s1  }
0xdb: {  	[bflag:$0x3] =	sbarrier.arrive $0xFFFF  }
0xdc: {  	_ =	shalt  }

// kernel: kernel.14.cloned.1.call-start
scs
__scs_entry_jumppad:
0x0: {  	(pc) =	sbr.rel $0x88, $3  }
0x1: {  	(tag) =	ssettag $0x0;
	lr =	simm.s32 $0x1  }
0x2: {  	[smem:$0x3F9B] =	sst lr;
	_ =	strace $0xD0000000  }
0x3: {  	_ = 	snop  }
0x4: {  	_ = 	snop  }
0x5: {  	_ = 	snop  }
0x6: {  	_ = 	snop  }
0x7: {  	_ = 	snop  }
__scs_overlays_trampoline_lowered:
0x8: {  	[smem:$0x3FAA] =	sst s0  }
0x9: {  	[smem:$0x3FAB] =	sst s1  }
0xa: {  	[smem:$0x3FAC] =	sst s2  }
0xb: {  	[smem:$0x3FAD] =	sst s3  }
0xc: {  	[smem:$0x3FAE] =	sst s4  }
0xd: {  	[smem:$0x3FAF] =	sst s5  }
0xe: {  	[smem:$0x3FB0] =	sst s6  }
0xf: {  	[smem:$0x3FB1] =	sst s7  }
0x10: {  	[smem:$0x3FB2] =	sst s8  }
0x11: {  	[smem:$0x3FB3] =	sst s9;
	s0 =	simm.s32 @!p0 $0x0  }
0x12: {  	s1 =	sld [smem:$0x3F99];
	s0 =	simm.s32 @p0 $0x1  }
0x13: {  	[smem:$0x3FB4] =	sst s0;
	s0 =	simm.s32 @!p1 $0x0  }
0x14: {  	s2 =	sld [smem:$0x3F98];
	s0 =	simm.s32 @p1 $0x1  }
0x15: {  	[smem:$0x3FB5] =	sst s0;
	s0 =	simm.s32 @!p2 $0x0  }
0x16: {  	s3 =	sld [smem:$0x3FDB];
	s0 =	simm.s32 @p2 $0x1  }
0x17: {  	s4 =	simm.s32 $0x1BF5;
	[smem:$0x3FB7] =	sst s0  }
0x18: {  	s0 =	sld [smem:$0x3F9A];
	_ =	swait.ge [sflag:s4], $0x0  }
0x19: {  	s7 =	sld [smem:$0x3F9B]  }
0x1a: {  	s8 =	sadd.s32 $0xFFFFE003, lr  }
0x1b: {  	s9 =	sadd.s32 $0xFFFFFEF7, lr;
	s5 =	simm.s32 $0xFFFFFFFF;
	p2 =	slt.u32 s8, $0xFFFFF086  }
0x1c: {  	p1 =	slt.u32 s9, $0xF7A;
	s5 =	simm.s32 @!p2 $0x0  }
0x1d: {  	s5 =	simm.s32 @p1 $0x1;
	p0 =	seq.s32 s7, s2  }
0x1e: {  	s7 =	smul.u32 @!p0 $0xF7A, s2;
	p2 =	seq.s32 @!p0 s5, $0x0  }
0x1f: {  	s9 =	smul.u32 $0xF7A, s1;
	s8 =	simm.s32 @!p0 $0x1BF5;
	p2 =	por !p2, p0  }
0x20: {  	[sflag:s8] =	ssyncset.s32 @!p0 $0xFFFFF086;
	s6 =	sadd.s32 @!p0 s3, s7;
	s7 =	simm.s32 @!p0 $0x108  }
0x21: {  	s3 =	sadd.s32 s3, s9;
	s6 =	sadd.s32 @!p0 $0x88, s6;
	s7 =	simm.s32 @p2 $0x1082  }
0x22: {  	[simem:s7], [sflag:s8] =	dma.local @!p0 [hbm:s6], $0xF7A  }
0x23: {  	s9 =	sor.u32 $0xD0000000, s2;
	s6 =	simm.s32 $0x108;
	_ =	swait.ge @!p0 [sflag:s8], $0x0  }
0x24: {  	s3 =	sadd.s32 $0x88, s3;
	s6 =	simm.s32 @!p1 $0x1082;
	[sflag:s4] =	ssyncset.s32 $0xFFFFF086  }
0x25: {  	[simem:s6], [sflag:s4] =	dma.local [hbm:s3], $0xF7A  }
0x26: {  	[smem:$0x3F9B] =	sst s1;
	(tag) =	ssettag s2;
	_ =	strace s9  }
0x27: {  	s1 =	sld [smem:$0x3FAB]  }
0x28: {  	s2 =	sld [smem:$0x3FAC]  }
0x29: {  	s4 =	sld [smem:$0x3FAE]  }
0x2a: {  	p0 =	seq.s32 s5, $0x0;
	s5 =	sld [smem:$0x3FAF]  }
0x2b: {  	s6 =	sld [smem:$0x3FB0]  }
0x2c: {  	s7 =	sld [smem:$0x3FB1]  }
0x2d: {  	s3 =	simm.s32 $0x108;
	s8 =	sld [smem:$0x3FB2]  }
0x2e: {  	s3 =	simm.s32 @!p0 $0x1082;
	s9 =	sld [smem:$0x3FB3]  }
0x2f: {  	lr =	sadd.s32 s0, s3;
	s0 =	sld [smem:$0x3FAA]  }
0x30: {  	s3 =	sld [smem:$0x3FAD]  }
0x31: {  	[smem:$0x3FB6] =	sst s10  }
0x32: {  	s10 =	sld [smem:$0x3FB4];
	_ =	sdelay $0x3  }
0x33: {  	p0 =	seq.s32 s10, $0x1;
	s10 =	sld [smem:$0x3FB6];
	_ =	sdelay $0x3  }
0x34: {  	[smem:$0x3FB6] =	sst s10  }
0x35: {  	s10 =	sld [smem:$0x3FB5];
	_ =	sdelay $0x3  }
0x36: {  	p1 =	seq.s32 s10, $0x1;
	s10 =	sld [smem:$0x3FB6];
	_ =	sdelay $0x3  }
0x37: {  	[smem:$0x3FB6] =	sst s10  }
0x38: {  	s10 =	sld [smem:$0x3FB7]  }
0x39: {  	_ = 	snop;
	(pc) =	sbr.ind lr, $3  }
0x3a: {  	_ = 	snop  }
0x3b: {  	_ = 	snop  }
0x3c: {  	p2 =	seq.s32 s10, $0x1;
	s10 =	sld [smem:$0x3FB6]  }
0x3d: {  	_ =	shalt  }
0x3e: {  	_ =	shalt  }
0x3f: {  	_ =	shalt  }
0x40: {  	_ =	shalt  }
0x41: {  	_ =	shalt  }
0x42: {  	_ =	shalt  }
0x43: {  	_ =	shalt  }
0x44: {  	_ =	shalt  }
0x45: {  	_ =	shalt  }
0x46: {  	_ =	shalt  }
0x47: {  	_ =	shalt  }
0x48: {  	_ =	shalt  }
0x49: {  	_ =	shalt  }
0x4a: {  	_ =	shalt  }
0x4b: {  	_ =	shalt  }
0x4c: {  	_ =	shalt  }
0x4d: {  	_ =	shalt  }
0x4e: {  	_ =	shalt  }
0x4f: {  	_ =	shalt  }
0x50: {  	_ =	shalt  }
0x51: {  	_ =	shalt  }
0x52: {  	_ =	shalt  }
0x53: {  	_ =	shalt  }
0x54: {  	_ =	shalt  }
0x55: {  	_ =	shalt  }
0x56: {  	_ =	shalt  }
0x57: {  	_ =	shalt  }
0x58: {  	_ =	shalt  }
0x59: {  	_ =	shalt  }
0x5a: {  	_ =	shalt  }
0x5b: {  	_ =	shalt  }
0x5c: {  	_ =	shalt  }
0x5d: {  	_ =	shalt  }
0x5e: {  	_ =	shalt  }
0x5f: {  	_ =	shalt  }
0x60: {  	_ =	shalt  }
0x61: {  	_ =	shalt  }
0x62: {  	_ =	shalt  }
0x63: {  	_ =	shalt  }
0x64: {  	_ =	shalt  }
0x65: {  	_ =	shalt  }
0x66: {  	_ =	shalt  }
0x67: {  	_ =	shalt  }
0x68: {  	_ =	shalt  }
0x69: {  	_ =	shalt  }
0x6a: {  	_ =	shalt  }
0x6b: {  	_ =	shalt  }
0x6c: {  	_ =	shalt  }
0x6d: {  	_ =	shalt  }
0x6e: {  	_ =	shalt  }
0x6f: {  	_ =	shalt  }
0x70: {  	_ =	shalt  }
0x71: {  	_ =	shalt  }
0x72: {  	_ =	shalt  }
0x73: {  	_ =	shalt  }
0x74: {  	_ =	shalt  }
0x75: {  	_ =	shalt  }
0x76: {  	_ =	shalt  }
0x77: {  	_ =	shalt  }
0x78: {  	_ =	shalt  }
0x79: {  	_ =	shalt  }
0x7a: {  	_ =	shalt  }
0x7b: {  	_ =	shalt  }
0x7c: {  	_ =	shalt  }
0x7d: {  	_ =	shalt  }
0x7e: {  	_ =	shalt  }
0x7f: {  	_ =	shalt  }
0x80: {  	_ =	shalt  }
0x81: {  	_ =	shalt  }
0x82: {  	_ =	shalt  }
0x83: {  	_ =	shalt  }
0x84: {  	_ =	shalt  }
0x85: {  	_ =	shalt  }
0x86: {  	_ =	shalt  }
0x87: {  	_ =	shalt  }
.Lfunc_end0:
.L_simem_size_0:
called_computation.2_lowered:
.L_overlay_start_0:
0x88: {  	s2 =	sld [smem:$0x3FD9]  }
0x89: {  	s3 =	sld [smem:$0x3FFE];
	_ =	sdelay $0x1  }
0x8a: {  	s1 =	srdreg.scid  }
0x8b: {  	s0 =	sand.u32 $0x1, s1  }
0x8c: {  	s17 =	sshll.u32 s0, $0xA;
	s2 =	sadd.s32 s3, s2  }
0x8d: {  	s2 =	sadd.s32 s2, s17  }
0x8e: {  	[smem:$0x3FC2] =	sst s2  }
0x8f: {  	_ = 	snop  }
0x90: {  	s2 =	sld [smem:$0x3FD0];
	(tm) =	ssettm $0x1  }
0x91: {  	s18 =	sld [smem:$0x3FFB];
	_ =	sdelay $0x3  }
0x92: {  	_ =	strace s18  }
0x93: {  	s3 =	sld [smem:$0x3FFC];
	_ =	sdelay $0x3  }
0x94: {  	_ =	strace s3  }
0x95: {  	s3 =	sld [smem:$0x3FFD];
	_ =	sdelay $0x3  }
0x96: {  	_ =	strace s3  }
0x97: {  	_ =	strace $0x8FFFFFFF  }
0x98: {  	s19 =	sld [smem:$0x3FDB];
	_ =	sdelay $0x1  }
0x99: {  	s4 =	simm.s32 $_scs_section_size  }
0x9a: {  	s5 =	simm.s32 $_size__tile_overlayer_lowered;
	s6 =	simm.s32 $_tile_overlayer_lowered  }
0x9b: {  	s22 =	simm.s32 $0x1BFF;
	s21 =	sshll.u32 s6, $0x1;
	s3 =	sadd.s32 s4, s19  }
0x9c: {  	s7 =	simm.s32 $0x0;
	s20 =	sshll.u32 s5, $0x1;
	s5 =	sadd.s32 s21, s3  }
0x9d: {  	[timem:s7], [sflag:s22] =	dma.local [hbm:s5], s20  }
0x9e: {  	_ =	swait.ge [sflag:s22], s20  }
0x9f: {  	s4 =	ssub.s32 $0x0, s20;
	[sflag:s22] =	ssyncset.done $0x0  }
0xa0: {  	[sflag:s22] =	ssyncadd.s32 s4;
	_ =	sdelay $0x1  }
0xa1: {  	s23 =	simm.s32 $0x1B8B  }
0xa2: {  	_ =	swait.ge [sflag:s23], $0x1  }
0xa3: {  	[sflag:s23] =	ssyncset.done $0x0  }
0xa4: {  	s25 =	simm.s32 $0x1B8E;
	s24 =	sld [smem:$0x3FFE];
	[sflag:s23] =	ssyncadd.s32 $0xFFFFFFFF  }
0xa5: {  	s26 =	simm.s32 $execute0_lowered;
	[smem:$0x3FD2] =	sst s25  }
0xa6: {  	s5 =	sshll.u32 s26, $0x1;
	_ =	strace $0x8000004C;
	[dreg:$0x1] =	wrdreg $0xFFFFFFFF  }
0xa7: {  	s28 =	simm.s32 $_size_execute0_lowered;
	s3 =	sadd.s32 s3, s5;
	[dreg:$0x0] =	wrdreg $0x0  }
0xa8: {  	s5 =	sshll.u32 s28, $0x1;
	[dreg:$0x2] =	wrdreg s3  }
0xa9: {  	[dreg:$0x3] =	wrdreg s5  }
0xaa: {  	[dreg:$0x4] =	wrdreg $0xC0  }
0xab: {  	_ =	task [dreg:s7], $0x5FFFF  }
0xac: {  	[dreg:$0x1] =	wrdreg $0xFFFFFFFF  }
0xad: {  	[dreg:$0x0] =	wrdreg $0x60  }
0xae: {  	[dreg:$0x2] =	wrdreg s24  }
0xaf: {  	[dreg:$0x3] =	wrdreg s2  }
0xb0: {  	[dreg:$0x4] =	wrdreg $0x0  }
0xb1: {  	[dreg:$0x5] =	wrdreg $0x9  }
0xb2: {  	_ =	task.clear_ibuf [dreg:s7], $0x6FFFF;
	_ =	strace $0x9000004C  }
0xb3: {  	s29 =	simm.s32 $0x9;
	_ =	strace $0x8000004E  }
0xb4: {  	_ =	swait.ge [sflag:s29], $0x1  }
0xb5: {  	[sflag:s29] =	ssyncadd.s32 $0xFFFFFFFF  }
0xb6: {  	_ =	strace $0x9000004E  }
0xb7: {  	_ =	sfence  }
0xb8: {  	s30 =	sld [smem:$0x0];
	_ =	sdelay $0x2  }
0xb9: {  	s31 =	sshll.u32 s1, $0xD;
	s1 =	sshrl.u32 s1, $0x2  }
0xba: {  	s3 =	sand.u32 $0x4000, s31;
	s1 =	sadd.s32 s1, s30  }
0xbb: {  	s0 =	sor.u32 s3, s0;
	s1 =	sshll.u32 s1, $0x11  }
0xbc: {  	s0 =	sor.u32 s1, s0  }
0xbd: {  	s0 =	sadd.s32 $0x8F2B, s0  }
0xbe: {  	[sflag:s0] =	ssyncadd.remote.s32 $0x1  }
0xbf: {  	_ =	sfence.sel $0xFFFF  }
0xc0: {  	[dreg:$0x0] =	wrdreg $0xFFFFFFFF;
	(pc) =	sbr.abs _section_cstart, $3  }
0xc1: {  	[dreg:$0x1] =	wrdreg $0xFFFFFFFF  }
0xc2: {  	_ =	task.clear_ibuf [dreg:s7], $0x2FFFF;
	_ =	strace $0x9FFFFFFF  }
0xc3: {  	(tm) =	ssettm $0x7FFFFFFF  }
tec
execute0_lowered:
.L_overlay_start_1:
0x0: {  	(tag) =	ssettag $0x1  }
0x1: {  	s2 =	rddreg [dreg:$0x0]  }
0x2: {  	s4 =	rddreg [dreg:$0x1]  }
0x3: {  	s5 =	srdreg.scid;
	s1 =	rddreg [dreg:$0x2];
	s6 =	simm.s32 $0x0  }
0x4: {  	s19 =	stileid.u32;
	s17 =	simm.s32 $0x13880;
	s23 =	simm.s32 $0x1  }
0x5: {  	s24 =	simm.s32 $0x2;
	s28 =	simm.s32 $0x1A080;
	s12 =	smul.u32 $0x2780, s19  }
0x6: {  	s29 =	simm.s32 $0x3;
	s5 =	sand.u32 $0x1, s5;
	s25 =	smul.u32 $0x500, s19  }
0x7: {  	[smem:$0x7FF] =	sst s6;
	s10 =	sadd.s32 $0x1200, s2;
	s8 =	smul.u32 $0x4F000, s19  }
0x8: {  	s11 =	sadd.s32 $0x6200, s2;
	s13 =	smul.u32 $0x2800, s19;
	s18 =	sadd.s32 $0x128400, s1  }
0x9: {  	p0 =	seq.s32 s19, $0xF;
	s14 =	smul.u32 $0x27100, s5;
	s5 =	ssub.s32 $0x2, s5  }
0xa: {  	_ =	strace $0x8000004D;
	s20 =	sshrl.u32 @p0 s18, $0x3;
	s7 =	sshrl.u32 s5, $0x1  }
0xb: {  	[dreg:$0x4] =	wrdreg s12;
	s12 =	sadd.s32 s12, s2;
	s26 =	sadd.s32 s10, s25  }
0xc: {  	s6 =	sadd.s32 s11, s25;
	s30 =	sshrl.u32 s8, $0x2;
	s31 =	sshrl.u32 s13, $0x3  }
0xd: {  	s8 =	sadd.s32 $0x30280, s2;
	s13 =	sadd.s32 $0xAF80, s2;
	s25 =	simm.s32 $0x80  }
0xe: {  	s9 =	sadd.s32 s14, s2;
	s5 =	ssub.s32 s5, s7;
	[dreg:$0x5] =	wrdreg s26  }
0xf: {  	[dreg:$0x6] =	wrdreg s6;
	s16 =	sadd.s32 s30, s1;
	s7 =	sadd.s32 $0xB200, s12  }
0x10: {  	s12 =	sadd.s32 $0x280, s31;
	s14 =	sadd.s32 s4, s14;
	s26 =	simm.s32 $0x16080  }
0x11: {  	s9 =	sadd.s32 $0x32400, s9;
	s10 =	sadd.s32 s10, s12;
	s11 =	sadd.s32 s11, s12  }
0x12: {  	s12 =	sadd.s32 $0x5F80, s2;
	s15 =	smax.u32 s5, $0x1;
	s2 =	sshll.u32 @!p0 s19, $0x6  }
0x13: {  	s22 =	sshrl.u32 @!p0 s16, $0x3;
	s21 =	sor.u32 @!p0 $0x1C03, s2;
	s2 =	simm.s32 $0x0  }
.LBB2_1:
0x14: {  	s4 =	simm.s32 $0x0;
	s5 =	rddreg [dreg:$0x5]  }
0x15: {  	[tilespmem:s17], [sflag:$0x1] =	stream.linear.gather [hbm4b:s5+s4], $0x1400, $0x38;
	[tilespmem:$0x1E080] =	vst v63  }
0x16: {  	s16 =	rddreg [dreg:$0x6];
	s6 =	simm.s32 $0x14C80  }
0x17: {  	[tilespmem:s6], [sflag:$0x2] =	stream.linear.gather [hbm4b:s16+s4], $0x1400, $0x38;
	[tilespmem:$0x1E080] =	vst v63  }
0x18: {  	s4 =	simm.s32 @p0 $0x1FC3  }
0x19: {  	[spmem:s20], [sflag:s4] =	dma.local @p0 [hbm:s8], $0x2080  }
0x1a: {  	s4 =	simm.s32 @p0 $0x3  }
0x1b: {  	_ =	swait.ge @p0 [sflag:s4], $0x2080  }
0x1c: {  	[sflag:s4] =	ssyncset.done @p0 $0x0  }
0x1d: {  	[sflag:s4] =	ssyncadd.s32 @p0 $0xFFFFDF80;
	s4 =	simm.s32 @!p0 $0x3  }
0x1e: {  	[spmem:s22], [sflag:s21] =	dma.local @!p0 [hbm:s7], $0x2780  }
0x1f: {  	_ =	swait.ge @!p0 [sflag:s4], $0x2780  }
0x20: {  	[sflag:s4] =	ssyncset.done @!p0 $0x0  }
0x21: {  	[sflag:s4] =	ssyncadd.s32 @!p0 $0xFFFFD880  }
0x22: {  	[bflag:$0x0] =	sbarrier.arrive $0xFFFF  }
0x23: {  	_ =	swait.ge [sflag:s23], $0x1400  }
0x24: {  	[sflag:s23] =	ssyncset.done $0x0  }
0x25: {  	[sflag:s23] =	ssyncadd.s32 $0xFFFFEC00  }
0x26: {  	_ =	swait.ge [sflag:s24], $0x1400  }
0x27: {  	[sflag:s24] =	ssyncset.done $0x0  }
0x28: {  	[sflag:s24] =	ssyncadd.s32 $0xFFFFEC00  }
0x29: {  	[tilespmem:s26], [sflag:$0x1] =	stream.indirect.gather [hbm4b:s9+s25], $0x80, s17, s25, $0xb8;
	[tilespmem:$0x1E080] =	vst v63  }
0x2a: {  	s18 =	simm.s32 $0x13900  }
0x2b: {  	[tilespmem:s28], [sflag:$0x2] =	stream.indirect.gather [hbm4b:s9+s25], $0x80, s18, s25, $0xb8;
	[tilespmem:$0x1E080] =	vst v63  }
0x2c: {  	_ =	swait.ge [sflag:s23], $0x4000  }
0x2d: {  	[sflag:s23] =	ssyncset.done $0x0  }
0x2e: {  	s19 =	simm.s32 $0x14C80;
	[sflag:s23] =	ssyncadd.s32 $0xFFFFC000  }
0x2f: {  	[spmem:s1] =	stream.indirect.scatter.add.f32 [tilespmem:s26], [sflag:$0x3], $0x80, s19, s25, $0xb8;
	[tilespmem:$0x1E080] =	vst v63  }
0x30: {  	_ =	swait.ge [sflag:s29], $0x4000  }
0x31: {  	[sflag:s29] =	ssyncset.done $0x0  }
0x32: {  	s30 =	simm.s32 $0x13980;
	[sflag:s29] =	ssyncadd.s32 $0xFFFFC000  }
0x33: {  	[tilespmem:s26], [sflag:$0x1] =	stream.indirect.gather [hbm4b:s9+s25], $0x80, s30, s25, $0xb8;
	[tilespmem:$0x1E080] =	vst v63  }
0x34: {  	_ =	swait.ge [sflag:s24], $0x4000  }
0x35: {  	[sflag:s24] =	ssyncset.done $0x0  }
0x36: {  	s31 =	simm.s32 $0x14D00;
	[sflag:s24] =	ssyncadd.s32 $0xFFFFC000  }
0x37: {  	[spmem:s1] =	stream.indirect.scatter.add.f32 [tilespmem:s28], [sflag:$0x3], $0x80, s31, s25, $0xb8;
	[tilespmem:$0x1E080] =	vst v63  }
0x38: {  	_ =	swait.ge [sflag:s29], $0x4000  }
0x39: {  	s5 =	simm.s32 $0x100;
	s4 =	simm.s32 $0x800;
	[sflag:s29] =	ssyncset.done $0x0  }
.LBB2_2:
0x3a: {  	s16 =	sadd.s32 $0x13900, s5  }
0x3b: {  	[sflag:s29] =	ssyncadd.s32 $0xFFFFC000;
	s18 =	smov.u32 s4;
	s19 =	sadd.s32 $0x400, s4  }
0x3c: {  	[tilespmem:s28], [sflag:$0x2] =	stream.indirect.gather [hbm4b:s9+s25], $0x80, s16, s25, $0xb8;
	[tilespmem:$0x1E080] =	vst v63  }
0x3d: {  	p1 =	sne.s32 s4, $0x4800;
	_ =	swait.ge [sflag:s23], $0x4000  }
0x3e: {  	[sflag:s23] =	ssyncset.done $0x0  }
0x3f: {  	s4 =	sadd.s32 $0x14C80, s5;
	[sflag:s23] =	ssyncadd.s32 $0xFFFFC000  }
0x40: {  	[spmem:s1] =	stream.indirect.scatter.add.f32 [tilespmem:s26], [sflag:$0x3], $0x80, s4, s25, $0xb8;
	[tilespmem:$0x1E080] =	vst v63  }
0x41: {  	_ =	swait.ge [sflag:s29], $0x4000  }
0x42: {  	[sflag:s29] =	ssyncset.done $0x0  }
0x43: {  	s4 =	sadd.s32 $0x13980, s5;
	[sflag:s29] =	ssyncadd.s32 $0xFFFFC000  }
0x44: {  	[tilespmem:s26], [sflag:$0x1] =	stream.indirect.gather [hbm4b:s9+s25], $0x80, s4, s25, $0xb8;
	[tilespmem:$0x1E080] =	vst v63  }
0x45: {  	_ =	swait.ge [sflag:s24], $0x4000  }
.Ltmp0:
0x46: {  	[sflag:s24] =	ssyncset.done $0x0;
	(pc) =	sbr.rel @p1 .LBB2_2-.Ltmp0, $4  }
0x47: {  	s4 =	sadd.s32 $0x14D00, s5;
	[sflag:s24] =	ssyncadd.s32 $0xFFFFC000  }
0x48: {  	[spmem:s1] =	stream.indirect.scatter.add.f32 [tilespmem:s28], [sflag:$0x3], $0x80, s4, s25, $0xb8;
	[tilespmem:$0x1E080] =	vst v63  }
0x49: {  	_ =	swait.ge [sflag:s29], $0x4000  }
0x4a: {  	s5 =	sshra.s32 s18, $0x2;
	s4 =	smov.u32 s19;
	[sflag:s29] =	ssyncset.done $0x0  }
0x4b: {  	s4 =	sadd.s32 $0x13900, s5;
	[sflag:s29] =	ssyncadd.s32 $0xFFFFC000  }
0x4c: {  	[tilespmem:s28], [sflag:$0x2] =	stream.indirect.gather [hbm4b:s9+s25], $0x80, s4, s25, $0xb8;
	[tilespmem:$0x1E080] =	vst v63  }
0x4d: {  	_ =	swait.ge [sflag:s23], $0x4000  }
0x4e: {  	[sflag:s23] =	ssyncset.done $0x0  }
0x4f: {  	s16 =	sadd.s32 $0x14C80, s5;
	[sflag:s23] =	ssyncadd.s32 $0xFFFFC000  }
0x50: {  	[spmem:s1] =	stream.indirect.scatter.add.f32 [tilespmem:s26], [sflag:$0x3], $0x80, s16, s25, $0xb8;
	[tilespmem:$0x1E080] =	vst v63  }
0x51: {  	_ =	swait.ge [sflag:s29], $0x4000  }
0x52: {  	[sflag:s29] =	ssyncset.done $0x0  }
0x53: {  	s18 =	sadd.s32 $0x13980, s5;
	[sflag:s29] =	ssyncadd.s32 $0xFFFFC000  }
0x54: {  	[tilespmem:s26], [sflag:$0x1] =	stream.indirect.gather [hbm4b:s9+s25], $0x80, s18, s25, $0xb8;
	[tilespmem:$0x1E080] =	vst v63  }
0x55: {  	_ =	swait.ge [sflag:s24], $0x4000  }
0x56: {  	[sflag:s24] =	ssyncset.done $0x0  }
0x57: {  	s19 =	sadd.s32 $0x14D00, s5;
	[sflag:s24] =	ssyncadd.s32 $0xFFFFC000  }
0x58: {  	[spmem:s1] =	stream.indirect.scatter.add.f32 [tilespmem:s28], [sflag:$0x3], $0x80, s19, s25, $0xb8;
	[tilespmem:$0x1E080] =	vst v63  }
0x59: {  	_ =	swait.ge [sflag:s29], $0x4000  }
0x5a: {  	[sflag:s29] =	ssyncset.done $0x0  }
0x5b: {  	s5 =	simm.s32 $0x14C00;
	[sflag:s29] =	ssyncadd.s32 $0xFFFFC000  }
0x5c: {  	[tilespmem:s28], [sflag:$0x2] =	stream.indirect.gather [hbm4b:s9+s25], $0x80, s5, s25, $0xb8;
	[tilespmem:$0x1E080] =	vst v63  }
0x5d: {  	_ =	swait.ge [sflag:s23], $0x4000  }
0x5e: {  	[sflag:s23] =	ssyncset.done $0x0  }
0x5f: {  	s6 =	simm.s32 $0x15F80;
	[sflag:s23] =	ssyncadd.s32 $0xFFFFC000  }
0x60: {  	[spmem:s1] =	stream.indirect.scatter.add.f32 [tilespmem:s26], [sflag:$0x3], $0x80, s6, s25, $0xb8;
	[tilespmem:$0x1E080] =	vst v63  }
0x61: {  	_ =	swait.ge [sflag:s29], $0x4000  }
0x62: {  	[sflag:s29] =	ssyncset.done $0x0  }
0x63: {  	[sflag:s29] =	ssyncadd.s32 $0xFFFFC000  }
0x64: {  	_ =	swait.ge [sflag:s24], $0x4000  }
0x65: {  	[sflag:s24] =	ssyncset.done $0x0  }
0x66: {  	s16 =	simm.s32 $0x16000;
	[sflag:s24] =	ssyncadd.s32 $0xFFFFC000  }
0x67: {  	[spmem:s1] =	stream.indirect.scatter.add.f32 [tilespmem:s28], [sflag:$0x3], $0x80, s16, s25, $0xb8;
	[tilespmem:$0x1E080] =	vst v63  }
0x68: {  	_ =	swait.ge [sflag:s29], $0x4000  }
0x69: {  	s4 =	simm.s32 @p0 $0x0;
	[sflag:s29] =	ssyncset.done $0x0  }
0x6a: {  	s19 =	simm.s32 @p0 $0x3;
	s5 =	simm.s32 @p0 $0x13880;
	[sflag:s29] =	ssyncadd.s32 $0xFFFFC000  }
0x6b: {  	[tilespmem:s5], [sflag:$0x3] =	stream.linear.gather @p0 [hbm4b:s12+s4], $0x500, $0x38;
	[tilespmem:$0x1E080] =	vst v63  }
0x6c: {  	_ =	swait.ge @p0 [sflag:s19], $0x500  }
0x6d: {  	[sflag:s19] =	ssyncset.done @p0 $0x0  }
0x6e: {  	s5 =	simm.s32 @p0 $0x14C80;
	[sflag:s19] =	ssyncadd.s32 @p0 $0xFFFFFB00  }
0x6f: {  	[tilespmem:s5], [sflag:$0x3] =	stream.linear.gather @p0 [hbm4b:s13+s4], $0x500, $0x38;
	[tilespmem:$0x1E080] =	vst v63  }
0x70: {  	_ =	swait.ge @p0 [sflag:s19], $0x500  }
0x71: {  	s30 =	simm.s32 @!p0 $0x3;
	[sflag:s19] =	ssyncset.done @p0 $0x0  }
0x72: {  	s4 =	simm.s32 @!p0 $0x0;
	s5 =	simm.s32 @!p0 $0x13880;
	[sflag:s19] =	ssyncadd.s32 @p0 $0xFFFFFB00  }
0x73: {  	[tilespmem:s5], [sflag:$0x3] =	stream.linear.gather @!p0 [hbm4b:s10+s4], $0x1400, $0x38;
	[tilespmem:$0x1E080] =	vst v63  }
0x74: {  	s31 =	simm.s32 @!p0 $0x28;
	_ =	swait.ge @!p0 [sflag:s30], $0x1400  }
0x75: {  	s31 =	simm.s32 @p0 $0xA;
	[sflag:s30] =	ssyncset.done @!p0 $0x0  }
0x76: {  	s18 =	sshrl.u32 s31, $0x1;
	s5 =	simm.s32 @!p0 $0x14C80;
	[sflag:s30] =	ssyncadd.s32 @!p0 $0xFFFFEC00  }
0x77: {  	[tilespmem:s5], [sflag:$0x3] =	stream.linear.gather @!p0 [hbm4b:s11+s4], $0x1400, $0x38;
	[tilespmem:$0x1E080] =	vst v63  }
0x78: {  	s4 =	sadd.s32 $0xFFFFFFFF, s18  }
0x79: {  	s4 =	sadd.s32 $0xFFFFFFFF, s4  }
0x7a: {  	p2 =	sne.s32 s4, $0x0  }
.Ltmp1:
0x7b: {  	_ = 	snop;
	(pc) =	sbr.rel @!p2 .LBB2_7-.Ltmp1, $4  }
0x7c: {  	_ =	swait.ge @!p0 [sflag:s30], $0x1400  }
0x7d: {  	p1 =	por $0x0, $0x0;
	s16 =	simm.s32 $0x14D00;
	[sflag:s30] =	ssyncset.done @!p0 $0x0  }
0x7e: {  	s18 =	simm.s32 $0x13980;
	s5 =	simm.s32 $0x2;
	[sflag:s30] =	ssyncadd.s32 @!p0 $0xFFFFEC00  }
0x7f: {  	[tilespmem:s26], [sflag:$0x1] =	stream.indirect.gather [hbm4b:s9+s25], $0x80, s17, s25, $0xb8;
	[tilespmem:$0x1E080] =	vst v63  }
0x80: {  	s5 =	simm.s32 $0x13900  }
0x81: {  	[tilespmem:s28], [sflag:$0x2] =	stream.indirect.gather [hbm4b:s9+s25], $0x80, s5, s25, $0xb8;
	[tilespmem:$0x1E080] =	vst v63  }
0x82: {  	_ =	swait.ge [sflag:s23], $0x4000  }
0x83: {  	[sflag:s23] =	ssyncset.done $0x0  }
0x84: {  	s6 =	simm.s32 $0x14C80;
	[sflag:s23] =	ssyncadd.s32 $0xFFFFC000  }
0x85: {  	[spmem:s1] =	stream.indirect.scatter.add.f32 [tilespmem:s26], [sflag:$0x3], $0x80, s6, s25, $0xb8;
	[tilespmem:$0x1E080] =	vst v63  }
0x86: {  	_ =	swait.ge [sflag:s29], $0x4000  }
0x87: {  	p1 =	sle.u32 s31, $0x2;
	s4 =	sadd.s32 $0xFFFFFFFF, s4;
	[sflag:s29] =	ssyncset.done $0x0  }
0x88: {  	s5 =	simm.s32 @!p1 $0x80;
	s6 =	simm.s32 @!p1 $0x16080;
	[sflag:s29] =	ssyncadd.s32 $0xFFFFC000  }
0x89: {  	[tilespmem:s6], [sflag:$0x1] =	stream.indirect.gather @!p1 [hbm4b:s9+s5], $0x80, s18, s5, $0xb8;
	[tilespmem:$0x1E080] =	vst v63  }
0x8a: {  	p2 =	sne.s32 s4, $0x0;
	_ =	swait.ge [sflag:s24], $0x4000  }
.Ltmp2:
0x8b: {  	[sflag:s24] =	ssyncset.done $0x0;
	(pc) =	sbr.rel @!p2 .LBB2_7-.Ltmp2, $4  }
0x8c: {  	[sflag:s24] =	ssyncadd.s32 $0xFFFFC000  }
0x8d: {  	[spmem:s1] =	stream.indirect.scatter.add.f32 [tilespmem:s28], [sflag:$0x3], $0x80, s16, s25, $0xb8;
	[tilespmem:$0x1E080] =	vst v63  }
0x8e: {  	s18 =	simm.s32 $0x13A80;
	s5 =	simm.s32 $0x4;
	_ =	swait.ge [sflag:s29], $0x4000  }
0x8f: {  	p1 =	por $0x1, $0x1;
	s16 =	simm.s32 $0x14E00;
	[sflag:s29] =	ssyncset.done $0x0  }
.LBB2_5:
0x90: {  	s4 =	sadd.s32 $0xFFFFFFFF, s4;
	s0 =	sadd.s32 $0xFFFFFF80, s18;
	[sflag:s29] =	ssyncadd.s32 $0xFFFFC000  }
0x91: {  	[tilespmem:s28], [sflag:$0x2] =	stream.indirect.gather [hbm4b:s9+s25], $0x80, s0, s25, $0xb8;
	[tilespmem:$0x1E080] =	vst v63  }
0x92: {  	p2 =	sne.s32 s4, $0x0;
	_ =	swait.ge [sflag:s23], $0x4000  }
0x93: {  	[sflag:s23] =	ssyncset.done $0x0  }
0x94: {  	s0 =	sadd.s32 $0xFFFFFF80, s16;
	[sflag:s23] =	ssyncadd.s32 $0xFFFFC000  }
0x95: {  	[spmem:s1] =	stream.indirect.scatter.add.f32 [tilespmem:s26], [sflag:$0x3], $0x80, s0, s25, $0xb8;
	[tilespmem:$0x1E080] =	vst v63  }
0x96: {  	_ =	swait.ge [sflag:s29], $0x4000  }
0x97: {  	p3 =	sge.u32 s5, s31;
	[sflag:s29] =	ssyncset.done $0x0  }
0x98: {  	s3 =	simm.s32 @!p3 $0x16080;
	s0 =	simm.s32 @!p3 $0x80;
	[sflag:s29] =	ssyncadd.s32 $0xFFFFC000  }
0x99: {  	[tilespmem:s3], [sflag:$0x1] =	stream.indirect.gather @!p3 [hbm4b:s9+s0], $0x80, s18, s0, $0xb8;
	[tilespmem:$0x1E080] =	vst v63  }
0x9a: {  	_ =	swait.ge [sflag:s24], $0x4000  }
.Ltmp3:
0x9b: {  	[sflag:s24] =	ssyncset.done $0x0;
	(pc) =	sbr.rel @p2 .LBB2_5-.Ltmp3, $4  }
0x9c: {  	s5 =	sadd.s32 $0x2, s5;
	[sflag:s24] =	ssyncadd.s32 $0xFFFFC000  }
0x9d: {  	[spmem:s1] =	stream.indirect.scatter.add.f32 [tilespmem:s28], [sflag:$0x3], $0x80, s16, s25, $0xb8;
	[tilespmem:$0x1E080] =	vst v63  }
0x9e: {  	s0 =	sadd.s32 $0x100, s16;
	s3 =	sadd.s32 $0x100, s18;
	_ =	swait.ge [sflag:s29], $0x4000  }
0x9f: {  	s18 =	smov.u32 s3;
	s16 =	smov.u32 s0;
	[sflag:s29] =	ssyncset.done $0x0  }
0xa0: {  	s18 =	smov.u32 s3;
	s16 =	smov.u32 s0  }
.LBB2_7:
0xa1: {  	s4 =	sadd.s32 $0xFFFFFF80, s18;
	[sflag:s29] =	ssyncadd.s32 @p1 $0xFFFFC000  }
0xa2: {  	[tilespmem:s28], [sflag:$0x2] =	stream.indirect.gather [hbm4b:s9+s25], $0x80, s4, s25, $0xb8;
	[tilespmem:$0x1E080] =	vst v63  }
0xa3: {  	_ =	swait.ge [sflag:s23], $0x4000  }
0xa4: {  	[sflag:s23] =	ssyncset.done $0x0  }
0xa5: {  	s6 =	sadd.s32 $0xFFFFFF80, s16;
	[sflag:s23] =	ssyncadd.s32 $0xFFFFC000  }
0xa6: {  	[spmem:s1] =	stream.indirect.scatter.add.f32 [tilespmem:s26], [sflag:$0x3], $0x80, s6, s25, $0xb8;
	[tilespmem:$0x1E080] =	vst v63  }
0xa7: {  	_ =	swait.ge [sflag:s29], $0x4000  }
0xa8: {  	p1 =	sge.u32 s5, s31;
	[sflag:s29] =	ssyncset.done $0x0  }
0xa9: {  	s4 =	simm.s32 @!p1 $0x80;
	s6 =	simm.s32 @!p1 $0x16080;
	[sflag:s29] =	ssyncadd.s32 $0xFFFFC000  }
0xaa: {  	[tilespmem:s6], [sflag:$0x1] =	stream.indirect.gather @!p1 [hbm4b:s9+s4], $0x80, s18, s4, $0xb8;
	[tilespmem:$0x1E080] =	vst v63  }
0xab: {  	_ =	swait.ge [sflag:s24], $0x4000  }
0xac: {  	[sflag:s24] =	ssyncset.done $0x0  }
0xad: {  	[sflag:s24] =	ssyncadd.s32 $0xFFFFC000  }
0xae: {  	[spmem:s1] =	stream.indirect.scatter.add.f32 [tilespmem:s28], [sflag:$0x3], $0x80, s16, s25, $0xb8;
	[tilespmem:$0x1E080] =	vst v63  }
0xaf: {  	_ =	swait.ge [sflag:s29], $0x4000  }
0xb0: {  	[sflag:s29] =	ssyncset.done $0x0  }
0xb1: {  	s6 =	sadd.s32 $0x80, s3;
	[sflag:s29] =	ssyncadd.s32 $0xFFFFC000  }
0xb2: {  	[tilespmem:s28], [sflag:$0x2] =	stream.indirect.gather [hbm4b:s9+s25], $0x80, s6, s25, $0xb8;
	[tilespmem:$0x1E080] =	vst v63  }
0xb3: {  	_ =	swait.ge [sflag:s23], $0x4000  }
0xb4: {  	[sflag:s23] =	ssyncset.done $0x0  }
0xb5: {  	s6 =	sadd.s32 $0x80, s0;
	[sflag:s23] =	ssyncadd.s32 $0xFFFFC000  }
0xb6: {  	[spmem:s1] =	stream.indirect.scatter.add.f32 [tilespmem:s26], [sflag:$0x3], $0x80, s6, s25, $0xb8;
	[tilespmem:$0x1E080] =	vst v63  }
0xb7: {  	s6 =	sadd.s32 $0x2, s5;
	_ =	swait.ge [sflag:s29], $0x4000  }
0xb8: {  	s5 =	sadd.s32 $0x100, s18;
	p1 =	sge.u32 s6, s31;
	[sflag:s29] =	ssyncset.done $0x0  }
0xb9: {  	s4 =	simm.s32 @!p1 $0x80;
	s6 =	simm.s32 @!p1 $0x16080;
	[sflag:s29] =	ssyncadd.s32 $0xFFFFC000  }
0xba: {  	[tilespmem:s6], [sflag:$0x1] =	stream.indirect.gather @!p1 [hbm4b:s9+s4], $0x80, s5, s4, $0xb8;
	[tilespmem:$0x1E080] =	vst v63  }
0xbb: {  	_ =	swait.ge [sflag:s24], $0x4000  }
0xbc: {  	[sflag:s24] =	ssyncset.done $0x0  }
0xbd: {  	s31 =	sadd.s32 $0x100, s16;
	[sflag:s24] =	ssyncadd.s32 $0xFFFFC000  }
0xbe: {  	[spmem:s1] =	stream.indirect.scatter.add.f32 [tilespmem:s28], [sflag:$0x3], $0x80, s31, s25, $0xb8;
	[tilespmem:$0x1E080] =	vst v63  }
0xbf: {  	_ =	swait.ge [sflag:s29], $0x4000  }
0xc0: {  	[sflag:s29] =	ssyncset.done $0x0  }
0xc1: {  	[sflag:s29] =	ssyncadd.s32 $0xFFFFC000  }
0xc2: {  	s4 =	sadd.s32 @p0 $0x25080, s14;
	s5 =	simm.s32 @p0 $0x1FC3;
	[bflag:$0x0] =	sbarrier.arrive $0xFFFF  }
0xc3: {  	[hbm:s4], [sflag:s5] =	dma.local @p0 [spmem:s20], $0x2080  }
0xc4: {  	s2 =	sadd.s32 $0x1, s2;
	_ =	swait.ge @p0 [sflag:s19], $0x2080  }
0xc5: {  	p1 =	sne.s32 s2, s15;
	[sflag:s19] =	ssyncset.done @p0 $0x0;
	s4 =	rddreg [dreg:$0x4]  }
.Ltmp4:
0xc6: {  	[sflag:s19] =	ssyncadd.s32 @p0 $0xFFFFDF80;
	s4 =	sadd.s32 @!p0 s4, s14;
	(pc) =	sbr.rel @p1 .LBB2_1-.Ltmp4, $4  }
0xc7: {  	[hbm:s4], [sflag:s21] =	dma.local @!p0 [spmem:s22], $0x2780  }
0xc8: {  	_ =	swait.ge @!p0 [sflag:s30], $0x2780  }
0xc9: {  	[sflag:s30] =	ssyncset.done @!p0 $0x0  }
0xca: {  	[sflag:s30] =	ssyncadd.s32 @!p0 $0xFFFFD880  }
0xcb: {  	_ =	sfence.sel $0x180000  }
0xcc: {  	[bflag:$0x0] =	sbarrier.arrive $0xFFFF  }
0xcd: {  	_ =	strace $0x9000004D  }
0xce: {  	s0 =	stileid.u32;
	[bflag:$0x2] =	sbarrier.arrive $0xFFFF  }
0xcf: {  	p0 =	sne.s32 s0, $0x0;
	s0 =	rddreg [dreg:$0x3]  }
0xd0: {  	s0 =	sadd.s32 @!p0 $0x100000, s0  }
0xd1: {  	[sflag:s0] =	ssyncadd.tile.s32 @!p0 $0x1;
	_ =	shalt  }
.Lfunc_end2:
_tile_overlayer_lowered:
.L_overlay_start_2:
0xd2: {  	(tag) =	ssettag $0x2  }
0xd3: {  	s0 =	rddreg [dreg:$0x0];
	s2 =	stileid.u32  }
0xd4: {  	s1 =	rddreg [dreg:$0x1];
	p0 =	sne.s32 s2, $0x0  }
0xd5: {  	s3 =	rddreg [dreg:$0x2];
	[bflag:$0x3] =	sbarrier.arrive $0xFFFF;
	s2 =	simm.s32 @!p0 $0x1C03  }
0xd6: {  	[timem:s3], [sflag:s2] =	dma.local @!p0 [hbm:s0], s1  }
0xd7: {  	s0 =	simm.s32 @!p0 $0x3  }
0xd8: {  	_ =	swait.ge @!p0 [sflag:s0], s1  }
0xd9: {  	s1 =	ssub.s32 @!p0 $0x0, s1;
	[sflag:s0] =	ssyncset.done @!p0 $0x0  }
0xda: {  	[sflag:s0] =	ssyncadd.s32 @!p0 s1  }
0xdb: {  	[bflag:$0x3] =	sbarrier.arrive $0xFFFF  }
0xdc: {  	_ =	shalt  }

// kernel: kernel.8.cloned.1.call-start
scs
__scs_entry_jumppad:
0x0: {  	(pc) =	sbr.rel $0x88, $3  }
0x1: {  	(tag) =	ssettag $0x0;
	lr =	simm.s32 $0x1  }
0x2: {  	[smem:$0x3F9B] =	sst lr;
	_ =	strace $0xD0000000  }
0x3: {  	_ = 	snop  }
0x4: {  	_ = 	snop  }
0x5: {  	_ = 	snop  }
0x6: {  	_ = 	snop  }
0x7: {  	_ = 	snop  }
__scs_overlays_trampoline_lowered:
0x8: {  	[smem:$0x3FAA] =	sst s0  }
0x9: {  	[smem:$0x3FAB] =	sst s1  }
0xa: {  	[smem:$0x3FAC] =	sst s2  }
0xb: {  	[smem:$0x3FAD] =	sst s3  }
0xc: {  	[smem:$0x3FAE] =	sst s4  }
0xd: {  	[smem:$0x3FAF] =	sst s5  }
0xe: {  	[smem:$0x3FB0] =	sst s6  }
0xf: {  	[smem:$0x3FB1] =	sst s7  }
0x10: {  	[smem:$0x3FB2] =	sst s8  }
0x11: {  	[smem:$0x3FB3] =	sst s9;
	s0 =	simm.s32 @!p0 $0x0  }
0x12: {  	s1 =	sld [smem:$0x3F99];
	s0 =	simm.s32 @p0 $0x1  }
0x13: {  	[smem:$0x3FB4] =	sst s0;
	s0 =	simm.s32 @!p1 $0x0  }
0x14: {  	s2 =	sld [smem:$0x3F98];
	s0 =	simm.s32 @p1 $0x1  }
0x15: {  	[smem:$0x3FB5] =	sst s0;
	s0 =	simm.s32 @!p2 $0x0  }
0x16: {  	s3 =	sld [smem:$0x3FDB];
	s0 =	simm.s32 @p2 $0x1  }
0x17: {  	s4 =	simm.s32 $0x1BF5;
	[smem:$0x3FB7] =	sst s0  }
0x18: {  	s0 =	sld [smem:$0x3F9A];
	_ =	swait.ge [sflag:s4], $0x0  }
0x19: {  	s7 =	sld [smem:$0x3F9B]  }
0x1a: {  	s8 =	sadd.s32 $0xFFFFE003, lr  }
0x1b: {  	s9 =	sadd.s32 $0xFFFFFEF7, lr;
	s5 =	simm.s32 $0xFFFFFFFF;
	p2 =	slt.u32 s8, $0xFFFFF086  }
0x1c: {  	p1 =	slt.u32 s9, $0xF7A;
	s5 =	simm.s32 @!p2 $0x0  }
0x1d: {  	s5 =	simm.s32 @p1 $0x1;
	p0 =	seq.s32 s7, s2  }
0x1e: {  	s7 =	smul.u32 @!p0 $0xF7A, s2;
	p2 =	seq.s32 @!p0 s5, $0x0  }
0x1f: {  	s9 =	smul.u32 $0xF7A, s1;
	s8 =	simm.s32 @!p0 $0x1BF5;
	p2 =	por !p2, p0  }
0x20: {  	[sflag:s8] =	ssyncset.s32 @!p0 $0xFFFFF086;
	s6 =	sadd.s32 @!p0 s3, s7;
	s7 =	simm.s32 @!p0 $0x108  }
0x21: {  	s3 =	sadd.s32 s3, s9;
	s6 =	sadd.s32 @!p0 $0x88, s6;
	s7 =	simm.s32 @p2 $0x1082  }
0x22: {  	[simem:s7], [sflag:s8] =	dma.local @!p0 [hbm:s6], $0xF7A  }
0x23: {  	s9 =	sor.u32 $0xD0000000, s2;
	s6 =	simm.s32 $0x108;
	_ =	swait.ge @!p0 [sflag:s8], $0x0  }
0x24: {  	s3 =	sadd.s32 $0x88, s3;
	s6 =	simm.s32 @!p1 $0x1082;
	[sflag:s4] =	ssyncset.s32 $0xFFFFF086  }
0x25: {  	[simem:s6], [sflag:s4] =	dma.local [hbm:s3], $0xF7A  }
0x26: {  	[smem:$0x3F9B] =	sst s1;
	(tag) =	ssettag s2;
	_ =	strace s9  }
0x27: {  	s1 =	sld [smem:$0x3FAB]  }
0x28: {  	s2 =	sld [smem:$0x3FAC]  }
0x29: {  	s4 =	sld [smem:$0x3FAE]  }
0x2a: {  	p0 =	seq.s32 s5, $0x0;
	s5 =	sld [smem:$0x3FAF]  }
0x2b: {  	s6 =	sld [smem:$0x3FB0]  }
0x2c: {  	s7 =	sld [smem:$0x3FB1]  }
0x2d: {  	s3 =	simm.s32 $0x108;
	s8 =	sld [smem:$0x3FB2]  }
0x2e: {  	s3 =	simm.s32 @!p0 $0x1082;
	s9 =	sld [smem:$0x3FB3]  }
0x2f: {  	lr =	sadd.s32 s0, s3;
	s0 =	sld [smem:$0x3FAA]  }
0x30: {  	s3 =	sld [smem:$0x3FAD]  }
0x31: {  	[smem:$0x3FB6] =	sst s10  }
0x32: {  	s10 =	sld [smem:$0x3FB4];
	_ =	sdelay $0x3  }
0x33: {  	p0 =	seq.s32 s10, $0x1;
	s10 =	sld [smem:$0x3FB6];
	_ =	sdelay $0x3  }
0x34: {  	[smem:$0x3FB6] =	sst s10  }
0x35: {  	s10 =	sld [smem:$0x3FB5];
	_ =	sdelay $0x3  }
0x36: {  	p1 =	seq.s32 s10, $0x1;
	s10 =	sld [smem:$0x3FB6];
	_ =	sdelay $0x3  }
0x37: {  	[smem:$0x3FB6] =	sst s10  }
0x38: {  	s10 =	sld [smem:$0x3FB7]  }
0x39: {  	_ = 	snop;
	(pc) =	sbr.ind lr, $3  }
0x3a: {  	_ = 	snop  }
0x3b: {  	_ = 	snop  }
0x3c: {  	p2 =	seq.s32 s10, $0x1;
	s10 =	sld [smem:$0x3FB6]  }
0x3d: {  	_ =	shalt  }
0x3e: {  	_ =	shalt  }
0x3f: {  	_ =	shalt  }
0x40: {  	_ =	shalt  }
0x41: {  	_ =	shalt  }
0x42: {  	_ =	shalt  }
0x43: {  	_ =	shalt  }
0x44: {  	_ =	shalt  }
0x45: {  	_ =	shalt  }
0x46: {  	_ =	shalt  }
0x47: {  	_ =	shalt  }
0x48: {  	_ =	shalt  }
0x49: {  	_ =	shalt  }
0x4a: {  	_ =	shalt  }
0x4b: {  	_ =	shalt  }
0x4c: {  	_ =	shalt  }
0x4d: {  	_ =	shalt  }
0x4e: {  	_ =	shalt  }
0x4f: {  	_ =	shalt  }
0x50: {  	_ =	shalt  }
0x51: {  	_ =	shalt  }
0x52: {  	_ =	shalt  }
0x53: {  	_ =	shalt  }
0x54: {  	_ =	shalt  }
0x55: {  	_ =	shalt  }
0x56: {  	_ =	shalt  }
0x57: {  	_ =	shalt  }
0x58: {  	_ =	shalt  }
0x59: {  	_ =	shalt  }
0x5a: {  	_ =	shalt  }
0x5b: {  	_ =	shalt  }
0x5c: {  	_ =	shalt  }
0x5d: {  	_ =	shalt  }
0x5e: {  	_ =	shalt  }
0x5f: {  	_ =	shalt  }
0x60: {  	_ =	shalt  }
0x61: {  	_ =	shalt  }
0x62: {  	_ =	shalt  }
0x63: {  	_ =	shalt  }
0x64: {  	_ =	shalt  }
0x65: {  	_ =	shalt  }
0x66: {  	_ =	shalt  }
0x67: {  	_ =	shalt  }
0x68: {  	_ =	shalt  }
0x69: {  	_ =	shalt  }
0x6a: {  	_ =	shalt  }
0x6b: {  	_ =	shalt  }
0x6c: {  	_ =	shalt  }
0x6d: {  	_ =	shalt  }
0x6e: {  	_ =	shalt  }
0x6f: {  	_ =	shalt  }
0x70: {  	_ =	shalt  }
0x71: {  	_ =	shalt  }
0x72: {  	_ =	shalt  }
0x73: {  	_ =	shalt  }
0x74: {  	_ =	shalt  }
0x75: {  	_ =	shalt  }
0x76: {  	_ =	shalt  }
0x77: {  	_ =	shalt  }
0x78: {  	_ =	shalt  }
0x79: {  	_ =	shalt  }
0x7a: {  	_ =	shalt  }
0x7b: {  	_ =	shalt  }
0x7c: {  	_ =	shalt  }
0x7d: {  	_ =	shalt  }
0x7e: {  	_ =	shalt  }
0x7f: {  	_ =	shalt  }
0x80: {  	_ =	shalt  }
0x81: {  	_ =	shalt  }
0x82: {  	_ =	shalt  }
0x83: {  	_ =	shalt  }
0x84: {  	_ =	shalt  }
0x85: {  	_ =	shalt  }
0x86: {  	_ =	shalt  }
0x87: {  	_ =	shalt  }
.Lfunc_end0:
.L_simem_size_0:
called_computation_lowered:
.L_overlay_start_0:
0x88: {  	s2 =	sld [smem:$0x3FD9]  }
0x89: {  	s3 =	sld [smem:$0x3FFE];
	_ =	sdelay $0x1  }
0x8a: {  	s1 =	srdreg.scid  }
0x8b: {  	s0 =	sand.u32 $0x1, s1  }
0x8c: {  	s17 =	sshll.u32 s0, $0xA;
	s2 =	sadd.s32 s3, s2  }
0x8d: {  	s2 =	sadd.s32 s2, s17  }
0x8e: {  	[smem:$0x3FC2] =	sst s2  }
0x8f: {  	_ = 	snop  }
0x90: {  	s2 =	sld [smem:$0x3FD0];
	(tm) =	ssettm $0x1  }
0x91: {  	s18 =	sld [smem:$0x3FFB];
	_ =	sdelay $0x3  }
0x92: {  	_ =	strace s18  }
0x93: {  	s3 =	sld [smem:$0x3FFC];
	_ =	sdelay $0x3  }
0x94: {  	_ =	strace s3  }
0x95: {  	s3 =	sld [smem:$0x3FFD];
	_ =	sdelay $0x3  }
0x96: {  	_ =	strace s3  }
0x97: {  	_ =	strace $0x8FFFFFFF  }
0x98: {  	s19 =	sld [smem:$0x3FDB];
	_ =	sdelay $0x1  }
0x99: {  	s4 =	simm.s32 $_scs_section_size  }
0x9a: {  	s5 =	simm.s32 $_size__tile_overlayer_lowered;
	s6 =	simm.s32 $_tile_overlayer_lowered  }
0x9b: {  	s22 =	simm.s32 $0x1BFF;
	s21 =	sshll.u32 s6, $0x1;
	s3 =	sadd.s32 s4, s19  }
0x9c: {  	s7 =	simm.s32 $0x0;
	s20 =	sshll.u32 s5, $0x1;
	s5 =	sadd.s32 s21, s3  }
0x9d: {  	[timem:s7], [sflag:s22] =	dma.local [hbm:s5], s20  }
0x9e: {  	_ =	swait.ge [sflag:s22], s20  }
0x9f: {  	s4 =	ssub.s32 $0x0, s20;
	[sflag:s22] =	ssyncset.done $0x0  }
0xa0: {  	[sflag:s22] =	ssyncadd.s32 s4;
	_ =	sdelay $0x1  }
0xa1: {  	s23 =	simm.s32 $0x1B8B  }
0xa2: {  	_ =	swait.ge [sflag:s23], $0x1  }
0xa3: {  	[sflag:s23] =	ssyncset.done $0x0  }
0xa4: {  	s25 =	simm.s32 $0x1B8E;
	s24 =	sld [smem:$0x3FFE];
	[sflag:s23] =	ssyncadd.s32 $0xFFFFFFFF  }
0xa5: {  	s26 =	simm.s32 $execute0_lowered;
	[smem:$0x3FD2] =	sst s25  }
0xa6: {  	s5 =	sshll.u32 s26, $0x1;
	_ =	strace $0x80000046;
	[dreg:$0x1] =	wrdreg $0xFFFFFFFF  }
0xa7: {  	s28 =	simm.s32 $_size_execute0_lowered;
	s3 =	sadd.s32 s3, s5;
	[dreg:$0x0] =	wrdreg $0x0  }
0xa8: {  	s5 =	sshll.u32 s28, $0x1;
	[dreg:$0x2] =	wrdreg s3  }
0xa9: {  	[dreg:$0x3] =	wrdreg s5  }
0xaa: {  	[dreg:$0x4] =	wrdreg $0xC0  }
0xab: {  	_ =	task [dreg:s7], $0x5FFFF  }
0xac: {  	[dreg:$0x1] =	wrdreg $0xFFFFFFFF  }
0xad: {  	[dreg:$0x0] =	wrdreg $0x60  }
0xae: {  	[dreg:$0x2] =	wrdreg s24  }
0xaf: {  	[dreg:$0x3] =	wrdreg s2  }
0xb0: {  	[dreg:$0x4] =	wrdreg $0x0  }
0xb1: {  	[dreg:$0x5] =	wrdreg $0x9  }
0xb2: {  	_ =	task.clear_ibuf [dreg:s7], $0x6FFFF;
	_ =	strace $0x90000046  }
0xb3: {  	s29 =	simm.s32 $0x9;
	_ =	strace $0x80000048  }
0xb4: {  	_ =	swait.ge [sflag:s29], $0x1  }
0xb5: {  	[sflag:s29] =	ssyncadd.s32 $0xFFFFFFFF  }
0xb6: {  	_ =	strace $0x90000048  }
0xb7: {  	_ =	sfence  }
0xb8: {  	s30 =	sld [smem:$0x0];
	_ =	sdelay $0x2  }
0xb9: {  	s31 =	sshll.u32 s1, $0xD;
	s1 =	sshrl.u32 s1, $0x2  }
0xba: {  	s3 =	sand.u32 $0x4000, s31;
	s1 =	sadd.s32 s1, s30  }
0xbb: {  	s0 =	sor.u32 s3, s0;
	s1 =	sshll.u32 s1, $0x11  }
0xbc: {  	s0 =	sor.u32 s1, s0  }
0xbd: {  	s0 =	sadd.s32 $0x8F2B, s0  }
0xbe: {  	[sflag:s0] =	ssyncadd.remote.s32 $0x1  }
0xbf: {  	_ =	sfence.sel $0xFFFF  }
0xc0: {  	[dreg:$0x0] =	wrdreg $0xFFFFFFFF;
	(pc) =	sbr.abs _section_cstart, $3  }
0xc1: {  	[dreg:$0x1] =	wrdreg $0xFFFFFFFF  }
0xc2: {  	_ =	task.clear_ibuf [dreg:s7], $0x2FFFF;
	_ =	strace $0x9FFFFFFF  }
0xc3: {  	(tm) =	ssettm $0x7FFFFFFF  }
tec
execute0_lowered:
.L_overlay_start_1:
0x0: {  	(tag) =	ssettag $0x1  }
0x1: {  	s6 =	rddreg [dreg:$0x0]  }
0x2: {  	s0 =	srdreg.scid;
	s7 =	rddreg [dreg:$0x1]  }
0x3: {  	s1 =	rddreg [dreg:$0x2];
	s8 =	stileid.u32;
	s2 =	simm.s32 $0x0  }
0x4: {  	s12 =	simm.s32 $0x1;
	s3 =	sand.u32 $0x1, s0;
	s0 =	rddreg [dreg:$0x3]  }
0x5: {  	[smem:$0x7FF] =	sst s2;
	p0 =	sne.s32 s8, $0x0;
	s9 =	sshll.u32 s3, $0x4  }
0x6: {  	s10 =	ssub.s32 $0x2, s3;
	_ =	strace $0x80000047;
	s4 =	sor.u32 s8, s9  }
0x7: {  	s3 =	sadd.s32 $0xB200, s6;
	s11 =	sshrl.u32 s10, $0x1;
	s5 =	smul.u32 $0x280, s4  }
0x8: {  	s7 =	sadd.s32 s7, s9;
	s9 =	sshrl.u32 @!p0 s1, $0x3;
	s10 =	ssub.s32 s10, s11  }
0x9: {  	p1 =	seq.s32 s4, $0x1F;
	s11 =	simm.s32 $0x278;
	s5 =	sadd.s32 s5, s6  }
0xa: {  	s8 =	smax.u32 s10, $0x1;
	s4 =	sadd.s32 $0x6200, s5;
	s5 =	simm.s32 $0xA  }
0xb: {  	v0 =	vimm.f32 $1.000000000e+00;
	s10 =	simm.s32 $0x80;
	s6 =	sadd.s32 $0xAF80, s6;
	s5 =	simm.s32 @!p1 $0x28  }
.LBB2_1:
0xc: {  	s13 =	simm.s32 @p1 $0x0;
	s14 =	simm.s32 @p1 $0x2F8  }
0xd: {  	[tilespmem:s14], [sflag:$0x1] =	stream.linear.gather @p1 [hbm4b:s6+s13], $0x500, $0x38;
	[tilespmem:$0x16F8] =	vst v63  }
0xe: {  	s13 =	simm.s32 @!p1 $0x0;
	s14 =	simm.s32 @!p1 $0x2F8  }
0xf: {  	[tilespmem:s14], [sflag:$0x1] =	stream.linear.gather @!p1 [hbm4b:s4+s13], $0x1400, $0x38;
	[tilespmem:$0x16F8] =	vst v63  }
0x10: {  	s13 =	simm.s32 @!p0 $0x1C02  }
0x11: {  	[spmem:s9], [sflag:s13] =	dma.local @!p0 [hbm:s3], $0x4F0  }
0x12: {  	s13 =	simm.s32 @!p0 $0x2  }
0x13: {  	_ =	swait.ge @!p0 [sflag:s13], $0x4F0  }
0x14: {  	[sflag:s13] =	ssyncset.done @!p0 $0x0  }
0x15: {  	[sflag:s13] =	ssyncadd.s32 @!p0 $0xFFFFFB10  }
0x16: {  	[tilespmem:$0x278] =	vst v0  }
0x17: {  	[tilespmem:$0x288] =	vst v0  }
0x18: {  	[tilespmem:$0x298] =	vst v0  }
0x19: {  	[tilespmem:$0x2A8] =	vst v0  }
0x1a: {  	[tilespmem:$0x2B8] =	vst v0  }
0x1b: {  	[tilespmem:$0x2C8] =	vst v0  }
0x1c: {  	[tilespmem:$0x2D8] =	vst v0  }
0x1d: {  	[tilespmem:$0x2E8] =	vst v0  }
0x1e: {  	s13 =	simm.s32 @p1 $0x1;
	[bflag:$0x0] =	sbarrier.arrive $0xFFFF  }
0x1f: {  	_ =	swait.ge @p1 [sflag:s13], $0x500  }
0x20: {  	p2 =	sne.s32 s5, $0x1;
	[sflag:s13] =	ssyncset.done @p1 $0x0  }
.Ltmp0:
0x21: {  	[sflag:s13] =	ssyncadd.s32 @p1 $0xFFFFFB00;
	s13 =	simm.s32 @!p1 $0x1;
	(pc) =	sbr.rel @!p2 .LBB2_3-.Ltmp0, $4  }
0x22: {  	_ =	swait.ge @!p1 [sflag:s13], $0x1400  }
0x23: {  	[sflag:s13] =	ssyncset.done @!p1 $0x0  }
0x24: {  	s14 =	sadd.s32 $0xFFFFFFFF, s5;
	[sflag:s13] =	ssyncadd.s32 @!p1 $0xFFFFEC00;
	s13 =	simm.s32 $0x2F8  }
0x25: {  	[spmem:s1] =	stream.indirect.scatter.add.f32 [tilespmem:s11], [sflag:$0x1], $0x1, s13, s10, $0xb8;
	[tilespmem:$0x16F8] =	vst v63  }
.LBB2_2:
0x26: {  	p3 =	sne.s32 s14, $0x1  }
.Ltmp1:
0x27: {  	_ = 	snop;
	(pc) =	sbr.rel @p3 .LBB2_2-.Ltmp1, $3  }
0x28: {  	_ = 	snop  }
0x29: {  	s14 =	sadd.s32 $0xFFFFFFFF, s14;
	s13 =	sadd.s32 $0x80, s13;
	_ =	sdelay $0x1  }
0x2a: {  	[spmem:s1] =	stream.indirect.scatter.add.f32 [tilespmem:s11], [sflag:$0x1], $0x1, s13, s10, $0xb8;
	[tilespmem:$0x16F8] =	vst v63  }
.LBB2_3:
.Ltmp2:
0x2b: {  	(pc) =	sbr.rel @!p2 .LBB2_5-.Ltmp2, $3  }
0x2c: {  	_ =	sdelay $0x1  }
0x2d: {  	_ =	swait.ge [sflag:s12], $0x80  }
0x2e: {  	s13 =	sadd.s32 $0xFFFFFFFF, s5;
	[sflag:s12] =	ssyncset.done $0x0  }
.LBB2_4:
0x2f: {  	p2 =	sne.s32 s13, $0x1;
	s13 =	sadd.s32 $0xFFFFFFFF, s13;
	[sflag:s12] =	ssyncadd.s32 $0xFFFFFF80  }
.Ltmp3:
0x30: {  	(pc) =	sbr.rel @p2 .LBB2_4-.Ltmp3, $3  }
0x31: {  	_ =	sdelay $0x1  }
0x32: {  	_ =	swait.ge [sflag:s12], $0x80  }
0x33: {  	[sflag:s12] =	ssyncset.done $0x0  }
.LBB2_5:
0x34: {  	[sflag:s12] =	ssyncadd.s32 $0xFFFFFF80;
	s13 =	simm.s32 @!p0 $0x1  }
0x35: {  	s14 =	simm.s32 @!p0 $0x20;
	s15 =	simm.s32 @!p0 $0x10;
	s2 =	sadd.s32 $0x1, s2  }
0x36: {  	s16 =	simm.s32 @!p0 $0x1C02;
	[bflag:$0x0] =	sbarrier.arrive $0xFFFF;
	p2 =	sne.s32 s2, s8  }
0x37: {  	[hbm:s7@s14], [sflag:s16] =	dma.strided @!p0 [spmem:s9@s15], $0x4F0, s13, $0x10   }
.Ltmp4:
0x38: {  	_ = 	snop;
	(pc) =	sbr.rel @p2 .LBB2_1-.Ltmp4, $4  }
0x39: {  	s13 =	simm.s32 @!p0 $0x2  }
0x3a: {  	_ =	swait.ge @!p0 [sflag:s13], $0x4F0  }
0x3b: {  	[sflag:s13] =	ssyncset.done @!p0 $0x0  }
0x3c: {  	[sflag:s13] =	ssyncadd.s32 @!p0 $0xFFFFFB10  }
0x3d: {  	_ =	sfence.sel $0x180000  }
0x3e: {  	[bflag:$0x0] =	sbarrier.arrive $0xFFFF  }
0x3f: {  	_ =	strace $0x90000047  }
0x40: {  	s0 =	sadd.s32 @!p0 $0x100000, s0;
	[bflag:$0x2] =	sbarrier.arrive $0xFFFF  }
0x41: {  	[sflag:s0] =	ssyncadd.tile.s32 @!p0 $0x1;
	_ =	shalt  }
.Lfunc_end2:
_tile_overlayer_lowered:
.L_overlay_start_2:
0x42: {  	(tag) =	ssettag $0x2  }
0x43: {  	s0 =	rddreg [dreg:$0x0];
	s2 =	stileid.u32  }
0x44: {  	s1 =	rddreg [dreg:$0x1];
	p0 =	sne.s32 s2, $0x0  }
0x45: {  	s3 =	rddreg [dreg:$0x2];
	[bflag:$0x3] =	sbarrier.arrive $0xFFFF;
	s2 =	simm.s32 @!p0 $0x1C02  }
0x46: {  	[timem:s3], [sflag:s2] =	dma.local @!p0 [hbm:s0], s1  }
0x47: {  	s0 =	simm.s32 @!p0 $0x2  }
0x48: {  	_ =	swait.ge @!p0 [sflag:s0], s1  }
0x49: {  	s1 =	ssub.s32 @!p0 $0x0, s1;
	[sflag:s0] =	ssyncset.done @!p0 $0x0  }
0x4a: {  	[sflag:s0] =	ssyncadd.s32 @!p0 s1  }
0x4b: {  	[bflag:$0x3] =	sbarrier.arrive $0xFFFF  }
0x4c: {  	_ =	shalt  }

</sc_bundles>
